<compile_context>
chip_gen: v7x
topology: tpu7x:2x2x1
jax: 0.10.2.dev20260603
libtpu: 0.0.44.dev20260713+nightly
codegen_flags: <defaults>
</compile_context>

<pallas_src>
import functools

import jax
import jax.numpy as jnp
from jax import lax
from jax.experimental import pallas as pl
from jax.experimental.pallas import tpu as pltpu
from jax.experimental.pallas import tpu_sc as plsc

H = 4
BQ = 256
BK = 256
BR = 512
SC_CHUNK = 128
SENTINEL = 0x3FFFFFFF


def _dotT(a, w):
    return lax.dot_general(a, w, (((1,), (1,)), ((), ())),
                           preferred_element_type=jnp.float32)



def _sc_scatter_partials(x_p, edges_p):
    NPAD, C = x_p.shape
    NCH_ALL = edges_p.shape[0]
    info = plsc.get_sparse_core_info()
    NC, NS = info.num_cores, info.num_subcores
    per_tile_pair = NCH_ALL // NS
    nch0 = max(2, (int(per_tile_pair * 0.95) // 2) * 2)
    nch1 = per_tile_pair - nch0
    rpt = NPAD // NS
    nz = rpt // SC_CHUNK

    mesh = plsc.VectorSubcoreMesh(core_axis_name="c", subcore_axis_name="s")

    @functools.partial(
        pl.kernel,
        out_type=jax.ShapeDtypeStruct((NC * NPAD, C), jnp.float32),
        mesh=mesh,
        scratch_types=[
            pltpu.VMEM((2, SC_CHUNK), jnp.int32),
            pltpu.VMEM((2, SC_CHUNK), jnp.int32),
            pltpu.VMEM((SC_CHUNK, C), jnp.float32),
            pltpu.VMEM((SC_CHUNK, C), jnp.float32),
            pltpu.VMEM_SHARED((NPAD, C), jnp.float32),
            pltpu.SemaphoreType.DMA,
            pltpu.SemaphoreType.DMA,
        ],
    )
    def sck(x_hbm, e_hbm, out_hbm, ib0, ib1, buf0, buf1, acc, sem0, sem1):
        c = lax.axis_index("c")
        s = lax.axis_index("s")
        nch = jnp.where(c == 0, nch0, nch1)
        base = jnp.where(c == 0, s * nch0, NS * nch0 + s * nch1)
        z16 = jnp.zeros((16,), jnp.float32)

        def zrow(i, carry):
            for j in range(C // 16):
                buf0[i, pl.ds(j * 16, 16)] = z16
            return carry

        lax.fori_loop(0, SC_CHUNK, zrow, 0)
        for z in range(nz):
            pltpu.sync_copy(
                buf0, acc.at[pl.ds(s * rpt + z * SC_CHUNK, SC_CHUNK)])
        plsc.subcore_barrier()

        pltpu.sync_copy(e_hbm.at[base], ib0)
        pltpu.async_copy(x_hbm.at[ib0.at[0]], buf0, sem0)
        pltpu.sync_copy(e_hbm.at[base + 1], ib1)

        def pair(j, carry):
            g = j * 2
            pltpu.async_copy(x_hbm.at[ib1.at[0]], buf1, sem1)
            pltpu.make_async_copy(x_hbm.at[ib0.at[0]], buf0, sem0).wait()
            pltpu.sync_copy(buf0, acc.at[ib0.at[1]], add=True)

            @pl.when(g + 2 < nch)
            def _():
                pltpu.sync_copy(e_hbm.at[base + g + 2], ib0)
                pltpu.async_copy(x_hbm.at[ib0.at[0]], buf0, sem0)

            pltpu.make_async_copy(x_hbm.at[ib1.at[0]], buf1, sem1).wait()
            pltpu.sync_copy(buf1, acc.at[ib1.at[1]], add=True)

            @pl.when(g + 3 < nch)
            def _():
                pltpu.sync_copy(e_hbm.at[base + g + 3], ib1)

            return carry

        lax.fori_loop(0, nch // 2, pair, 0)
        plsc.subcore_barrier()
        pltpu.sync_copy(acc.at[pl.ds(s * rpt, rpt)],
                        out_hbm.at[pl.ds(c * NPAD + s * rpt, rpt)])

    return sck(x_p, edges_p).reshape(NC, NPAD, C)



def _tck_qkv(x_p, Wq, bq):
    NPAD, C = x_p.shape

    def body(x_ref, wq_ref, bq_ref, qkv_ref):
        qkv_ref[...] = _dotT(x_ref[...], wq_ref[...]) + bq_ref[...]

    full = lambda r: (0, 0)
    return pl.pallas_call(
        body,
        grid=(NPAD // BR,),
        in_specs=[
            pl.BlockSpec((BR, C), lambda r: (r, 0)),
            pl.BlockSpec((3 * C, C), full),
            pl.BlockSpec((1, 3 * C), full),
        ],
        out_specs=pl.BlockSpec((BR, 3 * C), lambda r: (r, 0)),
        out_shape=jax.ShapeDtypeStruct((NPAD, 3 * C), jnp.float32),
    )(x_p, Wq, bq)


def _tck_gin(x_p, agg, mask_col, W1l, b1l, W2l, b2l):
    NPAD, C = x_p.shape

    def body(x_ref, agg_ref, m_ref, w1_ref, b1_ref, w2_ref, b2_ref,
             hpre_ref, s1_ref):
        r = pl.program_id(0)
        xb = x_ref[...]
        hin = agg_ref[0] + agg_ref[1] + xb
        t = jnp.maximum(_dotT(hin, w1_ref[...]) + b1_ref[...], 0.0)
        h = _dotT(t, w2_ref[...]) + b2_ref[...] + xb
        hpre_ref[...] = h
        hm = h * m_ref[...]
        part = jnp.concatenate(
            [jnp.sum(hm, 0, keepdims=True),
             jnp.sum(h * hm, 0, keepdims=True),
             jnp.zeros((6, C), jnp.float32)], axis=0)

        @pl.when(r == 0)
        def _():
            s1_ref[...] = jnp.zeros_like(s1_ref)

        s1_ref[...] += part

    grid = (NPAD // BR,)
    full = lambda r: (0, 0)
    return pl.pallas_call(
        body,
        grid=grid,
        in_specs=[
            pl.BlockSpec((BR, C), lambda r: (r, 0)),
            pl.BlockSpec((2, BR, C), lambda r: (0, r, 0)),
            pl.BlockSpec((BR, 1), lambda r: (r, 0)),
            pl.BlockSpec((C, C), full),
            pl.BlockSpec((1, C), full),
            pl.BlockSpec((C, C), full),
            pl.BlockSpec((1, C), full),
        ],
        out_specs=[
            pl.BlockSpec((BR, C), lambda r: (r, 0)),
            pl.BlockSpec((8, C), full),
        ],
        out_shape=[
            jax.ShapeDtypeStruct((NPAD, C), jnp.float32),
            jax.ShapeDtypeStruct((8, C), jnp.float32),
        ],
    )(x_p, agg, mask_col, W1l, b1l, W2l, b2l)



def _tck_attn(kr, q_a, k_a, v_a, bcol, btile, x_p, mask_col, Wo, bo):
    NPAD, C = q_a.shape
    NKB = NPAD // BK
    dh = C // H
    scale = 1.0 / (dh ** 0.5)

    def body(kr_ref, q_ref, k_ref, v_ref, bq_ref, bt_ref, x_ref, m_ref,
             wo_ref, bo_ref, h2_ref, s2_ref):
        qb = pl.program_id(0)
        t0 = kr_ref[0, qb]
        t1 = kr_ref[1, qb]
        q = q_ref[...] * scale
        bq = bq_ref[...]
        lane = lax.broadcasted_iota(jnp.int32, (1, C), 1)
        hmask = [(lane // dh == hh).astype(jnp.float32) for hh in range(H)]

        def step(t, carry):
            ms, ls, acc = carry
            off = pl.multiple_of(t * BK, BK)
            kt = k_ref[pl.ds(off, BK), :]
            vt = v_ref[pl.ds(off, BK), :]
            bk = bt_ref[pl.ds(t, 1)].reshape(1, BK)
            valid = bq == bk
            ms2, ls2, pv, af = [], [], None, None
            for hh in range(H):
                logits = lax.dot_general(
                    q, kt * hmask[hh], (((1,), (1,)), ((), ())),
                    preferred_element_type=jnp.float32)
                logits = jnp.where(valid, logits, -1e30)
                mn = jnp.maximum(ms[hh],
                                 jnp.max(logits, axis=1, keepdims=True))
                p = jnp.exp(logits - mn)
                alpha = jnp.exp(ms[hh] - mn)
                ms2.append(mn)
                ls2.append(ls[hh] * alpha + jnp.sum(p, axis=1, keepdims=True))
                pvh = lax.dot_general(p, vt * hmask[hh],
                                      (((1,), (0,)), ((), ())),
                                      preferred_element_type=jnp.float32)
                pv = pvh if pv is None else pv + pvh
                a = alpha * hmask[hh]
                af = a if af is None else af + a
            return tuple(ms2), tuple(ls2), acc * af + pv

        m0 = tuple(jnp.full((BQ, 1), -1e30, jnp.float32) for _ in range(H))
        l0 = tuple(jnp.zeros((BQ, 1), jnp.float32) for _ in range(H))
        a0 = jnp.zeros((BQ, C), jnp.float32)
        ms, ls, acc = lax.fori_loop(t0, t1, step, (m0, l0, a0))
        linv = sum((1.0 / jnp.maximum(ls[hh], 1e-30)) * hmask[hh]
                   for hh in range(H))
        o = acc * linv
        h2 = _dotT(o, wo_ref[...]) + bo_ref[...] + x_ref[...]
        h2_ref[...] = h2
        hm = h2 * m_ref[...]
        part = jnp.concatenate(
            [jnp.sum(hm, 0, keepdims=True),
             jnp.sum(h2 * hm, 0, keepdims=True),
             jnp.zeros((6, C), jnp.float32)], axis=0)

        @pl.when(qb == 0)
        def _():
            s2_ref[...] = jnp.zeros_like(s2_ref)

        s2_ref[...] += part

    grid = (NPAD // BQ,)
    full = lambda qb: (0, 0)
    return pl.pallas_call(
        body,
        grid=grid,
        in_specs=[
            pl.BlockSpec(memory_space=pltpu.SMEM),
            pl.BlockSpec((BQ, C), lambda qb: (qb, 0)),
            pl.BlockSpec((NPAD, C), full),
            pl.BlockSpec((NPAD, C), full),
            pl.BlockSpec((BQ, 1), lambda qb: (qb, 0)),
            pl.BlockSpec((NKB, 1, BK), lambda qb: (0, 0, 0)),
            pl.BlockSpec((BQ, C), lambda qb: (qb, 0)),
            pl.BlockSpec((BQ, 1), lambda qb: (qb, 0)),
            pl.BlockSpec((C, C), full),
            pl.BlockSpec((1, C), full),
        ],
        out_specs=[
            pl.BlockSpec((BQ, C), lambda qb: (qb, 0)),
            pl.BlockSpec((8, C), full),
        ],
        out_shape=[
            jax.ShapeDtypeStruct((NPAD, C), jnp.float32),
            jax.ShapeDtypeStruct((8, C), jnp.float32),
        ],
    )(kr, q_a, k_a, v_a, bcol, btile, x_p, mask_col, Wo, bo)



def _tck_ffn(hpre, h2pre, mask_col, A1, B1, A2, B2, M1l, mb1l, M2l, mb2l):
    NPAD, C = hpre.shape

    def body(h_ref, h2_ref, m_ref, a1_ref, b1_ref, a2_ref, b2_ref,
             m1_ref, mb1_ref, m2_ref, mb2_ref, y_ref, s3_ref):
        r = pl.program_id(0)
        h1 = h_ref[...] * a1_ref[...] + b1_ref[...]
        h2 = h2_ref[...] * a2_ref[...] + b2_ref[...]
        out = h1 + h2
        t = jnp.maximum(_dotT(out, m1_ref[...]) + mb1_ref[...], 0.0)
        y = _dotT(t, m2_ref[...]) + mb2_ref[...] + out
        y_ref[...] = y
        ym = y * m_ref[...]
        part = jnp.concatenate(
            [jnp.sum(ym, 0, keepdims=True),
             jnp.sum(y * ym, 0, keepdims=True),
             jnp.zeros((6, C), jnp.float32)], axis=0)

        @pl.when(r == 0)
        def _():
            s3_ref[...] = jnp.zeros_like(s3_ref)

        s3_ref[...] += part

    grid = (NPAD // BR,)
    full = lambda r: (0, 0)
    return pl.pallas_call(
        body,
        grid=grid,
        in_specs=[
            pl.BlockSpec((BR, C), lambda r: (r, 0)),
            pl.BlockSpec((BR, C), lambda r: (r, 0)),
            pl.BlockSpec((BR, 1), lambda r: (r, 0)),
            pl.BlockSpec((1, C), full),
            pl.BlockSpec((1, C), full),
            pl.BlockSpec((1, C), full),
            pl.BlockSpec((1, C), full),
            pl.BlockSpec((2 * C, C), full),
            pl.BlockSpec((1, 2 * C), full),
            pl.BlockSpec((C, 2 * C), full),
            pl.BlockSpec((1, C), full),
        ],
        out_specs=[
            pl.BlockSpec((BR, C), lambda r: (r, 0)),
            pl.BlockSpec((8, C), full),
        ],
        out_shape=[
            jax.ShapeDtypeStruct((NPAD, C), jnp.float32),
            jax.ShapeDtypeStruct((8, C), jnp.float32),
        ],
    )(hpre, h2pre, mask_col, A1, B1, A2, B2, M1l, mb1l, M2l, mb2l)



def _tck_bn_apply(y, A3, B3):
    NPAD, C = y.shape

    def body(y_ref, a_ref, b_ref, o_ref):
        o_ref[...] = y_ref[...] * a_ref[...] + b_ref[...]

    return pl.pallas_call(
        body,
        grid=(NPAD // BR,),
        in_specs=[
            pl.BlockSpec((BR, C), lambda r: (r, 0)),
            pl.BlockSpec((1, C), lambda r: (0, 0)),
            pl.BlockSpec((1, C), lambda r: (0, 0)),
        ],
        out_specs=pl.BlockSpec((BR, C), lambda r: (r, 0)),
        out_shape=jax.ShapeDtypeStruct((NPAD, C), jnp.float32),
    )(y, A3, B3)


def _bn_affine(stats, w, b, n):
    s = stats[0]
    s2 = stats[1]
    mean = s / n
    var = jnp.maximum(s2 / n - mean * mean, 0.0)
    a = w / jnp.sqrt(var + 1e-5)
    return (a.reshape(1, -1), (b - mean * a).reshape(1, -1))



def kernel(x, edge_index, batch, W1, b1, W2, b2, attn_in_w, attn_in_b,
           attn_out_w, attn_out_b, bn1_w, bn1_b, bn2_w, bn2_b, bn3_w, bn3_b,
           M1, mb1, M2, mb2):
    N, C = x.shape
    L = W1.shape[0]
    E = edge_index.shape[1]
    NPAD = (N // BQ + 1) * BQ
    NQB = NPAD // BQ
    NKB = NPAD // BK

    x_p = jnp.pad(x, ((0, NPAD - N), (0, 0)))
    batch_p = jnp.pad(batch, (0, NPAD - N), constant_values=SENTINEL)
    mask_col = (jnp.arange(NPAD) < N).astype(jnp.float32).reshape(NPAD, 1)
    bcol = batch_p.reshape(NPAD, 1)
    btile = batch_p.reshape(NKB, 1, BK)

    first = batch_p[0::BQ]
    last = batch_p[BQ - 1::BQ]
    t0 = (jnp.searchsorted(batch_p, first, side="left") // BK)
    t1 = ((jnp.searchsorted(batch_p, last, side="right") + BK - 1) // BK)
    kr = jnp.stack([t0, t1]).astype(jnp.int32)

    grp = 32 * SC_CHUNK * 2
    EP = ((E + grp - 1) // grp) * grp
    ei_p = jnp.concatenate(
        [edge_index.astype(jnp.int32),
         jnp.full((2, EP - E), N, jnp.int32)], axis=1)
    edges_p = ei_p.reshape(2, EP // SC_CHUNK, SC_CHUNK).transpose(1, 0, 2)

    nf = jnp.float32(N)
    for l in range(L):
        agg2 = _sc_scatter_partials(x_p, edges_p)
        qkv = _tck_qkv(x_p, attn_in_w[l], attn_in_b[l].reshape(1, 3 * C))
        q_a = qkv[:, :C]
        k_a = qkv[:, C:2 * C]
        v_a = qkv[:, 2 * C:]
        h2pre, s2 = _tck_attn(kr, q_a, k_a, v_a, bcol, btile, x_p, mask_col,
                              attn_out_w[l], attn_out_b[l].reshape(1, C))
        hpre, s1 = _tck_gin(x_p, agg2, mask_col, W1[l], b1[l].reshape(1, C),
                            W2[l], b2[l].reshape(1, C))
        A1, B1 = _bn_affine(s1, bn1_w[l], bn1_b[l], nf)
        A2, B2 = _bn_affine(s2, bn2_w[l], bn2_b[l], nf)
        y, s3 = _tck_ffn(hpre, h2pre, mask_col, A1, B1, A2, B2,
                         M1[l], mb1[l].reshape(1, 2 * C), M2[l],
                         mb2[l].reshape(1, C))
        A3, B3 = _bn_affine(s3, bn3_w[l], bn3_b[l], nf)
        x_p = _tck_bn_apply(y, A3, B3)

    return x_p[:N]

# --- scband reference (transcript-rebuilt; emitter-appended) ---
"""Pipeline reference for scband-gps-45071386804960 (READ-ONLY COPY).

The authoritative reference and input builder live on the scoring server;
editing this copy changes nothing except your own understanding.
"""

import jax, jax.numpy as jnp
import numpy as np

N = 10000
E = 320000
C = 128
L = 2
H = 4
G = 50


def _init_params(key):
    ks = jax.random.split(key, 6)
    s = 0.05
    p = {}
    p["W1"] = jax.random.normal(ks[0], (L, C, C), jnp.float32) * s
    p["b1"] = jnp.zeros((L, C), jnp.float32)
    p["W2"] = jax.random.normal(ks[1], (L, C, C), jnp.float32) * s
    p["b2"] = jnp.zeros((L, C), jnp.float32)
    p["attn_in_w"] = jax.random.normal(ks[2], (L, 3 * C, C), jnp.float32) * s
    p["attn_in_b"] = jnp.zeros((L, 3 * C), jnp.float32)
    p["attn_out_w"] = jax.random.normal(ks[3], (L, C, C), jnp.float32) * s
    p["attn_out_b"] = jnp.zeros((L, C), jnp.float32)
    p["bn1_w"] = jnp.ones((L, C), jnp.float32)
    p["bn1_b"] = jnp.zeros((L, C), jnp.float32)
    p["bn2_w"] = jnp.ones((L, C), jnp.float32)
    p["bn2_b"] = jnp.zeros((L, C), jnp.float32)
    p["bn3_w"] = jnp.ones((L, C), jnp.float32)
    p["bn3_b"] = jnp.zeros((L, C), jnp.float32)
    p["M1"] = jax.random.normal(ks[4], (L, 2 * C, C), jnp.float32) * s
    p["mb1"] = jnp.zeros((L, 2 * C), jnp.float32)
    p["M2"] = jax.random.normal(ks[5], (L, C, 2 * C), jnp.float32) * s
    p["mb2"] = jnp.zeros((L, C), jnp.float32)
    return p


def setup_inputs(seed: int = 0):
    key = jax.random.key(seed)
    k1, k2, k3, k4 = jax.random.split(key, 4)
    inp = {}
    inp["x"] = jax.random.normal(k1, (N, C), jnp.float32)
    inp["edge_index"] = jax.random.randint(k2, (2, E), 0, N, dtype=jnp.int32)
    inp["batch"] = jnp.sort(jax.random.randint(k3, (N,), 0, G, dtype=jnp.int32))
    inp.update(_init_params(k4))
    return inp


def _bn(h, w, b):
    mean = jnp.mean(h, axis=0)
    var = jnp.var(h, axis=0)
    return (h - mean) / jnp.sqrt(var + 1e-5) * w + b


def _forward(x, edge_index, batch, W1, b1, W2, b2, attn_in_w, attn_in_b, attn_out_w, attn_out_b, bn1_w, bn1_b, bn2_w, bn2_b, bn3_w, bn3_b, M1, mb1, M2, mb2):
    src = edge_index[0]
    dst = edge_index[1]
    same_graph = batch[:, None] == batch[None, :]
    dh = C // H
    for l in range(L):
        # GINConv: nn((1+eps)*x + sum_{j->i} x_j), eps=0
        agg = jnp.zeros_like(x).at[dst].add(x[src])
        hin = agg + x
        h = jnp.maximum(hin @ W1[l].T + b1[l], 0.0) @ W2[l].T + b2[l]
        h = h + x
        h1 = _bn(h, bn1_w[l], bn1_b[l])
        # MultiheadAttention with key_padding_mask
        qkv = x @ attn_in_w[l].T + attn_in_b[l]
        q, k, v = jnp.split(qkv, 3, axis=-1)
        q = q.reshape(N, H, dh).transpose(1, 0, 2)
        k = k.reshape(N, H, dh).transpose(1, 0, 2)
        v = v.reshape(N, H, dh).transpose(1, 0, 2)
        logits = (q @ k.transpose(0, 2, 1)) / jnp.sqrt(jnp.float32(dh))
        logits = jnp.where(same_graph[None, :, :], logits, jnp.float32(-1e9))
        attn = jax.nn.softmax(logits, axis=-1)
        o = (attn @ v).transpose(1, 0, 2).reshape(N, C)
        o = o @ attn_out_w[l].T + attn_out_b[l]
        h2 = o + x
        h2 = _bn(h2, bn2_w[l], bn2_b[l])
        out = h1 + h2
        mlp = jnp.maximum(out @ M1[l].T + mb1[l], 0.0) @ M2[l].T + mb2[l]
        x = _bn(out + mlp, bn3_w[l], bn3_b[l])
    return x


def reference(x, edge_index, batch, W1, b1, W2, b2, attn_in_w, attn_in_b, attn_out_w, attn_out_b, bn1_w, bn1_b, bn2_w, bn2_b, bn3_w, bn3_b, M1, mb1, M2, mb2):
    return _forward(x, edge_index, batch, W1, b1, W2, b2, attn_in_w, attn_in_b, attn_out_w, attn_out_b, bn1_w, bn1_b, bn2_w, bn2_b, bn3_w, bn3_b, M1, mb1, M2, mb2)

if __name__ == "__main__":
    import jax
    _d = setup_inputs()
    print(jax.jit(kernel)(*tuple(_d.values())))

</pallas_src>

<mosaic_0001>
#map = affine_map<(d0, d1) -> (0, 0)>
#map1 = affine_map<(d0, d1) -> (0, 0, 0)>
module attributes {stable_mosaic.version = 14 : i64} {
  func.func @sck(%arg0: i32, %arg1: i32, %arg2: memref<10240x128xf32, #tpu.memory_space<hbm>>, %arg3: memref<2560x2x128xi32, #tpu.memory_space<hbm>>, %arg4: memref<20480x128xf32, #tpu.memory_space<hbm>>, %arg5: memref<2x128xi32, #tpu.memory_space<vmem>>, %arg6: memref<2x128xi32, #tpu.memory_space<vmem>>, %arg7: memref<128x128xf32, #tpu.memory_space<vmem>>, %arg8: memref<128x128xf32, #tpu.memory_space<vmem>>, %arg9: memref<10240x128xf32, #tpu.memory_space<vmem_shared>>, %arg10: memref<!tpu.dma_semaphore, #tpu.memory_space<semaphore_mem>>, %arg11: memref<!tpu.dma_semaphore, #tpu.memory_space<semaphore_mem>>) attributes {dimension_semantics = [#tpu.dimension_semantics<core_parallel>, #tpu.dimension_semantics<subcore_parallel>], iteration_bounds = array<i64: 2, 16>, scalar_prefetch = 0 : i64, scratch_operands = 7 : i64, tpu.core_type = #tpu.core_type<sc_vector_subcore>, window_params = [{transform_indices = #map}, {transform_indices = #map1}, {transform_indices = #map}]} {
    %eq3A = arith.constant 0 : i32
    %eq3A_0 = arith.cmpi eq, %arg0, %eq3A : i32
    %jit3A = arith.constant 152 : i32
    %jit3A_1 = arith.constant 8 : i32
    %select_n3A = arith.select %eq3A_0, %jit3A, %jit3A_1 : i32
    %eq3A_2 = arith.constant 0 : i32
    %eq3A_3 = arith.cmpi eq, %arg0, %eq3A_2 : i32
    %mul3A = arith.constant 152 : i32
    %mul3A_4 = arith.muli %arg1, %mul3A : i32
    %mul3A_5 = arith.constant 8 : i32
    %mul3A_6 = arith.muli %arg1, %mul3A_5 : i32
    %add3A = arith.constant 2432 : i32
    %add3A_7 = arith.addi %add3A, %mul3A_6 : i32
    %select_n3A_8 = arith.select %eq3A_3, %mul3A_4, %add3A_7 : i32
    %broadcast_in_dim3A = arith.constant 0.000000e+00 : f32
    %broadcast_in_dim3A_9 = vector.broadcast %broadcast_in_dim3A : f32 to vector<16xf32>
    %scan3A = arith.constant 0 : i32
    %scan3A_10 = arith.constant 0 : i32
    %scan3A_11 = arith.constant 128 : i32
    %scan3A_12 = arith.addi %scan3A_10, %scan3A_11 : i32
    %scan3A_13 = arith.constant 1 : i32
    scf.for %scan3A_78 = %scan3A_10 to %scan3A_12 step %scan3A_13  : i32 {
      %swap3A = arith.index_cast %scan3A_78 : i32 to index
      %swap3A_79 = arith.constant 0 : index
      %swap3A_80 = tpu.vector_load %arg7[%swap3A, %swap3A_79] {strides = array<i32>} : memref<128x128xf32, #tpu.memory_space<vmem>>, vector<1x16xf32>,
      %swap3A_81 = vector.shape_cast %swap3A_80 : vector<1x16xf32> to vector<16xf32>
      %swap3A_82 = vector.shape_cast %broadcast_in_dim3A_9 : vector<16xf32> to vector<1x16xf32>
      tpu.vector_store %arg7[%swap3A, %swap3A_79], %swap3A_82 {strides = array<i32>} : memref<128x128xf32, #tpu.memory_space<vmem>>, vector<1x16xf32>,
      %swap3A_83 = arith.index_cast %scan3A_78 : i32 to index
      %swap3A_84 = arith.constant 16 : index
      %swap3A_85 = tpu.vector_load %arg7[%swap3A_83, %swap3A_84] {strides = array<i32>} : memref<128x128xf32, #tpu.memory_space<vmem>>, vector<1x16xf32>,
      %swap3A_86 = vector.shape_cast %swap3A_85 : vector<1x16xf32> to vector<16xf32>
      %swap3A_87 = vector.shape_cast %broadcast_in_dim3A_9 : vector<16xf32> to vector<1x16xf32>
      tpu.vector_store %arg7[%swap3A_83, %swap3A_84], %swap3A_87 {strides = array<i32>} : memref<128x128xf32, #tpu.memory_space<vmem>>, vector<1x16xf32>,
      %swap3A_88 = arith.index_cast %scan3A_78 : i32 to index
      %swap3A_89 = arith.constant 32 : index
      %swap3A_90 = tpu.vector_load %arg7[%swap3A_88, %swap3A_89] {strides = array<i32>} : memref<128x128xf32, #tpu.memory_space<vmem>>, vector<1x16xf32>,
      %swap3A_91 = vector.shape_cast %swap3A_90 : vector<1x16xf32> to vector<16xf32>
      %swap3A_92 = vector.shape_cast %broadcast_in_dim3A_9 : vector<16xf32> to vector<1x16xf32>
      tpu.vector_store %arg7[%swap3A_88, %swap3A_89], %swap3A_92 {strides = array<i32>} : memref<128x128xf32, #tpu.memory_space<vmem>>, vector<1x16xf32>,
      %swap3A_93 = arith.index_cast %scan3A_78 : i32 to index
      %swap3A_94 = arith.constant 48 : index
      %swap3A_95 = tpu.vector_load %arg7[%swap3A_93, %swap3A_94] {strides = array<i32>} : memref<128x128xf32, #tpu.memory_space<vmem>>, vector<1x16xf32>,
      %swap3A_96 = vector.shape_cast %swap3A_95 : vector<1x16xf32> to vector<16xf32>
      %swap3A_97 = vector.shape_cast %broadcast_in_dim3A_9 : vector<16xf32> to vector<1x16xf32>
      tpu.vector_store %arg7[%swap3A_93, %swap3A_94], %swap3A_97 {strides = array<i32>} : memref<128x128xf32, #tpu.memory_space<vmem>>, vector<1x16xf32>,
      %swap3A_98 = arith.index_cast %scan3A_78 : i32 to index
      %swap3A_99 = arith.constant 64 : index
      %swap3A_100 = tpu.vector_load %arg7[%swap3A_98, %swap3A_99] {strides = array<i32>} : memref<128x128xf32, #tpu.memory_space<vmem>>, vector<1x16xf32>,
      %swap3A_101 = vector.shape_cast %swap3A_100 : vector<1x16xf32> to vector<16xf32>
      %swap3A_102 = vector.shape_cast %broadcast_in_dim3A_9 : vector<16xf32> to vector<1x16xf32>
      tpu.vector_store %arg7[%swap3A_98, %swap3A_99], %swap3A_102 {strides = array<i32>} : memref<128x128xf32, #tpu.memory_space<vmem>>, vector<1x16xf32>,
      %swap3A_103 = arith.index_cast %scan3A_78 : i32 to index
      %swap3A_104 = arith.constant 80 : index
      %swap3A_105 = tpu.vector_load %arg7[%swap3A_103, %swap3A_104] {strides = array<i32>} : memref<128x128xf32, #tpu.memory_space<vmem>>, vector<1x16xf32>,
      %swap3A_106 = vector.shape_cast %swap3A_105 : vector<1x16xf32> to vector<16xf32>
      %swap3A_107 = vector.shape_cast %broadcast_in_dim3A_9 : vector<16xf32> to vector<1x16xf32>
      tpu.vector_store %arg7[%swap3A_103, %swap3A_104], %swap3A_107 {strides = array<i32>} : memref<128x128xf32, #tpu.memory_space<vmem>>, vector<1x16xf32>,
      %swap3A_108 = arith.index_cast %scan3A_78 : i32 to index
      %swap3A_109 = arith.constant 96 : index
      %swap3A_110 = tpu.vector_load %arg7[%swap3A_108, %swap3A_109] {strides = array<i32>} : memref<128x128xf32, #tpu.memory_space<vmem>>, vector<1x16xf32>,
      %swap3A_111 = vector.shape_cast %swap3A_110 : vector<1x16xf32> to vector<16xf32>
      %swap3A_112 = vector.shape_cast %broadcast_in_dim3A_9 : vector<16xf32> to vector<1x16xf32>
      tpu.vector_store %arg7[%swap3A_108, %swap3A_109], %swap3A_112 {strides = array<i32>} : memref<128x128xf32, #tpu.memory_space<vmem>>, vector<1x16xf32>,
      %swap3A_113 = arith.index_cast %scan3A_78 : i32 to index
      %swap3A_114 = arith.constant 112 : index
      %swap3A_115 = tpu.vector_load %arg7[%swap3A_113, %swap3A_114] {strides = array<i32>} : memref<128x128xf32, #tpu.memory_space<vmem>>, vector<1x16xf32>,
      %swap3A_116 = vector.shape_cast %swap3A_115 : vector<1x16xf32> to vector<16xf32>
      %swap3A_117 = vector.shape_cast %broadcast_in_dim3A_9 : vector<16xf32> to vector<1x16xf32>
      tpu.vector_store %arg7[%swap3A_113, %swap3A_114], %swap3A_117 {strides = array<i32>} : memref<128x128xf32, #tpu.memory_space<vmem>>, vector<1x16xf32>,
    }
    %scan3A_14 = arith.constant 128 : i32
    %mul3A_15 = arith.constant 640 : i32
    %mul3A_16 = arith.muli %arg1, %mul3A_15 : i32
    %add3A_17 = arith.constant 0 : i32
    %add3A_18 = arith.addi %mul3A_16, %add3A_17 : i32
    "tpu.region"() ({
      %run_scoped3A = tpu.sem_alloc : memref<!tpu.dma_semaphore, #tpu.memory_space<semaphore_mem>>
      %dma_start3A_78 = arith.constant 0 : i32
      %dma_start3A_79 = tpu.memref_slice %arg9[%add3A_18, %dma_start3A_78] : memref<10240x128xf32, #tpu.memory_space<vmem_shared>> -> memref<128x128xf32, #tpu.memory_space<vmem_shared>>
      %dma_start3A_80 = arith.constant 0 : i32
      %dma_start3A_81 = tpu.memref_slice %arg9[%add3A_18, %dma_start3A_80] : memref<10240x128xf32, #tpu.memory_space<vmem_shared>> -> memref<128x128xf32, #tpu.memory_space<vmem_shared>>
      tpu.enqueue_dma source(%arg7 : memref<128x128xf32, #tpu.memory_space<vmem>>) target(%dma_start3A_81 : memref<128x128xf32, #tpu.memory_space<vmem_shared>>) target_semaphore(%run_scoped3A : memref<!tpu.dma_semaphore, #tpu.memory_space<semaphore_mem>>)
      %dma_wait3A = arith.constant 0 : i32
      %dma_wait3A_82 = tpu.memref_slice %arg9[%add3A_18, %dma_wait3A] : memref<10240x128xf32, #tpu.memory_space<vmem_shared>> -> memref<128x128xf32, #tpu.memory_space<vmem_shared>>
      %dma_wait3A_83 = arith.constant 0 : i32
      %dma_wait3A_84 = tpu.memref_slice %arg9[%add3A_18, %dma_wait3A_83] : memref<10240x128xf32, #tpu.memory_space<vmem_shared>> -> memref<128x128xf32, #tpu.memory_space<vmem_shared>>
      tpu.wait_dma2 semaphore(%run_scoped3A : memref<!tpu.dma_semaphore, #tpu.memory_space<semaphore_mem>>) src(%arg7 : memref<128x128xf32, #tpu.memory_space<vmem>>) dst(%dma_wait3A_84 : memref<128x128xf32, #tpu.memory_space<vmem_shared>>)
      tpu.yield
    }) : () -> ()
    %mul3A_19 = arith.constant 640 : i32
    %mul3A_20 = arith.muli %arg1, %mul3A_19 : i32
    %add3A_21 = arith.constant 128 : i32
    %add3A_22 = arith.addi %mul3A_20, %add3A_21 : i32
    "tpu.region"() ({
      %run_scoped3A = tpu.sem_alloc : memref<!tpu.dma_semaphore, #tpu.memory_space<semaphore_mem>>
      %dma_start3A_78 = arith.constant 0 : i32
      %dma_start3A_79 = tpu.memref_slice %arg9[%add3A_22, %dma_start3A_78] : memref<10240x128xf32, #tpu.memory_space<vmem_shared>> -> memref<128x128xf32, #tpu.memory_space<vmem_shared>>
      %dma_start3A_80 = arith.constant 0 : i32
      %dma_start3A_81 = tpu.memref_slice %arg9[%add3A_22, %dma_start3A_80] : memref<10240x128xf32, #tpu.memory_space<vmem_shared>> -> memref<128x128xf32, #tpu.memory_space<vmem_shared>>
      tpu.enqueue_dma source(%arg7 : memref<128x128xf32, #tpu.memory_space<vmem>>) target(%dma_start3A_81 : memref<128x128xf32, #tpu.memory_space<vmem_shared>>) target_semaphore(%run_scoped3A : memref<!tpu.dma_semaphore, #tpu.memory_space<semaphore_mem>>)
      %dma_wait3A = arith.constant 0 : i32
      %dma_wait3A_82 = tpu.memref_slice %arg9[%add3A_22, %dma_wait3A] : memref<10240x128xf32, #tpu.memory_space<vmem_shared>> -> memref<128x128xf32, #tpu.memory_space<vmem_shared>>
      %dma_wait3A_83 = arith.constant 0 : i32
      %dma_wait3A_84 = tpu.memref_slice %arg9[%add3A_22, %dma_wait3A_83] : memref<10240x128xf32, #tpu.memory_space<vmem_shared>> -> memref<128x128xf32, #tpu.memory_space<vmem_shared>>
      tpu.wait_dma2 semaphore(%run_scoped3A : memref<!tpu.dma_semaphore, #tpu.memory_space<semaphore_mem>>) src(%arg7 : memref<128x128xf32, #tpu.memory_space<vmem>>) dst(%dma_wait3A_84 : memref<128x128xf32, #tpu.memory_space<vmem_shared>>)
      tpu.yield
    }) : () -> ()
    %mul3A_23 = arith.constant 640 : i32
    %mul3A_24 = arith.muli %arg1, %mul3A_23 : i32
    %add3A_25 = arith.constant 256 : i32
    %add3A_26 = arith.addi %mul3A_24, %add3A_25 : i32
    "tpu.region"() ({
      %run_scoped3A = tpu.sem_alloc : memref<!tpu.dma_semaphore, #tpu.memory_space<semaphore_mem>>
      %dma_start3A_78 = arith.constant 0 : i32
      %dma_start3A_79 = tpu.memref_slice %arg9[%add3A_26, %dma_start3A_78] : memref<10240x128xf32, #tpu.memory_space<vmem_shared>> -> memref<128x128xf32, #tpu.memory_space<vmem_shared>>
      %dma_start3A_80 = arith.constant 0 : i32
      %dma_start3A_81 = tpu.memref_slice %arg9[%add3A_26, %dma_start3A_80] : memref<10240x128xf32, #tpu.memory_space<vmem_shared>> -> memref<128x128xf32, #tpu.memory_space<vmem_shared>>
      tpu.enqueue_dma source(%arg7 : memref<128x128xf32, #tpu.memory_space<vmem>>) target(%dma_start3A_81 : memref<128x128xf32, #tpu.memory_space<vmem_shared>>) target_semaphore(%run_scoped3A : memref<!tpu.dma_semaphore, #tpu.memory_space<semaphore_mem>>)
      %dma_wait3A = arith.constant 0 : i32
      %dma_wait3A_82 = tpu.memref_slice %arg9[%add3A_26, %dma_wait3A] : memref<10240x128xf32, #tpu.memory_space<vmem_shared>> -> memref<128x128xf32, #tpu.memory_space<vmem_shared>>
      %dma_wait3A_83 = arith.constant 0 : i32
      %dma_wait3A_84 = tpu.memref_slice %arg9[%add3A_26, %dma_wait3A_83] : memref<10240x128xf32, #tpu.memory_space<vmem_shared>> -> memref<128x128xf32, #tpu.memory_space<vmem_shared>>
      tpu.wait_dma2 semaphore(%run_scoped3A : memref<!tpu.dma_semaphore, #tpu.memory_space<semaphore_mem>>) src(%arg7 : memref<128x128xf32, #tpu.memory_space<vmem>>) dst(%dma_wait3A_84 : memref<128x128xf32, #tpu.memory_space<vmem_shared>>)
      tpu.yield
    }) : () -> ()
    %mul3A_27 = arith.constant 640 : i32
    %mul3A_28 = arith.muli %arg1, %mul3A_27 : i32
    %add3A_29 = arith.constant 384 : i32
    %add3A_30 = arith.addi %mul3A_28, %add3A_29 : i32
    "tpu.region"() ({
      %run_scoped3A = tpu.sem_alloc : memref<!tpu.dma_semaphore, #tpu.memory_space<semaphore_mem>>
      %dma_start3A_78 = arith.constant 0 : i32
      %dma_start3A_79 = tpu.memref_slice %arg9[%add3A_30, %dma_start3A_78] : memref<10240x128xf32, #tpu.memory_space<vmem_shared>> -> memref<128x128xf32, #tpu.memory_space<vmem_shared>>
      %dma_start3A_80 = arith.constant 0 : i32
      %dma_start3A_81 = tpu.memref_slice %arg9[%add3A_30, %dma_start3A_80] : memref<10240x128xf32, #tpu.memory_space<vmem_shared>> -> memref<128x128xf32, #tpu.memory_space<vmem_shared>>
      tpu.enqueue_dma source(%arg7 : memref<128x128xf32, #tpu.memory_space<vmem>>) target(%dma_start3A_81 : memref<128x128xf32, #tpu.memory_space<vmem_shared>>) target_semaphore(%run_scoped3A : memref<!tpu.dma_semaphore, #tpu.memory_space<semaphore_mem>>)
      %dma_wait3A = arith.constant 0 : i32
      %dma_wait3A_82 = tpu.memref_slice %arg9[%add3A_30, %dma_wait3A] : memref<10240x128xf32, #tpu.memory_space<vmem_shared>> -> memref<128x128xf32, #tpu.memory_space<vmem_shared>>
      %dma_wait3A_83 = arith.constant 0 : i32
      %dma_wait3A_84 = tpu.memref_slice %arg9[%add3A_30, %dma_wait3A_83] : memref<10240x128xf32, #tpu.memory_space<vmem_shared>> -> memref<128x128xf32, #tpu.memory_space<vmem_shared>>
      tpu.wait_dma2 semaphore(%run_scoped3A : memref<!tpu.dma_semaphore, #tpu.memory_space<semaphore_mem>>) src(%arg7 : memref<128x128xf32, #tpu.memory_space<vmem>>) dst(%dma_wait3A_84 : memref<128x128xf32, #tpu.memory_space<vmem_shared>>)
      tpu.yield
    }) : () -> ()
    %mul3A_31 = arith.constant 640 : i32
    %mul3A_32 = arith.muli %arg1, %mul3A_31 : i32
    %add3A_33 = arith.constant 512 : i32
    %add3A_34 = arith.addi %mul3A_32, %add3A_33 : i32
    "tpu.region"() ({
      %run_scoped3A = tpu.sem_alloc : memref<!tpu.dma_semaphore, #tpu.memory_space<semaphore_mem>>
      %dma_start3A_78 = arith.constant 0 : i32
      %dma_start3A_79 = tpu.memref_slice %arg9[%add3A_34, %dma_start3A_78] : memref<10240x128xf32, #tpu.memory_space<vmem_shared>> -> memref<128x128xf32, #tpu.memory_space<vmem_shared>>
      %dma_start3A_80 = arith.constant 0 : i32
      %dma_start3A_81 = tpu.memref_slice %arg9[%add3A_34, %dma_start3A_80] : memref<10240x128xf32, #tpu.memory_space<vmem_shared>> -> memref<128x128xf32, #tpu.memory_space<vmem_shared>>
      tpu.enqueue_dma source(%arg7 : memref<128x128xf32, #tpu.memory_space<vmem>>) target(%dma_start3A_81 : memref<128x128xf32, #tpu.memory_space<vmem_shared>>) target_semaphore(%run_scoped3A : memref<!tpu.dma_semaphore, #tpu.memory_space<semaphore_mem>>)
      %dma_wait3A = arith.constant 0 : i32
      %dma_wait3A_82 = tpu.memref_slice %arg9[%add3A_34, %dma_wait3A] : memref<10240x128xf32, #tpu.memory_space<vmem_shared>> -> memref<128x128xf32, #tpu.memory_space<vmem_shared>>
      %dma_wait3A_83 = arith.constant 0 : i32
      %dma_wait3A_84 = tpu.memref_slice %arg9[%add3A_34, %dma_wait3A_83] : memref<10240x128xf32, #tpu.memory_space<vmem_shared>> -> memref<128x128xf32, #tpu.memory_space<vmem_shared>>
      tpu.wait_dma2 semaphore(%run_scoped3A : memref<!tpu.dma_semaphore, #tpu.memory_space<semaphore_mem>>) src(%arg7 : memref<128x128xf32, #tpu.memory_space<vmem>>) dst(%dma_wait3A_84 : memref<128x128xf32, #tpu.memory_space<vmem_shared>>)
      tpu.yield
    }) : () -> ()
    %barrier3A = arith.constant 0 : index
    tpu.barrier barrier_id(%barrier3A)
    "tpu.region"() ({
      %run_scoped3A = tpu.sem_alloc : memref<!tpu.dma_semaphore, #tpu.memory_space<semaphore_mem>>
      %dma_start3A_78 = arith.constant 0 : i32
      %dma_start3A_79 = arith.constant 0 : i32
      %dma_start3A_80 = tpu.memref_slice %arg3[%select_n3A_8, %dma_start3A_78, %dma_start3A_79] : memref<2560x2x128xi32, #tpu.memory_space<hbm>> -> memref<1x2x128xi32, #tpu.memory_space<hbm>>
      %dma_start3A_81 = tpu.memref_squeeze %dma_start3A_80 : memref<1x2x128xi32, #tpu.memory_space<hbm>> -> memref<2x128xi32, #tpu.memory_space<hbm>>
      %dma_start3A_82 = arith.constant 0 : i32
      %dma_start3A_83 = arith.constant 0 : i32
      %dma_start3A_84 = tpu.memref_slice %arg3[%select_n3A_8, %dma_start3A_82, %dma_start3A_83] : memref<2560x2x128xi32, #tpu.memory_space<hbm>> -> memref<1x2x128xi32, #tpu.memory_space<hbm>>
      %dma_start3A_85 = tpu.memref_squeeze %dma_start3A_84 : memref<1x2x128xi32, #tpu.memory_space<hbm>> -> memref<2x128xi32, #tpu.memory_space<hbm>>
      tpu.enqueue_dma source(%dma_start3A_85 : memref<2x128xi32, #tpu.memory_space<hbm>>) target(%arg5 : memref<2x128xi32, #tpu.memory_space<vmem>>) target_semaphore(%run_scoped3A : memref<!tpu.dma_semaphore, #tpu.memory_space<semaphore_mem>>)
      %dma_wait3A = arith.constant 0 : i32
      %dma_wait3A_86 = arith.constant 0 : i32
      %dma_wait3A_87 = tpu.memref_slice %arg3[%select_n3A_8, %dma_wait3A, %dma_wait3A_86] : memref<2560x2x128xi32, #tpu.memory_space<hbm>> -> memref<1x2x128xi32, #tpu.memory_space<hbm>>
      %dma_wait3A_88 = tpu.memref_squeeze %dma_wait3A_87 : memref<1x2x128xi32, #tpu.memory_space<hbm>> -> memref<2x128xi32, #tpu.memory_space<hbm>>
      %dma_wait3A_89 = arith.constant 0 : i32
      %dma_wait3A_90 = arith.constant 0 : i32
      %dma_wait3A_91 = tpu.memref_slice %arg3[%select_n3A_8, %dma_wait3A_89, %dma_wait3A_90] : memref<2560x2x128xi32, #tpu.memory_space<hbm>> -> memref<1x2x128xi32, #tpu.memory_space<hbm>>
      %dma_wait3A_92 = tpu.memref_squeeze %dma_wait3A_91 : memref<1x2x128xi32, #tpu.memory_space<hbm>> -> memref<2x128xi32, #tpu.memory_space<hbm>>
      tpu.wait_dma2 semaphore(%run_scoped3A : memref<!tpu.dma_semaphore, #tpu.memory_space<semaphore_mem>>) src(%dma_wait3A_92 : memref<2x128xi32, #tpu.memory_space<hbm>>) dst(%arg5 : memref<2x128xi32, #tpu.memory_space<vmem>>)
      tpu.yield
    }) : () -> ()
    %dma_start3A = arith.constant 0 : i32
    %dma_start3A_35 = arith.constant 0 : i32
    %dma_start3A_36 = tpu.memref_slice %arg5[%dma_start3A, %dma_start3A_35] : memref<2x128xi32, #tpu.memory_space<vmem>> -> memref<1x128xi32, #tpu.memory_space<vmem>>
    %dma_start3A_37 = tpu.memref_squeeze %dma_start3A_36 : memref<1x128xi32, #tpu.memory_space<vmem>> -> memref<128xi32, #tpu.memory_space<vmem>>
    %dma_start3A_38 = arith.constant 0 : i32
    %dma_start3A_39 = arith.constant 0 : i32
    %dma_start3A_40 = tpu.memref_slice %arg2[%dma_start3A_38, %dma_start3A_39] : memref<10240x128xf32, #tpu.memory_space<hbm>> -> memref<10240x128xf32, #tpu.memory_space<hbm>>
    tpu.enqueue_indirect_dma source(%dma_start3A_40 : memref<10240x128xf32, #tpu.memory_space<hbm>>) target(%arg7 : memref<128x128xf32, #tpu.memory_space<vmem>>) offsets(%dma_start3A_37 : memref<128xi32, #tpu.memory_space<vmem>>) semaphore(%arg10 : memref<!tpu.dma_semaphore, #tpu.memory_space<semaphore_mem>>)
    %add3A_41 = arith.constant 1 : i32
    %add3A_42 = arith.addi %select_n3A_8, %add3A_41 : i32
    "tpu.region"() ({
      %run_scoped3A = tpu.sem_alloc : memref<!tpu.dma_semaphore, #tpu.memory_space<semaphore_mem>>
      %dma_start3A_78 = arith.constant 0 : i32
      %dma_start3A_79 = arith.constant 0 : i32
      %dma_start3A_80 = tpu.memref_slice %arg3[%add3A_42, %dma_start3A_78, %dma_start3A_79] : memref<2560x2x128xi32, #tpu.memory_space<hbm>> -> memref<1x2x128xi32, #tpu.memory_space<hbm>>
      %dma_start3A_81 = tpu.memref_squeeze %dma_start3A_80 : memref<1x2x128xi32, #tpu.memory_space<hbm>> -> memref<2x128xi32, #tpu.memory_space<hbm>>
      %dma_start3A_82 = arith.constant 0 : i32
      %dma_start3A_83 = arith.constant 0 : i32
      %dma_start3A_84 = tpu.memref_slice %arg3[%add3A_42, %dma_start3A_82, %dma_start3A_83] : memref<2560x2x128xi32, #tpu.memory_space<hbm>> -> memref<1x2x128xi32, #tpu.memory_space<hbm>>
      %dma_start3A_85 = tpu.memref_squeeze %dma_start3A_84 : memref<1x2x128xi32, #tpu.memory_space<hbm>> -> memref<2x128xi32, #tpu.memory_space<hbm>>
      tpu.enqueue_dma source(%dma_start3A_85 : memref<2x128xi32, #tpu.memory_space<hbm>>) target(%arg6 : memref<2x128xi32, #tpu.memory_space<vmem>>) target_semaphore(%run_scoped3A : memref<!tpu.dma_semaphore, #tpu.memory_space<semaphore_mem>>)
      %dma_wait3A = arith.constant 0 : i32
      %dma_wait3A_86 = arith.constant 0 : i32
      %dma_wait3A_87 = tpu.memref_slice %arg3[%add3A_42, %dma_wait3A, %dma_wait3A_86] : memref<2560x2x128xi32, #tpu.memory_space<hbm>> -> memref<1x2x128xi32, #tpu.memory_space<hbm>>
      %dma_wait3A_88 = tpu.memref_squeeze %dma_wait3A_87 : memref<1x2x128xi32, #tpu.memory_space<hbm>> -> memref<2x128xi32, #tpu.memory_space<hbm>>
      %dma_wait3A_89 = arith.constant 0 : i32
      %dma_wait3A_90 = arith.constant 0 : i32
      %dma_wait3A_91 = tpu.memref_slice %arg3[%add3A_42, %dma_wait3A_89, %dma_wait3A_90] : memref<2560x2x128xi32, #tpu.memory_space<hbm>> -> memref<1x2x128xi32, #tpu.memory_space<hbm>>
      %dma_wait3A_92 = tpu.memref_squeeze %dma_wait3A_91 : memref<1x2x128xi32, #tpu.memory_space<hbm>> -> memref<2x128xi32, #tpu.memory_space<hbm>>
      tpu.wait_dma2 semaphore(%run_scoped3A : memref<!tpu.dma_semaphore, #tpu.memory_space<semaphore_mem>>) src(%dma_wait3A_92 : memref<2x128xi32, #tpu.memory_space<hbm>>) dst(%arg6 : memref<2x128xi32, #tpu.memory_space<vmem>>)
      tpu.yield
    }) : () -> ()
    %jit3A_43 = arith.constant 2 : i32
    %div3A = arith.divsi %select_n3A, %jit3A_43 : i32
    %sign3A = arith.constant 0 : i32
    %sign3A_44 = arith.cmpi sgt, %select_n3A, %sign3A : i32
    %sign3A_45 = arith.extui %sign3A_44 : i1 to i32
    %sign3A_46 = arith.constant 0 : i32
    %sign3A_47 = arith.cmpi slt, %select_n3A, %sign3A_46 : i32
    %sign3A_48 = arith.extui %sign3A_47 : i1 to i32
    %sign3A_49 = arith.subi %sign3A_45, %sign3A_48 : i32
    %sign3A_50 = arith.constant 0 : i32
    %sign3A_51 = arith.cmpi sgt, %jit3A_43, %sign3A_50 : i32
    %sign3A_52 = arith.extui %sign3A_51 : i1 to i32
    %sign3A_53 = arith.constant 0 : i32
    %sign3A_54 = arith.cmpi slt, %jit3A_43, %sign3A_53 : i32
    %sign3A_55 = arith.extui %sign3A_54 : i1 to i32
    %sign3A_56 = arith.subi %sign3A_52, %sign3A_55 : i32
    %ne3A = arith.cmpi ne, %sign3A_49, %sign3A_56 : i32
    %rem3A = arith.remsi %select_n3A, %jit3A_43 : i32
    %ne3A_57 = arith.constant 0 : i32
    %ne3A_58 = arith.cmpi ne, %rem3A, %ne3A_57 : i32
    %and3A = arith.andi %ne3A, %ne3A_58 : i1
    %sub3A = arith.constant 1 : i32
    %sub3A_59 = arith.subi %div3A, %sub3A : i32
    %select_n3A_60 = arith.select %and3A, %sub3A_59, %div3A : i32
    %while3A = arith.constant 0 : i32
    %while3A_61 = arith.constant 0 : i32
    %while3A_62 = arith.subi %select_n3A_60, %while3A_61 : i32
    %while3A_63 = arith.addi %while3A_61, %while3A_62 : i32
    %while3A_64 = arith.constant 1 : i32
    %while3A_65 = arith.divsi %while3A_62, %while3A_64 : i32
    %while3A_66 = arith.muli %while3A_65, %while3A_64 : i32
    %while3A_67 = arith.addi %while3A_61, %while3A_66 : i32
    %while3A_68 = arith.constant 1 : i32
    scf.for %while3A_78 = %while3A_61 to %while3A_67 step %while3A_68  : i32 {
      %mul3A_79 = arith.constant 2 : i32
      %mul3A_80 = arith.muli %while3A_78, %mul3A_79 : i32
      %dma_start3A_81 = arith.constant 0 : i32
      %dma_start3A_82 = arith.constant 0 : i32
      %dma_start3A_83 = tpu.memref_slice %arg6[%dma_start3A_81, %dma_start3A_82] : memref<2x128xi32, #tpu.memory_space<vmem>> -> memref<1x128xi32, #tpu.memory_space<vmem>>
      %dma_start3A_84 = tpu.memref_squeeze %dma_start3A_83 : memref<1x128xi32, #tpu.memory_space<vmem>> -> memref<128xi32, #tpu.memory_space<vmem>>
      %dma_start3A_85 = arith.constant 0 : i32
      %dma_start3A_86 = arith.constant 0 : i32
      %dma_start3A_87 = tpu.memref_slice %arg2[%dma_start3A_85, %dma_start3A_86] : memref<10240x128xf32, #tpu.memory_space<hbm>> -> memref<10240x128xf32, #tpu.memory_space<hbm>>
      tpu.enqueue_indirect_dma source(%dma_start3A_87 : memref<10240x128xf32, #tpu.memory_space<hbm>>) target(%arg8 : memref<128x128xf32, #tpu.memory_space<vmem>>) offsets(%dma_start3A_84 : memref<128xi32, #tpu.memory_space<vmem>>) semaphore(%arg11 : memref<!tpu.dma_semaphore, #tpu.memory_space<semaphore_mem>>)
      %dma_wait3A = arith.constant 0 : i32
      %dma_wait3A_88 = arith.constant 0 : i32
      %dma_wait3A_89 = tpu.memref_slice %arg5[%dma_wait3A, %dma_wait3A_88] : memref<2x128xi32, #tpu.memory_space<vmem>> -> memref<1x128xi32, #tpu.memory_space<vmem>>
      %dma_wait3A_90 = tpu.memref_squeeze %dma_wait3A_89 : memref<1x128xi32, #tpu.memory_space<vmem>> -> memref<128xi32, #tpu.memory_space<vmem>>
      %dma_wait3A_91 = arith.constant 0 : i32
      %dma_wait3A_92 = arith.constant 0 : i32
      %dma_wait3A_93 = tpu.memref_slice %arg2[%dma_wait3A_91, %dma_wait3A_92] : memref<10240x128xf32, #tpu.memory_space<hbm>> -> memref<10240x128xf32, #tpu.memory_space<hbm>>
      tpu.wait_indirect_dma semaphore(%arg10 : memref<!tpu.dma_semaphore, #tpu.memory_space<semaphore_mem>>) src(%dma_wait3A_93 : memref<10240x128xf32, #tpu.memory_space<hbm>>) dst(%arg7 : memref<128x128xf32, #tpu.memory_space<vmem>>)
      %run_scoped3A = arith.constant 1 : i32
      "tpu.region"() ({
        %run_scoped3A_111 = tpu.sem_alloc : memref<!tpu.dma_semaphore, #tpu.memory_space<semaphore_mem>>
        %dma_start3A_112 = arith.constant 0 : i32
        %dma_start3A_113 = tpu.memref_slice %arg5[%run_scoped3A, %dma_start3A_112] : memref<2x128xi32, #tpu.memory_space<vmem>> -> memref<1x128xi32, #tpu.memory_space<vmem>>
        %dma_start3A_114 = tpu.memref_squeeze %dma_start3A_113 : memref<1x128xi32, #tpu.memory_space<vmem>> -> memref<128xi32, #tpu.memory_space<vmem>>
        %dma_start3A_115 = arith.constant 0 : i32
        %dma_start3A_116 = arith.constant 0 : i32
        %dma_start3A_117 = tpu.memref_slice %arg9[%dma_start3A_115, %dma_start3A_116] : memref<10240x128xf32, #tpu.memory_space<vmem_shared>> -> memref<10240x128xf32, #tpu.memory_space<vmem_shared>>
        tpu.enqueue_indirect_dma source(%arg7 : memref<128x128xf32, #tpu.memory_space<vmem>>) target(%dma_start3A_117 : memref<10240x128xf32, #tpu.memory_space<vmem_shared>>) offsets(%dma_start3A_114 : memref<128xi32, #tpu.memory_space<vmem>>) semaphore(%run_scoped3A_111 : memref<!tpu.dma_semaphore, #tpu.memory_space<semaphore_mem>>) {add = true}
        %dma_wait3A_118 = arith.constant 0 : i32
        %dma_wait3A_119 = tpu.memref_slice %arg5[%run_scoped3A, %dma_wait3A_118] : memref<2x128xi32, #tpu.memory_space<vmem>> -> memref<1x128xi32, #tpu.memory_space<vmem>>
        %dma_wait3A_120 = tpu.memref_squeeze %dma_wait3A_119 : memref<1x128xi32, #tpu.memory_space<vmem>> -> memref<128xi32, #tpu.memory_space<vmem>>
        %dma_wait3A_121 = arith.constant 0 : i32
        %dma_wait3A_122 = arith.constant 0 : i32
        %dma_wait3A_123 = tpu.memref_slice %arg9[%dma_wait3A_121, %dma_wait3A_122] : memref<10240x128xf32, #tpu.memory_space<vmem_shared>> -> memref<10240x128xf32, #tpu.memory_space<vmem_shared>>
        tpu.wait_indirect_dma semaphore(%run_scoped3A_111 : memref<!tpu.dma_semaphore, #tpu.memory_space<semaphore_mem>>) src(%arg7 : memref<128x128xf32, #tpu.memory_space<vmem>>) dst(%dma_wait3A_123 : memref<10240x128xf32, #tpu.memory_space<vmem_shared>>)
        tpu.yield
      }) : () -> ()
      %add3A_94 = arith.constant 2 : i32
      %add3A_95 = arith.addi %mul3A_80, %add3A_94 : i32
      %lt3A = arith.cmpi slt, %add3A_95, %select_n3A : i32
      %convert_element_type3A = arith.extui %lt3A : i1 to i32
      %cond3A = arith.constant 0 : i32
      %cond3A_96 = arith.cmpi ne, %convert_element_type3A, %cond3A : i32
      scf.if %cond3A_96 {
        %add3A_111 = arith.addi %select_n3A_8, %mul3A_80 : i32
        %add3A_112 = arith.constant 2 : i32
        %add3A_113 = arith.addi %add3A_111, %add3A_112 : i32
        "tpu.region"() ({
          %run_scoped3A_121 = tpu.sem_alloc : memref<!tpu.dma_semaphore, #tpu.memory_space<semaphore_mem>>
          %dma_start3A_122 = arith.constant 0 : i32
          %dma_start3A_123 = arith.constant 0 : i32
          %dma_start3A_124 = tpu.memref_slice %arg3[%add3A_113, %dma_start3A_122, %dma_start3A_123] : memref<2560x2x128xi32, #tpu.memory_space<hbm>> -> memref<1x2x128xi32, #tpu.memory_space<hbm>>
          %dma_start3A_125 = tpu.memref_squeeze %dma_start3A_124 : memref<1x2x128xi32, #tpu.memory_space<hbm>> -> memref<2x128xi32, #tpu.memory_space<hbm>>
          %dma_start3A_126 = arith.constant 0 : i32
          %dma_start3A_127 = arith.constant 0 : i32
          %dma_start3A_128 = tpu.memref_slice %arg3[%add3A_113, %dma_start3A_126, %dma_start3A_127] : memref<2560x2x128xi32, #tpu.memory_space<hbm>> -> memref<1x2x128xi32, #tpu.memory_space<hbm>>
          %dma_start3A_129 = tpu.memref_squeeze %dma_start3A_128 : memref<1x2x128xi32, #tpu.memory_space<hbm>> -> memref<2x128xi32, #tpu.memory_space<hbm>>
          tpu.enqueue_dma source(%dma_start3A_129 : memref<2x128xi32, #tpu.memory_space<hbm>>) target(%arg5 : memref<2x128xi32, #tpu.memory_space<vmem>>) target_semaphore(%run_scoped3A_121 : memref<!tpu.dma_semaphore, #tpu.memory_space<semaphore_mem>>)
          %dma_wait3A_130 = arith.constant 0 : i32
          %dma_wait3A_131 = arith.constant 0 : i32
          %dma_wait3A_132 = tpu.memref_slice %arg3[%add3A_113, %dma_wait3A_130, %dma_wait3A_131] : memref<2560x2x128xi32, #tpu.memory_space<hbm>> -> memref<1x2x128xi32, #tpu.memory_space<hbm>>
          %dma_wait3A_133 = tpu.memref_squeeze %dma_wait3A_132 : memref<1x2x128xi32, #tpu.memory_space<hbm>> -> memref<2x128xi32, #tpu.memory_space<hbm>>
          %dma_wait3A_134 = arith.constant 0 : i32
          %dma_wait3A_135 = arith.constant 0 : i32
          %dma_wait3A_136 = tpu.memref_slice %arg3[%add3A_113, %dma_wait3A_134, %dma_wait3A_135] : memref<2560x2x128xi32, #tpu.memory_space<hbm>> -> memref<1x2x128xi32, #tpu.memory_space<hbm>>
          %dma_wait3A_137 = tpu.memref_squeeze %dma_wait3A_136 : memref<1x2x128xi32, #tpu.memory_space<hbm>> -> memref<2x128xi32, #tpu.memory_space<hbm>>
          tpu.wait_dma2 semaphore(%run_scoped3A_121 : memref<!tpu.dma_semaphore, #tpu.memory_space<semaphore_mem>>) src(%dma_wait3A_137 : memref<2x128xi32, #tpu.memory_space<hbm>>) dst(%arg5 : memref<2x128xi32, #tpu.memory_space<vmem>>)
          tpu.yield
        }) : () -> ()
        %dma_start3A_114 = arith.constant 0 : i32
        %dma_start3A_115 = arith.constant 0 : i32
        %dma_start3A_116 = tpu.memref_slice %arg5[%dma_start3A_114, %dma_start3A_115] : memref<2x128xi32, #tpu.memory_space<vmem>> -> memref<1x128xi32, #tpu.memory_space<vmem>>
        %dma_start3A_117 = tpu.memref_squeeze %dma_start3A_116 : memref<1x128xi32, #tpu.memory_space<vmem>> -> memref<128xi32, #tpu.memory_space<vmem>>
        %dma_start3A_118 = arith.constant 0 : i32
        %dma_start3A_119 = arith.constant 0 : i32
        %dma_start3A_120 = tpu.memref_slice %arg2[%dma_start3A_118, %dma_start3A_119] : memref<10240x128xf32, #tpu.memory_space<hbm>> -> memref<10240x128xf32, #tpu.memory_space<hbm>>
        tpu.enqueue_indirect_dma source(%dma_start3A_120 : memref<10240x128xf32, #tpu.memory_space<hbm>>) target(%arg7 : memref<128x128xf32, #tpu.memory_space<vmem>>) offsets(%dma_start3A_117 : memref<128xi32, #tpu.memory_space<vmem>>) semaphore(%arg10 : memref<!tpu.dma_semaphore, #tpu.memory_space<semaphore_mem>>)
      } else {
      }
      %dma_wait3A_97 = arith.constant 0 : i32
      %dma_wait3A_98 = arith.constant 0 : i32
      %dma_wait3A_99 = tpu.memref_slice %arg6[%dma_wait3A_97, %dma_wait3A_98] : memref<2x128xi32, #tpu.memory_space<vmem>> -> memref<1x128xi32, #tpu.memory_space<vmem>>
      %dma_wait3A_100 = tpu.memref_squeeze %dma_wait3A_99 : memref<1x128xi32, #tpu.memory_space<vmem>> -> memref<128xi32, #tpu.memory_space<vmem>>
      %dma_wait3A_101 = arith.constant 0 : i32
      %dma_wait3A_102 = arith.constant 0 : i32
      %dma_wait3A_103 = tpu.memref_slice %arg2[%dma_wait3A_101, %dma_wait3A_102] : memref<10240x128xf32, #tpu.memory_space<hbm>> -> memref<10240x128xf32, #tpu.memory_space<hbm>>
      tpu.wait_indirect_dma semaphore(%arg11 : memref<!tpu.dma_semaphore, #tpu.memory_space<semaphore_mem>>) src(%dma_wait3A_103 : memref<10240x128xf32, #tpu.memory_space<hbm>>) dst(%arg8 : memref<128x128xf32, #tpu.memory_space<vmem>>)
      %run_scoped3A_104 = arith.constant 1 : i32
      "tpu.region"() ({
        %run_scoped3A_111 = tpu.sem_alloc : memref<!tpu.dma_semaphore, #tpu.memory_space<semaphore_mem>>
        %dma_start3A_112 = arith.constant 0 : i32
        %dma_start3A_113 = tpu.memref_slice %arg6[%run_scoped3A_104, %dma_start3A_112] : memref<2x128xi32, #tpu.memory_space<vmem>> -> memref<1x128xi32, #tpu.memory_space<vmem>>
        %dma_start3A_114 = tpu.memref_squeeze %dma_start3A_113 : memref<1x128xi32, #tpu.memory_space<vmem>> -> memref<128xi32, #tpu.memory_space<vmem>>
        %dma_start3A_115 = arith.constant 0 : i32
        %dma_start3A_116 = arith.constant 0 : i32
        %dma_start3A_117 = tpu.memref_slice %arg9[%dma_start3A_115, %dma_start3A_116] : memref<10240x128xf32, #tpu.memory_space<vmem_shared>> -> memref<10240x128xf32, #tpu.memory_space<vmem_shared>>
        tpu.enqueue_indirect_dma source(%arg8 : memref<128x128xf32, #tpu.memory_space<vmem>>) target(%dma_start3A_117 : memref<10240x128xf32, #tpu.memory_space<vmem_shared>>) offsets(%dma_start3A_114 : memref<128xi32, #tpu.memory_space<vmem>>) semaphore(%run_scoped3A_111 : memref<!tpu.dma_semaphore, #tpu.memory_space<semaphore_mem>>) {add = true}
        %dma_wait3A_118 = arith.constant 0 : i32
        %dma_wait3A_119 = tpu.memref_slice %arg6[%run_scoped3A_104, %dma_wait3A_118] : memref<2x128xi32, #tpu.memory_space<vmem>> -> memref<1x128xi32, #tpu.memory_space<vmem>>
        %dma_wait3A_120 = tpu.memref_squeeze %dma_wait3A_119 : memref<1x128xi32, #tpu.memory_space<vmem>> -> memref<128xi32, #tpu.memory_space<vmem>>
        %dma_wait3A_121 = arith.constant 0 : i32
        %dma_wait3A_122 = arith.constant 0 : i32
        %dma_wait3A_123 = tpu.memref_slice %arg9[%dma_wait3A_121, %dma_wait3A_122] : memref<10240x128xf32, #tpu.memory_space<vmem_shared>> -> memref<10240x128xf32, #tpu.memory_space<vmem_shared>>
        tpu.wait_indirect_dma semaphore(%run_scoped3A_111 : memref<!tpu.dma_semaphore, #tpu.memory_space<semaphore_mem>>) src(%arg8 : memref<128x128xf32, #tpu.memory_space<vmem>>) dst(%dma_wait3A_123 : memref<10240x128xf32, #tpu.memory_space<vmem_shared>>)
        tpu.yield
      }) : () -> ()
      %add3A_105 = arith.constant 3 : i32
      %add3A_106 = arith.addi %mul3A_80, %add3A_105 : i32
      %lt3A_107 = arith.cmpi slt, %add3A_106, %select_n3A : i32
      %convert_element_type3A_108 = arith.extui %lt3A_107 : i1 to i32
      %cond3A_109 = arith.constant 0 : i32
      %cond3A_110 = arith.cmpi ne, %convert_element_type3A_108, %cond3A_109 : i32
      scf.if %cond3A_110 {
        %add3A_111 = arith.addi %select_n3A_8, %mul3A_80 : i32
        %add3A_112 = arith.constant 3 : i32
        %add3A_113 = arith.addi %add3A_111, %add3A_112 : i32
        "tpu.region"() ({
          %run_scoped3A_114 = tpu.sem_alloc : memref<!tpu.dma_semaphore, #tpu.memory_space<semaphore_mem>>
          %dma_start3A_115 = arith.constant 0 : i32
          %dma_start3A_116 = arith.constant 0 : i32
          %dma_start3A_117 = tpu.memref_slice %arg3[%add3A_113, %dma_start3A_115, %dma_start3A_116] : memref<2560x2x128xi32, #tpu.memory_space<hbm>> -> memref<1x2x128xi32, #tpu.memory_space<hbm>>
          %dma_start3A_118 = tpu.memref_squeeze %dma_start3A_117 : memref<1x2x128xi32, #tpu.memory_space<hbm>> -> memref<2x128xi32, #tpu.memory_space<hbm>>
          %dma_start3A_119 = arith.constant 0 : i32
          %dma_start3A_120 = arith.constant 0 : i32
          %dma_start3A_121 = tpu.memref_slice %arg3[%add3A_113, %dma_start3A_119, %dma_start3A_120] : memref<2560x2x128xi32, #tpu.memory_space<hbm>> -> memref<1x2x128xi32, #tpu.memory_space<hbm>>
          %dma_start3A_122 = tpu.memref_squeeze %dma_start3A_121 : memref<1x2x128xi32, #tpu.memory_space<hbm>> -> memref<2x128xi32, #tpu.memory_space<hbm>>
          tpu.enqueue_dma source(%dma_start3A_122 : memref<2x128xi32, #tpu.memory_space<hbm>>) target(%arg6 : memref<2x128xi32, #tpu.memory_space<vmem>>) target_semaphore(%run_scoped3A_114 : memref<!tpu.dma_semaphore, #tpu.memory_space<semaphore_mem>>)
          %dma_wait3A_123 = arith.constant 0 : i32
          %dma_wait3A_124 = arith.constant 0 : i32
          %dma_wait3A_125 = tpu.memref_slice %arg3[%add3A_113, %dma_wait3A_123, %dma_wait3A_124] : memref<2560x2x128xi32, #tpu.memory_space<hbm>> -> memref<1x2x128xi32, #tpu.memory_space<hbm>>
          %dma_wait3A_126 = tpu.memref_squeeze %dma_wait3A_125 : memref<1x2x128xi32, #tpu.memory_space<hbm>> -> memref<2x128xi32, #tpu.memory_space<hbm>>
          %dma_wait3A_127 = arith.constant 0 : i32
          %dma_wait3A_128 = arith.constant 0 : i32
          %dma_wait3A_129 = tpu.memref_slice %arg3[%add3A_113, %dma_wait3A_127, %dma_wait3A_128] : memref<2560x2x128xi32, #tpu.memory_space<hbm>> -> memref<1x2x128xi32, #tpu.memory_space<hbm>>
          %dma_wait3A_130 = tpu.memref_squeeze %dma_wait3A_129 : memref<1x2x128xi32, #tpu.memory_space<hbm>> -> memref<2x128xi32, #tpu.memory_space<hbm>>
          tpu.wait_dma2 semaphore(%run_scoped3A_114 : memref<!tpu.dma_semaphore, #tpu.memory_space<semaphore_mem>>) src(%dma_wait3A_130 : memref<2x128xi32, #tpu.memory_space<hbm>>) dst(%arg6 : memref<2x128xi32, #tpu.memory_space<vmem>>)
          tpu.yield
        }) : () -> ()
      } else {
      }
    }
    %while3A_69 = arith.constant 1 : i32
    scf.for %while3A_78 = %while3A_67 to %while3A_63 step %while3A_69  : i32 {
      %mul3A_79 = arith.constant 2 : i32
      %mul3A_80 = arith.muli %while3A_78, %mul3A_79 : i32
      %dma_start3A_81 = arith.constant 0 : i32
      %dma_start3A_82 = arith.constant 0 : i32
      %dma_start3A_83 = tpu.memref_slice %arg6[%dma_start3A_81, %dma_start3A_82] : memref<2x128xi32, #tpu.memory_space<vmem>> -> memref<1x128xi32, #tpu.memory_space<vmem>>
      %dma_start3A_84 = tpu.memref_squeeze %dma_start3A_83 : memref<1x128xi32, #tpu.memory_space<vmem>> -> memref<128xi32, #tpu.memory_space<vmem>>
      %dma_start3A_85 = arith.constant 0 : i32
      %dma_start3A_86 = arith.constant 0 : i32
      %dma_start3A_87 = tpu.memref_slice %arg2[%dma_start3A_85, %dma_start3A_86] : memref<10240x128xf32, #tpu.memory_space<hbm>> -> memref<10240x128xf32, #tpu.memory_space<hbm>>
      tpu.enqueue_indirect_dma source(%dma_start3A_87 : memref<10240x128xf32, #tpu.memory_space<hbm>>) target(%arg8 : memref<128x128xf32, #tpu.memory_space<vmem>>) offsets(%dma_start3A_84 : memref<128xi32, #tpu.memory_space<vmem>>) semaphore(%arg11 : memref<!tpu.dma_semaphore, #tpu.memory_space<semaphore_mem>>)
      %dma_wait3A = arith.constant 0 : i32
      %dma_wait3A_88 = arith.constant 0 : i32
      %dma_wait3A_89 = tpu.memref_slice %arg5[%dma_wait3A, %dma_wait3A_88] : memref<2x128xi32, #tpu.memory_space<vmem>> -> memref<1x128xi32, #tpu.memory_space<vmem>>
      %dma_wait3A_90 = tpu.memref_squeeze %dma_wait3A_89 : memref<1x128xi32, #tpu.memory_space<vmem>> -> memref<128xi32, #tpu.memory_space<vmem>>
      %dma_wait3A_91 = arith.constant 0 : i32
      %dma_wait3A_92 = arith.constant 0 : i32
      %dma_wait3A_93 = tpu.memref_slice %arg2[%dma_wait3A_91, %dma_wait3A_92] : memref<10240x128xf32, #tpu.memory_space<hbm>> -> memref<10240x128xf32, #tpu.memory_space<hbm>>
      tpu.wait_indirect_dma semaphore(%arg10 : memref<!tpu.dma_semaphore, #tpu.memory_space<semaphore_mem>>) src(%dma_wait3A_93 : memref<10240x128xf32, #tpu.memory_space<hbm>>) dst(%arg7 : memref<128x128xf32, #tpu.memory_space<vmem>>)
      %run_scoped3A = arith.constant 1 : i32
      "tpu.region"() ({
        %run_scoped3A_111 = tpu.sem_alloc : memref<!tpu.dma_semaphore, #tpu.memory_space<semaphore_mem>>
        %dma_start3A_112 = arith.constant 0 : i32
        %dma_start3A_113 = tpu.memref_slice %arg5[%run_scoped3A, %dma_start3A_112] : memref<2x128xi32, #tpu.memory_space<vmem>> -> memref<1x128xi32, #tpu.memory_space<vmem>>
        %dma_start3A_114 = tpu.memref_squeeze %dma_start3A_113 : memref<1x128xi32, #tpu.memory_space<vmem>> -> memref<128xi32, #tpu.memory_space<vmem>>
        %dma_start3A_115 = arith.constant 0 : i32
        %dma_start3A_116 = arith.constant 0 : i32
        %dma_start3A_117 = tpu.memref_slice %arg9[%dma_start3A_115, %dma_start3A_116] : memref<10240x128xf32, #tpu.memory_space<vmem_shared>> -> memref<10240x128xf32, #tpu.memory_space<vmem_shared>>
        tpu.enqueue_indirect_dma source(%arg7 : memref<128x128xf32, #tpu.memory_space<vmem>>) target(%dma_start3A_117 : memref<10240x128xf32, #tpu.memory_space<vmem_shared>>) offsets(%dma_start3A_114 : memref<128xi32, #tpu.memory_space<vmem>>) semaphore(%run_scoped3A_111 : memref<!tpu.dma_semaphore, #tpu.memory_space<semaphore_mem>>) {add = true}
        %dma_wait3A_118 = arith.constant 0 : i32
        %dma_wait3A_119 = tpu.memref_slice %arg5[%run_scoped3A, %dma_wait3A_118] : memref<2x128xi32, #tpu.memory_space<vmem>> -> memref<1x128xi32, #tpu.memory_space<vmem>>
        %dma_wait3A_120 = tpu.memref_squeeze %dma_wait3A_119 : memref<1x128xi32, #tpu.memory_space<vmem>> -> memref<128xi32, #tpu.memory_space<vmem>>
        %dma_wait3A_121 = arith.constant 0 : i32
        %dma_wait3A_122 = arith.constant 0 : i32
        %dma_wait3A_123 = tpu.memref_slice %arg9[%dma_wait3A_121, %dma_wait3A_122] : memref<10240x128xf32, #tpu.memory_space<vmem_shared>> -> memref<10240x128xf32, #tpu.memory_space<vmem_shared>>
        tpu.wait_indirect_dma semaphore(%run_scoped3A_111 : memref<!tpu.dma_semaphore, #tpu.memory_space<semaphore_mem>>) src(%arg7 : memref<128x128xf32, #tpu.memory_space<vmem>>) dst(%dma_wait3A_123 : memref<10240x128xf32, #tpu.memory_space<vmem_shared>>)
        tpu.yield
      }) : () -> ()
      %add3A_94 = arith.constant 2 : i32
      %add3A_95 = arith.addi %mul3A_80, %add3A_94 : i32
      %lt3A = arith.cmpi slt, %add3A_95, %select_n3A : i32
      %convert_element_type3A = arith.extui %lt3A : i1 to i32
      %cond3A = arith.constant 0 : i32
      %cond3A_96 = arith.cmpi ne, %convert_element_type3A, %cond3A : i32
      scf.if %cond3A_96 {
        %add3A_111 = arith.addi %select_n3A_8, %mul3A_80 : i32
        %add3A_112 = arith.constant 2 : i32
        %add3A_113 = arith.addi %add3A_111, %add3A_112 : i32
        "tpu.region"() ({
          %run_scoped3A_121 = tpu.sem_alloc : memref<!tpu.dma_semaphore, #tpu.memory_space<semaphore_mem>>
          %dma_start3A_122 = arith.constant 0 : i32
          %dma_start3A_123 = arith.constant 0 : i32
          %dma_start3A_124 = tpu.memref_slice %arg3[%add3A_113, %dma_start3A_122, %dma_start3A_123] : memref<2560x2x128xi32, #tpu.memory_space<hbm>> -> memref<1x2x128xi32, #tpu.memory_space<hbm>>
          %dma_start3A_125 = tpu.memref_squeeze %dma_start3A_124 : memref<1x2x128xi32, #tpu.memory_space<hbm>> -> memref<2x128xi32, #tpu.memory_space<hbm>>
          %dma_start3A_126 = arith.constant 0 : i32
          %dma_start3A_127 = arith.constant 0 : i32
          %dma_start3A_128 = tpu.memref_slice %arg3[%add3A_113, %dma_start3A_126, %dma_start3A_127] : memref<2560x2x128xi32, #tpu.memory_space<hbm>> -> memref<1x2x128xi32, #tpu.memory_space<hbm>>
          %dma_start3A_129 = tpu.memref_squeeze %dma_start3A_128 : memref<1x2x128xi32, #tpu.memory_space<hbm>> -> memref<2x128xi32, #tpu.memory_space<hbm>>
          tpu.enqueue_dma source(%dma_start3A_129 : memref<2x128xi32, #tpu.memory_space<hbm>>) target(%arg5 : memref<2x128xi32, #tpu.memory_space<vmem>>) target_semaphore(%run_scoped3A_121 : memref<!tpu.dma_semaphore, #tpu.memory_space<semaphore_mem>>)
          %dma_wait3A_130 = arith.constant 0 : i32
          %dma_wait3A_131 = arith.constant 0 : i32
          %dma_wait3A_132 = tpu.memref_slice %arg3[%add3A_113, %dma_wait3A_130, %dma_wait3A_131] : memref<2560x2x128xi32, #tpu.memory_space<hbm>> -> memref<1x2x128xi32, #tpu.memory_space<hbm>>
          %dma_wait3A_133 = tpu.memref_squeeze %dma_wait3A_132 : memref<1x2x128xi32, #tpu.memory_space<hbm>> -> memref<2x128xi32, #tpu.memory_space<hbm>>
          %dma_wait3A_134 = arith.constant 0 : i32
          %dma_wait3A_135 = arith.constant 0 : i32
          %dma_wait3A_136 = tpu.memref_slice %arg3[%add3A_113, %dma_wait3A_134, %dma_wait3A_135] : memref<2560x2x128xi32, #tpu.memory_space<hbm>> -> memref<1x2x128xi32, #tpu.memory_space<hbm>>
          %dma_wait3A_137 = tpu.memref_squeeze %dma_wait3A_136 : memref<1x2x128xi32, #tpu.memory_space<hbm>> -> memref<2x128xi32, #tpu.memory_space<hbm>>
          tpu.wait_dma2 semaphore(%run_scoped3A_121 : memref<!tpu.dma_semaphore, #tpu.memory_space<semaphore_mem>>) src(%dma_wait3A_137 : memref<2x128xi32, #tpu.memory_space<hbm>>) dst(%arg5 : memref<2x128xi32, #tpu.memory_space<vmem>>)
          tpu.yield
        }) : () -> ()
        %dma_start3A_114 = arith.constant 0 : i32
        %dma_start3A_115 = arith.constant 0 : i32
        %dma_start3A_116 = tpu.memref_slice %arg5[%dma_start3A_114, %dma_start3A_115] : memref<2x128xi32, #tpu.memory_space<vmem>> -> memref<1x128xi32, #tpu.memory_space<vmem>>
        %dma_start3A_117 = tpu.memref_squeeze %dma_start3A_116 : memref<1x128xi32, #tpu.memory_space<vmem>> -> memref<128xi32, #tpu.memory_space<vmem>>
        %dma_start3A_118 = arith.constant 0 : i32
        %dma_start3A_119 = arith.constant 0 : i32
        %dma_start3A_120 = tpu.memref_slice %arg2[%dma_start3A_118, %dma_start3A_119] : memref<10240x128xf32, #tpu.memory_space<hbm>> -> memref<10240x128xf32, #tpu.memory_space<hbm>>
        tpu.enqueue_indirect_dma source(%dma_start3A_120 : memref<10240x128xf32, #tpu.memory_space<hbm>>) target(%arg7 : memref<128x128xf32, #tpu.memory_space<vmem>>) offsets(%dma_start3A_117 : memref<128xi32, #tpu.memory_space<vmem>>) semaphore(%arg10 : memref<!tpu.dma_semaphore, #tpu.memory_space<semaphore_mem>>)
      } else {
      }
      %dma_wait3A_97 = arith.constant 0 : i32
      %dma_wait3A_98 = arith.constant 0 : i32
      %dma_wait3A_99 = tpu.memref_slice %arg6[%dma_wait3A_97, %dma_wait3A_98] : memref<2x128xi32, #tpu.memory_space<vmem>> -> memref<1x128xi32, #tpu.memory_space<vmem>>
      %dma_wait3A_100 = tpu.memref_squeeze %dma_wait3A_99 : memref<1x128xi32, #tpu.memory_space<vmem>> -> memref<128xi32, #tpu.memory_space<vmem>>
      %dma_wait3A_101 = arith.constant 0 : i32
      %dma_wait3A_102 = arith.constant 0 : i32
      %dma_wait3A_103 = tpu.memref_slice %arg2[%dma_wait3A_101, %dma_wait3A_102] : memref<10240x128xf32, #tpu.memory_space<hbm>> -> memref<10240x128xf32, #tpu.memory_space<hbm>>
      tpu.wait_indirect_dma semaphore(%arg11 : memref<!tpu.dma_semaphore, #tpu.memory_space<semaphore_mem>>) src(%dma_wait3A_103 : memref<10240x128xf32, #tpu.memory_space<hbm>>) dst(%arg8 : memref<128x128xf32, #tpu.memory_space<vmem>>)
      %run_scoped3A_104 = arith.constant 1 : i32
      "tpu.region"() ({
        %run_scoped3A_111 = tpu.sem_alloc : memref<!tpu.dma_semaphore, #tpu.memory_space<semaphore_mem>>
        %dma_start3A_112 = arith.constant 0 : i32
        %dma_start3A_113 = tpu.memref_slice %arg6[%run_scoped3A_104, %dma_start3A_112] : memref<2x128xi32, #tpu.memory_space<vmem>> -> memref<1x128xi32, #tpu.memory_space<vmem>>
        %dma_start3A_114 = tpu.memref_squeeze %dma_start3A_113 : memref<1x128xi32, #tpu.memory_space<vmem>> -> memref<128xi32, #tpu.memory_space<vmem>>
        %dma_start3A_115 = arith.constant 0 : i32
        %dma_start3A_116 = arith.constant 0 : i32
        %dma_start3A_117 = tpu.memref_slice %arg9[%dma_start3A_115, %dma_start3A_116] : memref<10240x128xf32, #tpu.memory_space<vmem_shared>> -> memref<10240x128xf32, #tpu.memory_space<vmem_shared>>
        tpu.enqueue_indirect_dma source(%arg8 : memref<128x128xf32, #tpu.memory_space<vmem>>) target(%dma_start3A_117 : memref<10240x128xf32, #tpu.memory_space<vmem_shared>>) offsets(%dma_start3A_114 : memref<128xi32, #tpu.memory_space<vmem>>) semaphore(%run_scoped3A_111 : memref<!tpu.dma_semaphore, #tpu.memory_space<semaphore_mem>>) {add = true}
        %dma_wait3A_118 = arith.constant 0 : i32
        %dma_wait3A_119 = tpu.memref_slice %arg6[%run_scoped3A_104, %dma_wait3A_118] : memref<2x128xi32, #tpu.memory_space<vmem>> -> memref<1x128xi32, #tpu.memory_space<vmem>>
        %dma_wait3A_120 = tpu.memref_squeeze %dma_wait3A_119 : memref<1x128xi32, #tpu.memory_space<vmem>> -> memref<128xi32, #tpu.memory_space<vmem>>
        %dma_wait3A_121 = arith.constant 0 : i32
        %dma_wait3A_122 = arith.constant 0 : i32
        %dma_wait3A_123 = tpu.memref_slice %arg9[%dma_wait3A_121, %dma_wait3A_122] : memref<10240x128xf32, #tpu.memory_space<vmem_shared>> -> memref<10240x128xf32, #tpu.memory_space<vmem_shared>>
        tpu.wait_indirect_dma semaphore(%run_scoped3A_111 : memref<!tpu.dma_semaphore, #tpu.memory_space<semaphore_mem>>) src(%arg8 : memref<128x128xf32, #tpu.memory_space<vmem>>) dst(%dma_wait3A_123 : memref<10240x128xf32, #tpu.memory_space<vmem_shared>>)
        tpu.yield
      }) : () -> ()
      %add3A_105 = arith.constant 3 : i32
      %add3A_106 = arith.addi %mul3A_80, %add3A_105 : i32
      %lt3A_107 = arith.cmpi slt, %add3A_106, %select_n3A : i32
      %convert_element_type3A_108 = arith.extui %lt3A_107 : i1 to i32
      %cond3A_109 = arith.constant 0 : i32
      %cond3A_110 = arith.cmpi ne, %convert_element_type3A_108, %cond3A_109 : i32
      scf.if %cond3A_110 {
        %add3A_111 = arith.addi %select_n3A_8, %mul3A_80 : i32
        %add3A_112 = arith.constant 3 : i32
        %add3A_113 = arith.addi %add3A_111, %add3A_112 : i32
        "tpu.region"() ({
          %run_scoped3A_114 = tpu.sem_alloc : memref<!tpu.dma_semaphore, #tpu.memory_space<semaphore_mem>>
          %dma_start3A_115 = arith.constant 0 : i32
          %dma_start3A_116 = arith.constant 0 : i32
          %dma_start3A_117 = tpu.memref_slice %arg3[%add3A_113, %dma_start3A_115, %dma_start3A_116] : memref<2560x2x128xi32, #tpu.memory_space<hbm>> -> memref<1x2x128xi32, #tpu.memory_space<hbm>>
          %dma_start3A_118 = tpu.memref_squeeze %dma_start3A_117 : memref<1x2x128xi32, #tpu.memory_space<hbm>> -> memref<2x128xi32, #tpu.memory_space<hbm>>
          %dma_start3A_119 = arith.constant 0 : i32
          %dma_start3A_120 = arith.constant 0 : i32
          %dma_start3A_121 = tpu.memref_slice %arg3[%add3A_113, %dma_start3A_119, %dma_start3A_120] : memref<2560x2x128xi32, #tpu.memory_space<hbm>> -> memref<1x2x128xi32, #tpu.memory_space<hbm>>
          %dma_start3A_122 = tpu.memref_squeeze %dma_start3A_121 : memref<1x2x128xi32, #tpu.memory_space<hbm>> -> memref<2x128xi32, #tpu.memory_space<hbm>>
          tpu.enqueue_dma source(%dma_start3A_122 : memref<2x128xi32, #tpu.memory_space<hbm>>) target(%arg6 : memref<2x128xi32, #tpu.memory_space<vmem>>) target_semaphore(%run_scoped3A_114 : memref<!tpu.dma_semaphore, #tpu.memory_space<semaphore_mem>>)
          %dma_wait3A_123 = arith.constant 0 : i32
          %dma_wait3A_124 = arith.constant 0 : i32
          %dma_wait3A_125 = tpu.memref_slice %arg3[%add3A_113, %dma_wait3A_123, %dma_wait3A_124] : memref<2560x2x128xi32, #tpu.memory_space<hbm>> -> memref<1x2x128xi32, #tpu.memory_space<hbm>>
          %dma_wait3A_126 = tpu.memref_squeeze %dma_wait3A_125 : memref<1x2x128xi32, #tpu.memory_space<hbm>> -> memref<2x128xi32, #tpu.memory_space<hbm>>
          %dma_wait3A_127 = arith.constant 0 : i32
          %dma_wait3A_128 = arith.constant 0 : i32
          %dma_wait3A_129 = tpu.memref_slice %arg3[%add3A_113, %dma_wait3A_127, %dma_wait3A_128] : memref<2560x2x128xi32, #tpu.memory_space<hbm>> -> memref<1x2x128xi32, #tpu.memory_space<hbm>>
          %dma_wait3A_130 = tpu.memref_squeeze %dma_wait3A_129 : memref<1x2x128xi32, #tpu.memory_space<hbm>> -> memref<2x128xi32, #tpu.memory_space<hbm>>
          tpu.wait_dma2 semaphore(%run_scoped3A_114 : memref<!tpu.dma_semaphore, #tpu.memory_space<semaphore_mem>>) src(%dma_wait3A_130 : memref<2x128xi32, #tpu.memory_space<hbm>>) dst(%arg6 : memref<2x128xi32, #tpu.memory_space<vmem>>)
          tpu.yield
        }) : () -> ()
      } else {
      }
    }
    %barrier3A_70 = arith.constant 0 : index
    tpu.barrier barrier_id(%barrier3A_70)
    %mul3A_71 = arith.constant 640 : i32
    %mul3A_72 = arith.muli %arg1, %mul3A_71 : i32
    %mul3A_73 = arith.constant 10240 : i32
    %mul3A_74 = arith.muli %arg0, %mul3A_73 : i32
    %mul3A_75 = arith.constant 640 : i32
    %mul3A_76 = arith.muli %arg1, %mul3A_75 : i32
    %add3A_77 = arith.addi %mul3A_74, %mul3A_76 : i32
    "tpu.region"() ({
      %run_scoped3A = tpu.sem_alloc : memref<!tpu.dma_semaphore, #tpu.memory_space<semaphore_mem>>
      %dma_start3A_78 = arith.constant 0 : i32
      %dma_start3A_79 = tpu.memref_slice %arg4[%add3A_77, %dma_start3A_78] : memref<20480x128xf32, #tpu.memory_space<hbm>> -> memref<640x128xf32, #tpu.memory_space<hbm>>
      %dma_start3A_80 = arith.constant 0 : i32
      %dma_start3A_81 = tpu.memref_slice %arg9[%mul3A_72, %dma_start3A_80] : memref<10240x128xf32, #tpu.memory_space<vmem_shared>> -> memref<640x128xf32, #tpu.memory_space<vmem_shared>>
      tpu.enqueue_dma source(%dma_start3A_81 : memref<640x128xf32, #tpu.memory_space<vmem_shared>>) target(%dma_start3A_79 : memref<640x128xf32, #tpu.memory_space<hbm>>) target_semaphore(%run_scoped3A : memref<!tpu.dma_semaphore, #tpu.memory_space<semaphore_mem>>)
      %dma_wait3A = arith.constant 0 : i32
      %dma_wait3A_82 = tpu.memref_slice %arg4[%add3A_77, %dma_wait3A] : memref<20480x128xf32, #tpu.memory_space<hbm>> -> memref<640x128xf32, #tpu.memory_space<hbm>>
      %dma_wait3A_83 = arith.constant 0 : i32
      %dma_wait3A_84 = tpu.memref_slice %arg9[%mul3A_72, %dma_wait3A_83] : memref<10240x128xf32, #tpu.memory_space<vmem_shared>> -> memref<640x128xf32, #tpu.memory_space<vmem_shared>>
      tpu.wait_dma2 semaphore(%run_scoped3A : memref<!tpu.dma_semaphore, #tpu.memory_space<semaphore_mem>>) src(%dma_wait3A_84 : memref<640x128xf32, #tpu.memory_space<vmem_shared>>) dst(%dma_wait3A_82 : memref<640x128xf32, #tpu.memory_space<hbm>>)
      tpu.yield
    }) : () -> ()
    return
  }
}

#map = affine_map<(d0, d1) -> (0, 0)>
#map1 = affine_map<(d0, d1) -> (0, 0, 0)>
module attributes {stable_mosaic.version = 14 : i64} {
  func.func @sck(%arg0: i32, %arg1: i32, %arg2: memref<10240x128xf32, #tpu.memory_space<hbm>>, %arg3: memref<2560x2x128xi32, #tpu.memory_space<hbm>>, %arg4: memref<20480x128xf32, #tpu.memory_space<hbm>>, %arg5: memref<2x128xi32, #tpu.memory_space<vmem>>, %arg6: memref<2x128xi32, #tpu.memory_space<vmem>>, %arg7: memref<128x128xf32, #tpu.memory_space<vmem>>, %arg8: memref<128x128xf32, #tpu.memory_space<vmem>>, %arg9: memref<10240x128xf32, #tpu.memory_space<vmem_shared>>, %arg10: memref<!tpu.dma_semaphore, #tpu.memory_space<semaphore_mem>>, %arg11: memref<!tpu.dma_semaphore, #tpu.memory_space<semaphore_mem>>) attributes {dimension_semantics = [#tpu.dimension_semantics<core_parallel>, #tpu.dimension_semantics<subcore_parallel>], iteration_bounds = array<i64: 2, 16>, scalar_prefetch = 0 : i64, scratch_operands = 7 : i64, tpu.core_type = #tpu.core_type<sc_vector_subcore>, window_params = [{transform_indices = #map}, {transform_indices = #map1}, {transform_indices = #map}]} {
    %eq3A = arith.constant 0 : i32
    %eq3A_0 = arith.cmpi eq, %arg0, %eq3A : i32
    %jit3A = arith.constant 152 : i32
    %jit3A_1 = arith.constant 8 : i32
    %select_n3A = arith.select %eq3A_0, %jit3A, %jit3A_1 : i32
    %eq3A_2 = arith.constant 0 : i32
    %eq3A_3 = arith.cmpi eq, %arg0, %eq3A_2 : i32
    %mul3A = arith.constant 152 : i32
    %mul3A_4 = arith.muli %arg1, %mul3A : i32
    %mul3A_5 = arith.constant 8 : i32
    %mul3A_6 = arith.muli %arg1, %mul3A_5 : i32
    %add3A = arith.constant 2432 : i32
    %add3A_7 = arith.addi %add3A, %mul3A_6 : i32
    %select_n3A_8 = arith.select %eq3A_3, %mul3A_4, %add3A_7 : i32
    %broadcast_in_dim3A = arith.constant 0.000000e+00 : f32
    %broadcast_in_dim3A_9 = vector.broadcast %broadcast_in_dim3A : f32 to vector<16xf32>
    %scan3A = arith.constant 0 : i32
    %scan3A_10 = arith.constant 0 : i32
    %scan3A_11 = arith.constant 128 : i32
    %scan3A_12 = arith.addi %scan3A_10, %scan3A_11 : i32
    %scan3A_13 = arith.constant 1 : i32
    scf.for %scan3A_78 = %scan3A_10 to %scan3A_12 step %scan3A_13  : i32 {
      %swap3A = arith.index_cast %scan3A_78 : i32 to index
      %swap3A_79 = arith.constant 0 : index
      %swap3A_80 = tpu.vector_load %arg7[%swap3A, %swap3A_79] {strides = array<i32>} : memref<128x128xf32, #tpu.memory_space<vmem>>, vector<1x16xf32>,
      %swap3A_81 = vector.shape_cast %swap3A_80 : vector<1x16xf32> to vector<16xf32>
      %swap3A_82 = vector.shape_cast %broadcast_in_dim3A_9 : vector<16xf32> to vector<1x16xf32>
      tpu.vector_store %arg7[%swap3A, %swap3A_79], %swap3A_82 {strides = array<i32>} : memref<128x128xf32, #tpu.memory_space<vmem>>, vector<1x16xf32>,
      %swap3A_83 = arith.index_cast %scan3A_78 : i32 to index
      %swap3A_84 = arith.constant 16 : index
      %swap3A_85 = tpu.vector_load %arg7[%swap3A_83, %swap3A_84] {strides = array<i32>} : memref<128x128xf32, #tpu.memory_space<vmem>>, vector<1x16xf32>,
      %swap3A_86 = vector.shape_cast %swap3A_85 : vector<1x16xf32> to vector<16xf32>
      %swap3A_87 = vector.shape_cast %broadcast_in_dim3A_9 : vector<16xf32> to vector<1x16xf32>
      tpu.vector_store %arg7[%swap3A_83, %swap3A_84], %swap3A_87 {strides = array<i32>} : memref<128x128xf32, #tpu.memory_space<vmem>>, vector<1x16xf32>,
      %swap3A_88 = arith.index_cast %scan3A_78 : i32 to index
      %swap3A_89 = arith.constant 32 : index
      %swap3A_90 = tpu.vector_load %arg7[%swap3A_88, %swap3A_89] {strides = array<i32>} : memref<128x128xf32, #tpu.memory_space<vmem>>, vector<1x16xf32>,
      %swap3A_91 = vector.shape_cast %swap3A_90 : vector<1x16xf32> to vector<16xf32>
      %swap3A_92 = vector.shape_cast %broadcast_in_dim3A_9 : vector<16xf32> to vector<1x16xf32>
      tpu.vector_store %arg7[%swap3A_88, %swap3A_89], %swap3A_92 {strides = array<i32>} : memref<128x128xf32, #tpu.memory_space<vmem>>, vector<1x16xf32>,
      %swap3A_93 = arith.index_cast %scan3A_78 : i32 to index
      %swap3A_94 = arith.constant 48 : index
      %swap3A_95 = tpu.vector_load %arg7[%swap3A_93, %swap3A_94] {strides = array<i32>} : memref<128x128xf32, #tpu.memory_space<vmem>>, vector<1x16xf32>,
      %swap3A_96 = vector.shape_cast %swap3A_95 : vector<1x16xf32> to vector<16xf32>
      %swap3A_97 = vector.shape_cast %broadcast_in_dim3A_9 : vector<16xf32> to vector<1x16xf32>
      tpu.vector_store %arg7[%swap3A_93, %swap3A_94], %swap3A_97 {strides = array<i32>} : memref<128x128xf32, #tpu.memory_space<vmem>>, vector<1x16xf32>,
      %swap3A_98 = arith.index_cast %scan3A_78 : i32 to index
      %swap3A_99 = arith.constant 64 : index
      %swap3A_100 = tpu.vector_load %arg7[%swap3A_98, %swap3A_99] {strides = array<i32>} : memref<128x128xf32, #tpu.memory_space<vmem>>, vector<1x16xf32>,
      %swap3A_101 = vector.shape_cast %swap3A_100 : vector<1x16xf32> to vector<16xf32>
      %swap3A_102 = vector.shape_cast %broadcast_in_dim3A_9 : vector<16xf32> to vector<1x16xf32>
      tpu.vector_store %arg7[%swap3A_98, %swap3A_99], %swap3A_102 {strides = array<i32>} : memref<128x128xf32, #tpu.memory_space<vmem>>, vector<1x16xf32>,
      %swap3A_103 = arith.index_cast %scan3A_78 : i32 to index
      %swap3A_104 = arith.constant 80 : index
      %swap3A_105 = tpu.vector_load %arg7[%swap3A_103, %swap3A_104] {strides = array<i32>} : memref<128x128xf32, #tpu.memory_space<vmem>>, vector<1x16xf32>,
      %swap3A_106 = vector.shape_cast %swap3A_105 : vector<1x16xf32> to vector<16xf32>
      %swap3A_107 = vector.shape_cast %broadcast_in_dim3A_9 : vector<16xf32> to vector<1x16xf32>
      tpu.vector_store %arg7[%swap3A_103, %swap3A_104], %swap3A_107 {strides = array<i32>} : memref<128x128xf32, #tpu.memory_space<vmem>>, vector<1x16xf32>,
      %swap3A_108 = arith.index_cast %scan3A_78 : i32 to index
      %swap3A_109 = arith.constant 96 : index
      %swap3A_110 = tpu.vector_load %arg7[%swap3A_108, %swap3A_109] {strides = array<i32>} : memref<128x128xf32, #tpu.memory_space<vmem>>, vector<1x16xf32>,
      %swap3A_111 = vector.shape_cast %swap3A_110 : vector<1x16xf32> to vector<16xf32>
      %swap3A_112 = vector.shape_cast %broadcast_in_dim3A_9 : vector<16xf32> to vector<1x16xf32>
      tpu.vector_store %arg7[%swap3A_108, %swap3A_109], %swap3A_112 {strides = array<i32>} : memref<128x128xf32, #tpu.memory_space<vmem>>, vector<1x16xf32>,
      %swap3A_113 = arith.index_cast %scan3A_78 : i32 to index
      %swap3A_114 = arith.constant 112 : index
      %swap3A_115 = tpu.vector_load %arg7[%swap3A_113, %swap3A_114] {strides = array<i32>} : memref<128x128xf32, #tpu.memory_space<vmem>>, vector<1x16xf32>,
      %swap3A_116 = vector.shape_cast %swap3A_115 : vector<1x16xf32> to vector<16xf32>
      %swap3A_117 = vector.shape_cast %broadcast_in_dim3A_9 : vector<16xf32> to vector<1x16xf32>
      tpu.vector_store %arg7[%swap3A_113, %swap3A_114], %swap3A_117 {strides = array<i32>} : memref<128x128xf32, #tpu.memory_space<vmem>>, vector<1x16xf32>,
    }
    %scan3A_14 = arith.constant 128 : i32
    %mul3A_15 = arith.constant 640 : i32
    %mul3A_16 = arith.muli %arg1, %mul3A_15 : i32
    %add3A_17 = arith.constant 0 : i32
    %add3A_18 = arith.addi %mul3A_16, %add3A_17 : i32
    "tpu.region"() ({
      %run_scoped3A = tpu.sem_alloc : memref<!tpu.dma_semaphore, #tpu.memory_space<semaphore_mem>>
      %dma_start3A_78 = arith.constant 0 : i32
      %dma_start3A_79 = tpu.memref_slice %arg9[%add3A_18, %dma_start3A_78] : memref<10240x128xf32, #tpu.memory_space<vmem_shared>> -> memref<128x128xf32, #tpu.memory_space<vmem_shared>>
      %dma_start3A_80 = arith.constant 0 : i32
      %dma_start3A_81 = tpu.memref_slice %arg9[%add3A_18, %dma_start3A_80] : memref<10240x128xf32, #tpu.memory_space<vmem_shared>> -> memref<128x128xf32, #tpu.memory_space<vmem_shared>>
      tpu.enqueue_dma source(%arg7 : memref<128x128xf32, #tpu.memory_space<vmem>>) target(%dma_start3A_81 : memref<128x128xf32, #tpu.memory_space<vmem_shared>>) target_semaphore(%run_scoped3A : memref<!tpu.dma_semaphore, #tpu.memory_space<semaphore_mem>>)
      %dma_wait3A = arith.constant 0 : i32
      %dma_wait3A_82 = tpu.memref_slice %arg9[%add3A_18, %dma_wait3A] : memref<10240x128xf32, #tpu.memory_space<vmem_shared>> -> memref<128x128xf32, #tpu.memory_space<vmem_shared>>
      %dma_wait3A_83 = arith.constant 0 : i32
      %dma_wait3A_84 = tpu.memref_slice %arg9[%add3A_18, %dma_wait3A_83] : memref<10240x128xf32, #tpu.memory_space<vmem_shared>> -> memref<128x128xf32, #tpu.memory_space<vmem_shared>>
      tpu.wait_dma2 semaphore(%run_scoped3A : memref<!tpu.dma_semaphore, #tpu.memory_space<semaphore_mem>>) src(%arg7 : memref<128x128xf32, #tpu.memory_space<vmem>>) dst(%dma_wait3A_84 : memref<128x128xf32, #tpu.memory_space<vmem_shared>>)
      tpu.yield
    }) : () -> ()
    %mul3A_19 = arith.constant 640 : i32
    %mul3A_20 = arith.muli %arg1, %mul3A_19 : i32
    %add3A_21 = arith.constant 128 : i32
    %add3A_22 = arith.addi %mul3A_20, %add3A_21 : i32
    "tpu.region"() ({
      %run_scoped3A = tpu.sem_alloc : memref<!tpu.dma_semaphore, #tpu.memory_space<semaphore_mem>>
      %dma_start3A_78 = arith.constant 0 : i32
      %dma_start3A_79 = tpu.memref_slice %arg9[%add3A_22, %dma_start3A_78] : memref<10240x128xf32, #tpu.memory_space<vmem_shared>> -> memref<128x128xf32, #tpu.memory_space<vmem_shared>>
      %dma_start3A_80 = arith.constant 0 : i32
      %dma_start3A_81 = tpu.memref_slice %arg9[%add3A_22, %dma_start3A_80] : memref<10240x128xf32, #tpu.memory_space<vmem_shared>> -> memref<128x128xf32, #tpu.memory_space<vmem_shared>>
      tpu.enqueue_dma source(%arg7 : memref<128x128xf32, #tpu.memory_space<vmem>>) target(%dma_start3A_81 : memref<128x128xf32, #tpu.memory_space<vmem_shared>>) target_semaphore(%run_scoped3A : memref<!tpu.dma_semaphore, #tpu.memory_space<semaphore_mem>>)
      %dma_wait3A = arith.constant 0 : i32
      %dma_wait3A_82 = tpu.memref_slice %arg9[%add3A_22, %dma_wait3A] : memref<10240x128xf32, #tpu.memory_space<vmem_shared>> -> memref<128x128xf32, #tpu.memory_space<vmem_shared>>
      %dma_wait3A_83 = arith.constant 0 : i32
      %dma_wait3A_84 = tpu.memref_slice %arg9[%add3A_22, %dma_wait3A_83] : memref<10240x128xf32, #tpu.memory_space<vmem_shared>> -> memref<128x128xf32, #tpu.memory_space<vmem_shared>>
      tpu.wait_dma2 semaphore(%run_scoped3A : memref<!tpu.dma_semaphore, #tpu.memory_space<semaphore_mem>>) src(%arg7 : memref<128x128xf32, #tpu.memory_space<vmem>>) dst(%dma_wait3A_84 : memref<128x128xf32, #tpu.memory_space<vmem_shared>>)
      tpu.yield
    }) : () -> ()
    %mul3A_23 = arith.constant 640 : i32
    %mul3A_24 = arith.muli %arg1, %mul3A_23 : i32
    %add3A_25 = arith.constant 256 : i32
    %add3A_26 = arith.addi %mul3A_24, %add3A_25 : i32
    "tpu.region"() ({
      %run_scoped3A = tpu.sem_alloc : memref<!tpu.dma_semaphore, #tpu.memory_space<semaphore_mem>>
      %dma_start3A_78 = arith.constant 0 : i32
      %dma_start3A_79 = tpu.memref_slice %arg9[%add3A_26, %dma_start3A_78] : memref<10240x128xf32, #tpu.memory_space<vmem_shared>> -> memref<128x128xf32, #tpu.memory_space<vmem_shared>>
      %dma_start3A_80 = arith.constant 0 : i32
      %dma_start3A_81 = tpu.memref_slice %arg9[%add3A_26, %dma_start3A_80] : memref<10240x128xf32, #tpu.memory_space<vmem_shared>> -> memref<128x128xf32, #tpu.memory_space<vmem_shared>>
      tpu.enqueue_dma source(%arg7 : memref<128x128xf32, #tpu.memory_space<vmem>>) target(%dma_start3A_81 : memref<128x128xf32, #tpu.memory_space<vmem_shared>>) target_semaphore(%run_scoped3A : memref<!tpu.dma_semaphore, #tpu.memory_space<semaphore_mem>>)
      %dma_wait3A = arith.constant 0 : i32
      %dma_wait3A_82 = tpu.memref_slice %arg9[%add3A_26, %dma_wait3A] : memref<10240x128xf32, #tpu.memory_space<vmem_shared>> -> memref<128x128xf32, #tpu.memory_space<vmem_shared>>
      %dma_wait3A_83 = arith.constant 0 : i32
      %dma_wait3A_84 = tpu.memref_slice %arg9[%add3A_26, %dma_wait3A_83] : memref<10240x128xf32, #tpu.memory_space<vmem_shared>> -> memref<128x128xf32, #tpu.memory_space<vmem_shared>>
      tpu.wait_dma2 semaphore(%run_scoped3A : memref<!tpu.dma_semaphore, #tpu.memory_space<semaphore_mem>>) src(%arg7 : memref<128x128xf32, #tpu.memory_space<vmem>>) dst(%dma_wait3A_84 : memref<128x128xf32, #tpu.memory_space<vmem_shared>>)
      tpu.yield
    }) : () -> ()
    %mul3A_27 = arith.constant 640 : i32
    %mul3A_28 = arith.muli %arg1, %mul3A_27 : i32
    %add3A_29 = arith.constant 384 : i32
    %add3A_30 = arith.addi %mul3A_28, %add3A_29 : i32
    "tpu.region"() ({
      %run_scoped3A = tpu.sem_alloc : memref<!tpu.dma_semaphore, #tpu.memory_space<semaphore_mem>>
      %dma_start3A_78 = arith.constant 0 : i32
      %dma_start3A_79 = tpu.memref_slice %arg9[%add3A_30, %dma_start3A_78] : memref<10240x128xf32, #tpu.memory_space<vmem_shared>> -> memref<128x128xf32, #tpu.memory_space<vmem_shared>>
      %dma_start3A_80 = arith.constant 0 : i32
      %dma_start3A_81 = tpu.memref_slice %arg9[%add3A_30, %dma_start3A_80] : memref<10240x128xf32, #tpu.memory_space<vmem_shared>> -> memref<128x128xf32, #tpu.memory_space<vmem_shared>>
      tpu.enqueue_dma source(%arg7 : memref<128x128xf32, #tpu.memory_space<vmem>>) target(%dma_start3A_81 : memref<128x128xf32, #tpu.memory_space<vmem_shared>>) target_semaphore(%run_scoped3A : memref<!tpu.dma_semaphore, #tpu.memory_space<semaphore_mem>>)
      %dma_wait3A = arith.constant 0 : i32
      %dma_wait3A_82 = tpu.memref_slice %arg9[%add3A_30, %dma_wait3A] : memref<10240x128xf32, #tpu.memory_space<vmem_shared>> -> memref<128x128xf32, #tpu.memory_space<vmem_shared>>
      %dma_wait3A_83 = arith.constant 0 : i32
      %dma_wait3A_84 = tpu.memref_slice %arg9[%add3A_30, %dma_wait3A_83] : memref<10240x128xf32, #tpu.memory_space<vmem_shared>> -> memref<128x128xf32, #tpu.memory_space<vmem_shared>>
      tpu.wait_dma2 semaphore(%run_scoped3A : memref<!tpu.dma_semaphore, #tpu.memory_space<semaphore_mem>>) src(%arg7 : memref<128x128xf32, #tpu.memory_space<vmem>>) dst(%dma_wait3A_84 : memref<128x128xf32, #tpu.memory_space<vmem_shared>>)
      tpu.yield
    }) : () -> ()
    %mul3A_31 = arith.constant 640 : i32
    %mul3A_32 = arith.muli %arg1, %mul3A_31 : i32
    %add3A_33 = arith.constant 512 : i32
    %add3A_34 = arith.addi %mul3A_32, %add3A_33 : i32
    "tpu.region"() ({
      %run_scoped3A = tpu.sem_alloc : memref<!tpu.dma_semaphore, #tpu.memory_space<semaphore_mem>>
      %dma_start3A_78 = arith.constant 0 : i32
      %dma_start3A_79 = tpu.memref_slice %arg9[%add3A_34, %dma_start3A_78] : memref<10240x128xf32, #tpu.memory_space<vmem_shared>> -> memref<128x128xf32, #tpu.memory_space<vmem_shared>>
      %dma_start3A_80 = arith.constant 0 : i32
      %dma_start3A_81 = tpu.memref_slice %arg9[%add3A_34, %dma_start3A_80] : memref<10240x128xf32, #tpu.memory_space<vmem_shared>> -> memref<128x128xf32, #tpu.memory_space<vmem_shared>>
      tpu.enqueue_dma source(%arg7 : memref<128x128xf32, #tpu.memory_space<vmem>>) target(%dma_start3A_81 : memref<128x128xf32, #tpu.memory_space<vmem_shared>>) target_semaphore(%run_scoped3A : memref<!tpu.dma_semaphore, #tpu.memory_space<semaphore_mem>>)
      %dma_wait3A = arith.constant 0 : i32
      %dma_wait3A_82 = tpu.memref_slice %arg9[%add3A_34, %dma_wait3A] : memref<10240x128xf32, #tpu.memory_space<vmem_shared>> -> memref<128x128xf32, #tpu.memory_space<vmem_shared>>
      %dma_wait3A_83 = arith.constant 0 : i32
      %dma_wait3A_84 = tpu.memref_slice %arg9[%add3A_34, %dma_wait3A_83] : memref<10240x128xf32, #tpu.memory_space<vmem_shared>> -> memref<128x128xf32, #tpu.memory_space<vmem_shared>>
      tpu.wait_dma2 semaphore(%run_scoped3A : memref<!tpu.dma_semaphore, #tpu.memory_space<semaphore_mem>>) src(%arg7 : memref<128x128xf32, #tpu.memory_space<vmem>>) dst(%dma_wait3A_84 : memref<128x128xf32, #tpu.memory_space<vmem_shared>>)
      tpu.yield
    }) : () -> ()
    %barrier3A = arith.constant 0 : index
    tpu.barrier barrier_id(%barrier3A)
    "tpu.region"() ({
      %run_scoped3A = tpu.sem_alloc : memref<!tpu.dma_semaphore, #tpu.memory_space<semaphore_mem>>
      %dma_start3A_78 = arith.constant 0 : i32
      %dma_start3A_79 = arith.constant 0 : i32
      %dma_start3A_80 = tpu.memref_slice %arg3[%select_n3A_8, %dma_start3A_78, %dma_start3A_79] : memref<2560x2x128xi32, #tpu.memory_space<hbm>> -> memref<1x2x128xi32, #tpu.memory_space<hbm>>
      %dma_start3A_81 = tpu.memref_squeeze %dma_start3A_80 : memref<1x2x128xi32, #tpu.memory_space<hbm>> -> memref<2x128xi32, #tpu.memory_space<hbm>>
      %dma_start3A_82 = arith.constant 0 : i32
      %dma_start3A_83 = arith.constant 0 : i32
      %dma_start3A_84 = tpu.memref_slice %arg3[%select_n3A_8, %dma_start3A_82, %dma_start3A_83] : memref<2560x2x128xi32, #tpu.memory_space<hbm>> -> memref<1x2x128xi32, #tpu.memory_space<hbm>>
      %dma_start3A_85 = tpu.memref_squeeze %dma_start3A_84 : memref<1x2x128xi32, #tpu.memory_space<hbm>> -> memref<2x128xi32, #tpu.memory_space<hbm>>
      tpu.enqueue_dma source(%dma_start3A_85 : memref<2x128xi32, #tpu.memory_space<hbm>>) target(%arg5 : memref<2x128xi32, #tpu.memory_space<vmem>>) target_semaphore(%run_scoped3A : memref<!tpu.dma_semaphore, #tpu.memory_space<semaphore_mem>>)
      %dma_wait3A = arith.constant 0 : i32
      %dma_wait3A_86 = arith.constant 0 : i32
      %dma_wait3A_87 = tpu.memref_slice %arg3[%select_n3A_8, %dma_wait3A, %dma_wait3A_86] : memref<2560x2x128xi32, #tpu.memory_space<hbm>> -> memref<1x2x128xi32, #tpu.memory_space<hbm>>
      %dma_wait3A_88 = tpu.memref_squeeze %dma_wait3A_87 : memref<1x2x128xi32, #tpu.memory_space<hbm>> -> memref<2x128xi32, #tpu.memory_space<hbm>>
      %dma_wait3A_89 = arith.constant 0 : i32
      %dma_wait3A_90 = arith.constant 0 : i32
      %dma_wait3A_91 = tpu.memref_slice %arg3[%select_n3A_8, %dma_wait3A_89, %dma_wait3A_90] : memref<2560x2x128xi32, #tpu.memory_space<hbm>> -> memref<1x2x128xi32, #tpu.memory_space<hbm>>
      %dma_wait3A_92 = tpu.memref_squeeze %dma_wait3A_91 : memref<1x2x128xi32, #tpu.memory_space<hbm>> -> memref<2x128xi32, #tpu.memory_space<hbm>>
      tpu.wait_dma2 semaphore(%run_scoped3A : memref<!tpu.dma_semaphore, #tpu.memory_space<semaphore_mem>>) src(%dma_wait3A_92 : memref<2x128xi32, #tpu.memory_space<hbm>>) dst(%arg5 : memref<2x128xi32, #tpu.memory_space<vmem>>)
      tpu.yield
    }) : () -> ()
    %dma_start3A = arith.constant 0 : i32
    %dma_start3A_35 = arith.constant 0 : i32
    %dma_start3A_36 = tpu.memref_slice %arg5[%dma_start3A, %dma_start3A_35] : memref<2x128xi32, #tpu.memory_space<vmem>> -> memref<1x128xi32, #tpu.memory_space<vmem>>
    %dma_start3A_37 = tpu.memref_squeeze %dma_start3A_36 : memref<1x128xi32, #tpu.memory_space<vmem>> -> memref<128xi32, #tpu.memory_space<vmem>>
    %dma_start3A_38 = arith.constant 0 : i32
    %dma_start3A_39 = arith.constant 0 : i32
    %dma_start3A_40 = tpu.memref_slice %arg2[%dma_start3A_38, %dma_start3A_39] : memref<10240x128xf32, #tpu.memory_space<hbm>> -> memref<10240x128xf32, #tpu.memory_space<hbm>>
    tpu.enqueue_indirect_dma source(%dma_start3A_40 : memref<10240x128xf32, #tpu.memory_space<hbm>>) target(%arg7 : memref<128x128xf32, #tpu.memory_space<vmem>>) offsets(%dma_start3A_37 : memref<128xi32, #tpu.memory_space<vmem>>) semaphore(%arg10 : memref<!tpu.dma_semaphore, #tpu.memory_space<semaphore_mem>>)
    %add3A_41 = arith.constant 1 : i32
    %add3A_42 = arith.addi %select_n3A_8, %add3A_41 : i32
    "tpu.region"() ({
      %run_scoped3A = tpu.sem_alloc : memref<!tpu.dma_semaphore, #tpu.memory_space<semaphore_mem>>
      %dma_start3A_78 = arith.constant 0 : i32
      %dma_start3A_79 = arith.constant 0 : i32
      %dma_start3A_80 = tpu.memref_slice %arg3[%add3A_42, %dma_start3A_78, %dma_start3A_79] : memref<2560x2x128xi32, #tpu.memory_space<hbm>> -> memref<1x2x128xi32, #tpu.memory_space<hbm>>
      %dma_start3A_81 = tpu.memref_squeeze %dma_start3A_80 : memref<1x2x128xi32, #tpu.memory_space<hbm>> -> memref<2x128xi32, #tpu.memory_space<hbm>>
      %dma_start3A_82 = arith.constant 0 : i32
      %dma_start3A_83 = arith.constant 0 : i32
      %dma_start3A_84 = tpu.memref_slice %arg3[%add3A_42, %dma_start3A_82, %dma_start3A_83] : memref<2560x2x128xi32, #tpu.memory_space<hbm>> -> memref<1x2x128xi32, #tpu.memory_space<hbm>>
      %dma_start3A_85 = tpu.memref_squeeze %dma_start3A_84 : memref<1x2x128xi32, #tpu.memory_space<hbm>> -> memref<2x128xi32, #tpu.memory_space<hbm>>
      tpu.enqueue_dma source(%dma_start3A_85 : memref<2x128xi32, #tpu.memory_space<hbm>>) target(%arg6 : memref<2x128xi32, #tpu.memory_space<vmem>>) target_semaphore(%run_scoped3A : memref<!tpu.dma_semaphore, #tpu.memory_space<semaphore_mem>>)
      %dma_wait3A = arith.constant 0 : i32
      %dma_wait3A_86 = arith.constant 0 : i32
      %dma_wait3A_87 = tpu.memref_slice %arg3[%add3A_42, %dma_wait3A, %dma_wait3A_86] : memref<2560x2x128xi32, #tpu.memory_space<hbm>> -> memref<1x2x128xi32, #tpu.memory_space<hbm>>
      %dma_wait3A_88 = tpu.memref_squeeze %dma_wait3A_87 : memref<1x2x128xi32, #tpu.memory_space<hbm>> -> memref<2x128xi32, #tpu.memory_space<hbm>>
      %dma_wait3A_89 = arith.constant 0 : i32
      %dma_wait3A_90 = arith.constant 0 : i32
      %dma_wait3A_91 = tpu.memref_slice %arg3[%add3A_42, %dma_wait3A_89, %dma_wait3A_90] : memref<2560x2x128xi32, #tpu.memory_space<hbm>> -> memref<1x2x128xi32, #tpu.memory_space<hbm>>
      %dma_wait3A_92 = tpu.memref_squeeze %dma_wait3A_91 : memref<1x2x128xi32, #tpu.memory_space<hbm>> -> memref<2x128xi32, #tpu.memory_space<hbm>>
      tpu.wait_dma2 semaphore(%run_scoped3A : memref<!tpu.dma_semaphore, #tpu.memory_space<semaphore_mem>>) src(%dma_wait3A_92 : memref<2x128xi32, #tpu.memory_space<hbm>>) dst(%arg6 : memref<2x128xi32, #tpu.memory_space<vmem>>)
      tpu.yield
    }) : () -> ()
    %jit3A_43 = arith.constant 2 : i32
    %div3A = arith.divsi %select_n3A, %jit3A_43 : i32
    %sign3A = arith.constant 0 : i32
    %sign3A_44 = arith.cmpi sgt, %select_n3A, %sign3A : i32
    %sign3A_45 = arith.extui %sign3A_44 : i1 to i32
    %sign3A_46 = arith.constant 0 : i32
    %sign3A_47 = arith.cmpi slt, %select_n3A, %sign3A_46 : i32
    %sign3A_48 = arith.extui %sign3A_47 : i1 to i32
    %sign3A_49 = arith.subi %sign3A_45, %sign3A_48 : i32
    %sign3A_50 = arith.constant 0 : i32
    %sign3A_51 = arith.cmpi sgt, %jit3A_43, %sign3A_50 : i32
    %sign3A_52 = arith.extui %sign3A_51 : i1 to i32
    %sign3A_53 = arith.constant 0 : i32
    %sign3A_54 = arith.cmpi slt, %jit3A_43, %sign3A_53 : i32
    %sign3A_55 = arith.extui %sign3A_54 : i1 to i32
    %sign3A_56 = arith.subi %sign3A_52, %sign3A_55 : i32
    %ne3A = arith.cmpi ne, %sign3A_49, %sign3A_56 : i32
    %rem3A = arith.remsi %select_n3A, %jit3A_43 : i32
    %ne3A_57 = arith.constant 0 : i32
    %ne3A_58 = arith.cmpi ne, %rem3A, %ne3A_57 : i32
    %and3A = arith.andi %ne3A, %ne3A_58 : i1
    %sub3A = arith.constant 1 : i32
    %sub3A_59 = arith.subi %div3A, %sub3A : i32
    %select_n3A_60 = arith.select %and3A, %sub3A_59, %div3A : i32
    %while3A = arith.constant 0 : i32
    %while3A_61 = arith.constant 0 : i32
    %while3A_62 = arith.subi %select_n3A_60, %while3A_61 : i32
    %while3A_63 = arith.addi %while3A_61, %while3A_62 : i32
    %while3A_64 = arith.constant 1 : i32
    %while3A_65 = arith.divsi %while3A_62, %while3A_64 : i32
    %while3A_66 = arith.muli %while3A_65, %while3A_64 : i32
    %while3A_67 = arith.addi %while3A_61, %while3A_66 : i32
    %while3A_68 = arith.constant 1 : i32
    scf.for %while3A_78 = %while3A_61 to %while3A_67 step %while3A_68  : i32 {
      %mul3A_79 = arith.constant 2 : i32
      %mul3A_80 = arith.muli %while3A_78, %mul3A_79 : i32
      %dma_start3A_81 = arith.constant 0 : i32
      %dma_start3A_82 = arith.constant 0 : i32
      %dma_start3A_83 = tpu.memref_slice %arg6[%dma_start3A_81, %dma_start3A_82] : memref<2x128xi32, #tpu.memory_space<vmem>> -> memref<1x128xi32, #tpu.memory_space<vmem>>
      %dma_start3A_84 = tpu.memref_squeeze %dma_start3A_83 : memref<1x128xi32, #tpu.memory_space<vmem>> -> memref<128xi32, #tpu.memory_space<vmem>>
      %dma_start3A_85 = arith.constant 0 : i32
      %dma_start3A_86 = arith.constant 0 : i32
      %dma_start3A_87 = tpu.memref_slice %arg2[%dma_start3A_85, %dma_start3A_86] : memref<10240x128xf32, #tpu.memory_space<hbm>> -> memref<10240x128xf32, #tpu.memory_space<hbm>>
      tpu.enqueue_indirect_dma source(%dma_start3A_87 : memref<10240x128xf32, #tpu.memory_space<hbm>>) target(%arg8 : memref<128x128xf32, #tpu.memory_space<vmem>>) offsets(%dma_start3A_84 : memref<128xi32, #tpu.memory_space<vmem>>) semaphore(%arg11 : memref<!tpu.dma_semaphore, #tpu.memory_space<semaphore_mem>>)
      %dma_wait3A = arith.constant 0 : i32
      %dma_wait3A_88 = arith.constant 0 : i32
      %dma_wait3A_89 = tpu.memref_slice %arg5[%dma_wait3A, %dma_wait3A_88] : memref<2x128xi32, #tpu.memory_space<vmem>> -> memref<1x128xi32, #tpu.memory_space<vmem>>
      %dma_wait3A_90 = tpu.memref_squeeze %dma_wait3A_89 : memref<1x128xi32, #tpu.memory_space<vmem>> -> memref<128xi32, #tpu.memory_space<vmem>>
      %dma_wait3A_91 = arith.constant 0 : i32
      %dma_wait3A_92 = arith.constant 0 : i32
      %dma_wait3A_93 = tpu.memref_slice %arg2[%dma_wait3A_91, %dma_wait3A_92] : memref<10240x128xf32, #tpu.memory_space<hbm>> -> memref<10240x128xf32, #tpu.memory_space<hbm>>
      tpu.wait_indirect_dma semaphore(%arg10 : memref<!tpu.dma_semaphore, #tpu.memory_space<semaphore_mem>>) src(%dma_wait3A_93 : memref<10240x128xf32, #tpu.memory_space<hbm>>) dst(%arg7 : memref<128x128xf32, #tpu.memory_space<vmem>>)
      %run_scoped3A = arith.constant 1 : i32
      "tpu.region"() ({
        %run_scoped3A_111 = tpu.sem_alloc : memref<!tpu.dma_semaphore, #tpu.memory_space<semaphore_mem>>
        %dma_start3A_112 = arith.constant 0 : i32
        %dma_start3A_113 = tpu.memref_slice %arg5[%run_scoped3A, %dma_start3A_112] : memref<2x128xi32, #tpu.memory_space<vmem>> -> memref<1x128xi32, #tpu.memory_space<vmem>>
        %dma_start3A_114 = tpu.memref_squeeze %dma_start3A_113 : memref<1x128xi32, #tpu.memory_space<vmem>> -> memref<128xi32, #tpu.memory_space<vmem>>
        %dma_start3A_115 = arith.constant 0 : i32
        %dma_start3A_116 = arith.constant 0 : i32
        %dma_start3A_117 = tpu.memref_slice %arg9[%dma_start3A_115, %dma_start3A_116] : memref<10240x128xf32, #tpu.memory_space<vmem_shared>> -> memref<10240x128xf32, #tpu.memory_space<vmem_shared>>
        tpu.enqueue_indirect_dma source(%arg7 : memref<128x128xf32, #tpu.memory_space<vmem>>) target(%dma_start3A_117 : memref<10240x128xf32, #tpu.memory_space<vmem_shared>>) offsets(%dma_start3A_114 : memref<128xi32, #tpu.memory_space<vmem>>) semaphore(%run_scoped3A_111 : memref<!tpu.dma_semaphore, #tpu.memory_space<semaphore_mem>>) {add = true}
        %dma_wait3A_118 = arith.constant 0 : i32
        %dma_wait3A_119 = tpu.memref_slice %arg5[%run_scoped3A, %dma_wait3A_118] : memref<2x128xi32, #tpu.memory_space<vmem>> -> memref<1x128xi32, #tpu.memory_space<vmem>>
        %dma_wait3A_120 = tpu.memref_squeeze %dma_wait3A_119 : memref<1x128xi32, #tpu.memory_space<vmem>> -> memref<128xi32, #tpu.memory_space<vmem>>
        %dma_wait3A_121 = arith.constant 0 : i32
        %dma_wait3A_122 = arith.constant 0 : i32
        %dma_wait3A_123 = tpu.memref_slice %arg9[%dma_wait3A_121, %dma_wait3A_122] : memref<10240x128xf32, #tpu.memory_space<vmem_shared>> -> memref<10240x128xf32, #tpu.memory_space<vmem_shared>>
        tpu.wait_indirect_dma semaphore(%run_scoped3A_111 : memref<!tpu.dma_semaphore, #tpu.memory_space<semaphore_mem>>) src(%arg7 : memref<128x128xf32, #tpu.memory_space<vmem>>) dst(%dma_wait3A_123 : memref<10240x128xf32, #tpu.memory_space<vmem_shared>>)
        tpu.yield
      }) : () -> ()
      %add3A_94 = arith.constant 2 : i32
      %add3A_95 = arith.addi %mul3A_80, %add3A_94 : i32
      %lt3A = arith.cmpi slt, %add3A_95, %select_n3A : i32
      %convert_element_type3A = arith.extui %lt3A : i1 to i32
      %cond3A = arith.constant 0 : i32
      %cond3A_96 = arith.cmpi ne, %convert_element_type3A, %cond3A : i32
      scf.if %cond3A_96 {
        %add3A_111 = arith.addi %select_n3A_8, %mul3A_80 : i32
        %add3A_112 = arith.constant 2 : i32
        %add3A_113 = arith.addi %add3A_111, %add3A_112 : i32
        "tpu.region"() ({
          %run_scoped3A_121 = tpu.sem_alloc : memref<!tpu.dma_semaphore, #tpu.memory_space<semaphore_mem>>
          %dma_start3A_122 = arith.constant 0 : i32
          %dma_start3A_123 = arith.constant 0 : i32
          %dma_start3A_124 = tpu.memref_slice %arg3[%add3A_113, %dma_start3A_122, %dma_start3A_123] : memref<2560x2x128xi32, #tpu.memory_space<hbm>> -> memref<1x2x128xi32, #tpu.memory_space<hbm>>
          %dma_start3A_125 = tpu.memref_squeeze %dma_start3A_124 : memref<1x2x128xi32, #tpu.memory_space<hbm>> -> memref<2x128xi32, #tpu.memory_space<hbm>>
          %dma_start3A_126 = arith.constant 0 : i32
          %dma_start3A_127 = arith.constant 0 : i32
          %dma_start3A_128 = tpu.memref_slice %arg3[%add3A_113, %dma_start3A_126, %dma_start3A_127] : memref<2560x2x128xi32, #tpu.memory_space<hbm>> -> memref<1x2x128xi32, #tpu.memory_space<hbm>>
          %dma_start3A_129 = tpu.memref_squeeze %dma_start3A_128 : memref<1x2x128xi32, #tpu.memory_space<hbm>> -> memref<2x128xi32, #tpu.memory_space<hbm>>
          tpu.enqueue_dma source(%dma_start3A_129 : memref<2x128xi32, #tpu.memory_space<hbm>>) target(%arg5 : memref<2x128xi32, #tpu.memory_space<vmem>>) target_semaphore(%run_scoped3A_121 : memref<!tpu.dma_semaphore, #tpu.memory_space<semaphore_mem>>)
          %dma_wait3A_130 = arith.constant 0 : i32
          %dma_wait3A_131 = arith.constant 0 : i32
          %dma_wait3A_132 = tpu.memref_slice %arg3[%add3A_113, %dma_wait3A_130, %dma_wait3A_131] : memref<2560x2x128xi32, #tpu.memory_space<hbm>> -> memref<1x2x128xi32, #tpu.memory_space<hbm>>
          %dma_wait3A_133 = tpu.memref_squeeze %dma_wait3A_132 : memref<1x2x128xi32, #tpu.memory_space<hbm>> -> memref<2x128xi32, #tpu.memory_space<hbm>>
          %dma_wait3A_134 = arith.constant 0 : i32
          %dma_wait3A_135 = arith.constant 0 : i32
          %dma_wait3A_136 = tpu.memref_slice %arg3[%add3A_113, %dma_wait3A_134, %dma_wait3A_135] : memref<2560x2x128xi32, #tpu.memory_space<hbm>> -> memref<1x2x128xi32, #tpu.memory_space<hbm>>
          %dma_wait3A_137 = tpu.memref_squeeze %dma_wait3A_136 : memref<1x2x128xi32, #tpu.memory_space<hbm>> -> memref<2x128xi32, #tpu.memory_space<hbm>>
          tpu.wait_dma2 semaphore(%run_scoped3A_121 : memref<!tpu.dma_semaphore, #tpu.memory_space<semaphore_mem>>) src(%dma_wait3A_137 : memref<2x128xi32, #tpu.memory_space<hbm>>) dst(%arg5 : memref<2x128xi32, #tpu.memory_space<vmem>>)
          tpu.yield
        }) : () -> ()
        %dma_start3A_114 = arith.constant 0 : i32
        %dma_start3A_115 = arith.constant 0 : i32
        %dma_start3A_116 = tpu.memref_slice %arg5[%dma_start3A_114, %dma_start3A_115] : memref<2x128xi32, #tpu.memory_space<vmem>> -> memref<1x128xi32, #tpu.memory_space<vmem>>
        %dma_start3A_117 = tpu.memref_squeeze %dma_start3A_116 : memref<1x128xi32, #tpu.memory_space<vmem>> -> memref<128xi32, #tpu.memory_space<vmem>>
        %dma_start3A_118 = arith.constant 0 : i32
        %dma_start3A_119 = arith.constant 0 : i32
        %dma_start3A_120 = tpu.memref_slice %arg2[%dma_start3A_118, %dma_start3A_119] : memref<10240x128xf32, #tpu.memory_space<hbm>> -> memref<10240x128xf32, #tpu.memory_space<hbm>>
        tpu.enqueue_indirect_dma source(%dma_start3A_120 : memref<10240x128xf32, #tpu.memory_space<hbm>>) target(%arg7 : memref<128x128xf32, #tpu.memory_space<vmem>>) offsets(%dma_start3A_117 : memref<128xi32, #tpu.memory_space<vmem>>) semaphore(%arg10 : memref<!tpu.dma_semaphore, #tpu.memory_space<semaphore_mem>>)
      } else {
      }
      %dma_wait3A_97 = arith.constant 0 : i32
      %dma_wait3A_98 = arith.constant 0 : i32
      %dma_wait3A_99 = tpu.memref_slice %arg6[%dma_wait3A_97, %dma_wait3A_98] : memref<2x128xi32, #tpu.memory_space<vmem>> -> memref<1x128xi32, #tpu.memory_space<vmem>>
      %dma_wait3A_100 = tpu.memref_squeeze %dma_wait3A_99 : memref<1x128xi32, #tpu.memory_space<vmem>> -> memref<128xi32, #tpu.memory_space<vmem>>
      %dma_wait3A_101 = arith.constant 0 : i32
      %dma_wait3A_102 = arith.constant 0 : i32
      %dma_wait3A_103 = tpu.memref_slice %arg2[%dma_wait3A_101, %dma_wait3A_102] : memref<10240x128xf32, #tpu.memory_space<hbm>> -> memref<10240x128xf32, #tpu.memory_space<hbm>>
      tpu.wait_indirect_dma semaphore(%arg11 : memref<!tpu.dma_semaphore, #tpu.memory_space<semaphore_mem>>) src(%dma_wait3A_103 : memref<10240x128xf32, #tpu.memory_space<hbm>>) dst(%arg8 : memref<128x128xf32, #tpu.memory_space<vmem>>)
      %run_scoped3A_104 = arith.constant 1 : i32
      "tpu.region"() ({
        %run_scoped3A_111 = tpu.sem_alloc : memref<!tpu.dma_semaphore, #tpu.memory_space<semaphore_mem>>
        %dma_start3A_112 = arith.constant 0 : i32
        %dma_start3A_113 = tpu.memref_slice %arg6[%run_scoped3A_104, %dma_start3A_112] : memref<2x128xi32, #tpu.memory_space<vmem>> -> memref<1x128xi32, #tpu.memory_space<vmem>>
        %dma_start3A_114 = tpu.memref_squeeze %dma_start3A_113 : memref<1x128xi32, #tpu.memory_space<vmem>> -> memref<128xi32, #tpu.memory_space<vmem>>
        %dma_start3A_115 = arith.constant 0 : i32
        %dma_start3A_116 = arith.constant 0 : i32
        %dma_start3A_117 = tpu.memref_slice %arg9[%dma_start3A_115, %dma_start3A_116] : memref<10240x128xf32, #tpu.memory_space<vmem_shared>> -> memref<10240x128xf32, #tpu.memory_space<vmem_shared>>
        tpu.enqueue_indirect_dma source(%arg8 : memref<128x128xf32, #tpu.memory_space<vmem>>) target(%dma_start3A_117 : memref<10240x128xf32, #tpu.memory_space<vmem_shared>>) offsets(%dma_start3A_114 : memref<128xi32, #tpu.memory_space<vmem>>) semaphore(%run_scoped3A_111 : memref<!tpu.dma_semaphore, #tpu.memory_space<semaphore_mem>>) {add = true}
        %dma_wait3A_118 = arith.constant 0 : i32
        %dma_wait3A_119 = tpu.memref_slice %arg6[%run_scoped3A_104, %dma_wait3A_118] : memref<2x128xi32, #tpu.memory_space<vmem>> -> memref<1x128xi32, #tpu.memory_space<vmem>>
        %dma_wait3A_120 = tpu.memref_squeeze %dma_wait3A_119 : memref<1x128xi32, #tpu.memory_space<vmem>> -> memref<128xi32, #tpu.memory_space<vmem>>
        %dma_wait3A_121 = arith.constant 0 : i32
        %dma_wait3A_122 = arith.constant 0 : i32
        %dma_wait3A_123 = tpu.memref_slice %arg9[%dma_wait3A_121, %dma_wait3A_122] : memref<10240x128xf32, #tpu.memory_space<vmem_shared>> -> memref<10240x128xf32, #tpu.memory_space<vmem_shared>>
        tpu.wait_indirect_dma semaphore(%run_scoped3A_111 : memref<!tpu.dma_semaphore, #tpu.memory_space<semaphore_mem>>) src(%arg8 : memref<128x128xf32, #tpu.memory_space<vmem>>) dst(%dma_wait3A_123 : memref<10240x128xf32, #tpu.memory_space<vmem_shared>>)
        tpu.yield
      }) : () -> ()
      %add3A_105 = arith.constant 3 : i32
      %add3A_106 = arith.addi %mul3A_80, %add3A_105 : i32
      %lt3A_107 = arith.cmpi slt, %add3A_106, %select_n3A : i32
      %convert_element_type3A_108 = arith.extui %lt3A_107 : i1 to i32
      %cond3A_109 = arith.constant 0 : i32
      %cond3A_110 = arith.cmpi ne, %convert_element_type3A_108, %cond3A_109 : i32
      scf.if %cond3A_110 {
        %add3A_111 = arith.addi %select_n3A_8, %mul3A_80 : i32
        %add3A_112 = arith.constant 3 : i32
        %add3A_113 = arith.addi %add3A_111, %add3A_112 : i32
        "tpu.region"() ({
          %run_scoped3A_114 = tpu.sem_alloc : memref<!tpu.dma_semaphore, #tpu.memory_space<semaphore_mem>>
          %dma_start3A_115 = arith.constant 0 : i32
          %dma_start3A_116 = arith.constant 0 : i32
          %dma_start3A_117 = tpu.memref_slice %arg3[%add3A_113, %dma_start3A_115, %dma_start3A_116] : memref<2560x2x128xi32, #tpu.memory_space<hbm>> -> memref<1x2x128xi32, #tpu.memory_space<hbm>>
          %dma_start3A_118 = tpu.memref_squeeze %dma_start3A_117 : memref<1x2x128xi32, #tpu.memory_space<hbm>> -> memref<2x128xi32, #tpu.memory_space<hbm>>
          %dma_start3A_119 = arith.constant 0 : i32
          %dma_start3A_120 = arith.constant 0 : i32
          %dma_start3A_121 = tpu.memref_slice %arg3[%add3A_113, %dma_start3A_119, %dma_start3A_120] : memref<2560x2x128xi32, #tpu.memory_space<hbm>> -> memref<1x2x128xi32, #tpu.memory_space<hbm>>
          %dma_start3A_122 = tpu.memref_squeeze %dma_start3A_121 : memref<1x2x128xi32, #tpu.memory_space<hbm>> -> memref<2x128xi32, #tpu.memory_space<hbm>>
          tpu.enqueue_dma source(%dma_start3A_122 : memref<2x128xi32, #tpu.memory_space<hbm>>) target(%arg6 : memref<2x128xi32, #tpu.memory_space<vmem>>) target_semaphore(%run_scoped3A_114 : memref<!tpu.dma_semaphore, #tpu.memory_space<semaphore_mem>>)
          %dma_wait3A_123 = arith.constant 0 : i32
          %dma_wait3A_124 = arith.constant 0 : i32
          %dma_wait3A_125 = tpu.memref_slice %arg3[%add3A_113, %dma_wait3A_123, %dma_wait3A_124] : memref<2560x2x128xi32, #tpu.memory_space<hbm>> -> memref<1x2x128xi32, #tpu.memory_space<hbm>>
          %dma_wait3A_126 = tpu.memref_squeeze %dma_wait3A_125 : memref<1x2x128xi32, #tpu.memory_space<hbm>> -> memref<2x128xi32, #tpu.memory_space<hbm>>
          %dma_wait3A_127 = arith.constant 0 : i32
          %dma_wait3A_128 = arith.constant 0 : i32
          %dma_wait3A_129 = tpu.memref_slice %arg3[%add3A_113, %dma_wait3A_127, %dma_wait3A_128] : memref<2560x2x128xi32, #tpu.memory_space<hbm>> -> memref<1x2x128xi32, #tpu.memory_space<hbm>>
          %dma_wait3A_130 = tpu.memref_squeeze %dma_wait3A_129 : memref<1x2x128xi32, #tpu.memory_space<hbm>> -> memref<2x128xi32, #tpu.memory_space<hbm>>
          tpu.wait_dma2 semaphore(%run_scoped3A_114 : memref<!tpu.dma_semaphore, #tpu.memory_space<semaphore_mem>>) src(%dma_wait3A_130 : memref<2x128xi32, #tpu.memory_space<hbm>>) dst(%arg6 : memref<2x128xi32, #tpu.memory_space<vmem>>)
          tpu.yield
        }) : () -> ()
      } else {
      }
    }
    %while3A_69 = arith.constant 1 : i32
    scf.for %while3A_78 = %while3A_67 to %while3A_63 step %while3A_69  : i32 {
      %mul3A_79 = arith.constant 2 : i32
      %mul3A_80 = arith.muli %while3A_78, %mul3A_79 : i32
      %dma_start3A_81 = arith.constant 0 : i32
      %dma_start3A_82 = arith.constant 0 : i32
      %dma_start3A_83 = tpu.memref_slice %arg6[%dma_start3A_81, %dma_start3A_82] : memref<2x128xi32, #tpu.memory_space<vmem>> -> memref<1x128xi32, #tpu.memory_space<vmem>>
      %dma_start3A_84 = tpu.memref_squeeze %dma_start3A_83 : memref<1x128xi32, #tpu.memory_space<vmem>> -> memref<128xi32, #tpu.memory_space<vmem>>
      %dma_start3A_85 = arith.constant 0 : i32
      %dma_start3A_86 = arith.constant 0 : i32
      %dma_start3A_87 = tpu.memref_slice %arg2[%dma_start3A_85, %dma_start3A_86] : memref<10240x128xf32, #tpu.memory_space<hbm>> -> memref<10240x128xf32, #tpu.memory_space<hbm>>
      tpu.enqueue_indirect_dma source(%dma_start3A_87 : memref<10240x128xf32, #tpu.memory_space<hbm>>) target(%arg8 : memref<128x128xf32, #tpu.memory_space<vmem>>) offsets(%dma_start3A_84 : memref<128xi32, #tpu.memory_space<vmem>>) semaphore(%arg11 : memref<!tpu.dma_semaphore, #tpu.memory_space<semaphore_mem>>)
      %dma_wait3A = arith.constant 0 : i32
      %dma_wait3A_88 = arith.constant 0 : i32
      %dma_wait3A_89 = tpu.memref_slice %arg5[%dma_wait3A, %dma_wait3A_88] : memref<2x128xi32, #tpu.memory_space<vmem>> -> memref<1x128xi32, #tpu.memory_space<vmem>>
      %dma_wait3A_90 = tpu.memref_squeeze %dma_wait3A_89 : memref<1x128xi32, #tpu.memory_space<vmem>> -> memref<128xi32, #tpu.memory_space<vmem>>
      %dma_wait3A_91 = arith.constant 0 : i32
      %dma_wait3A_92 = arith.constant 0 : i32
      %dma_wait3A_93 = tpu.memref_slice %arg2[%dma_wait3A_91, %dma_wait3A_92] : memref<10240x128xf32, #tpu.memory_space<hbm>> -> memref<10240x128xf32, #tpu.memory_space<hbm>>
      tpu.wait_indirect_dma semaphore(%arg10 : memref<!tpu.dma_semaphore, #tpu.memory_space<semaphore_mem>>) src(%dma_wait3A_93 : memref<10240x128xf32, #tpu.memory_space<hbm>>) dst(%arg7 : memref<128x128xf32, #tpu.memory_space<vmem>>)
      %run_scoped3A = arith.constant 1 : i32
      "tpu.region"() ({
        %run_scoped3A_111 = tpu.sem_alloc : memref<!tpu.dma_semaphore, #tpu.memory_space<semaphore_mem>>
        %dma_start3A_112 = arith.constant 0 : i32
        %dma_start3A_113 = tpu.memref_slice %arg5[%run_scoped3A, %dma_start3A_112] : memref<2x128xi32, #tpu.memory_space<vmem>> -> memref<1x128xi32, #tpu.memory_space<vmem>>
        %dma_start3A_114 = tpu.memref_squeeze %dma_start3A_113 : memref<1x128xi32, #tpu.memory_space<vmem>> -> memref<128xi32, #tpu.memory_space<vmem>>
        %dma_start3A_115 = arith.constant 0 : i32
        %dma_start3A_116 = arith.constant 0 : i32
        %dma_start3A_117 = tpu.memref_slice %arg9[%dma_start3A_115, %dma_start3A_116] : memref<10240x128xf32, #tpu.memory_space<vmem_shared>> -> memref<10240x128xf32, #tpu.memory_space<vmem_shared>>
        tpu.enqueue_indirect_dma source(%arg7 : memref<128x128xf32, #tpu.memory_space<vmem>>) target(%dma_start3A_117 : memref<10240x128xf32, #tpu.memory_space<vmem_shared>>) offsets(%dma_start3A_114 : memref<128xi32, #tpu.memory_space<vmem>>) semaphore(%run_scoped3A_111 : memref<!tpu.dma_semaphore, #tpu.memory_space<semaphore_mem>>) {add = true}
        %dma_wait3A_118 = arith.constant 0 : i32
        %dma_wait3A_119 = tpu.memref_slice %arg5[%run_scoped3A, %dma_wait3A_118] : memref<2x128xi32, #tpu.memory_space<vmem>> -> memref<1x128xi32, #tpu.memory_space<vmem>>
        %dma_wait3A_120 = tpu.memref_squeeze %dma_wait3A_119 : memref<1x128xi32, #tpu.memory_space<vmem>> -> memref<128xi32, #tpu.memory_space<vmem>>
        %dma_wait3A_121 = arith.constant 0 : i32
        %dma_wait3A_122 = arith.constant 0 : i32
        %dma_wait3A_123 = tpu.memref_slice %arg9[%dma_wait3A_121, %dma_wait3A_122] : memref<10240x128xf32, #tpu.memory_space<vmem_shared>> -> memref<10240x128xf32, #tpu.memory_space<vmem_shared>>
        tpu.wait_indirect_dma semaphore(%run_scoped3A_111 : memref<!tpu.dma_semaphore, #tpu.memory_space<semaphore_mem>>) src(%arg7 : memref<128x128xf32, #tpu.memory_space<vmem>>) dst(%dma_wait3A_123 : memref<10240x128xf32, #tpu.memory_space<vmem_shared>>)
        tpu.yield
      }) : () -> ()
      %add3A_94 = arith.constant 2 : i32
      %add3A_95 = arith.addi %mul3A_80, %add3A_94 : i32
      %lt3A = arith.cmpi slt, %add3A_95, %select_n3A : i32
      %convert_element_type3A = arith.extui %lt3A : i1 to i32
      %cond3A = arith.constant 0 : i32
      %cond3A_96 = arith.cmpi ne, %convert_element_type3A, %cond3A : i32
      scf.if %cond3A_96 {
        %add3A_111 = arith.addi %select_n3A_8, %mul3A_80 : i32
        %add3A_112 = arith.constant 2 : i32
        %add3A_113 = arith.addi %add3A_111, %add3A_112 : i32
        "tpu.region"() ({
          %run_scoped3A_121 = tpu.sem_alloc : memref<!tpu.dma_semaphore, #tpu.memory_space<semaphore_mem>>
          %dma_start3A_122 = arith.constant 0 : i32
          %dma_start3A_123 = arith.constant 0 : i32
          %dma_start3A_124 = tpu.memref_slice %arg3[%add3A_113, %dma_start3A_122, %dma_start3A_123] : memref<2560x2x128xi32, #tpu.memory_space<hbm>> -> memref<1x2x128xi32, #tpu.memory_space<hbm>>
          %dma_start3A_125 = tpu.memref_squeeze %dma_start3A_124 : memref<1x2x128xi32, #tpu.memory_space<hbm>> -> memref<2x128xi32, #tpu.memory_space<hbm>>
          %dma_start3A_126 = arith.constant 0 : i32
          %dma_start3A_127 = arith.constant 0 : i32
          %dma_start3A_128 = tpu.memref_slice %arg3[%add3A_113, %dma_start3A_126, %dma_start3A_127] : memref<2560x2x128xi32, #tpu.memory_space<hbm>> -> memref<1x2x128xi32, #tpu.memory_space<hbm>>
          %dma_start3A_129 = tpu.memref_squeeze %dma_start3A_128 : memref<1x2x128xi32, #tpu.memory_space<hbm>> -> memref<2x128xi32, #tpu.memory_space<hbm>>
          tpu.enqueue_dma source(%dma_start3A_129 : memref<2x128xi32, #tpu.memory_space<hbm>>) target(%arg5 : memref<2x128xi32, #tpu.memory_space<vmem>>) target_semaphore(%run_scoped3A_121 : memref<!tpu.dma_semaphore, #tpu.memory_space<semaphore_mem>>)
          %dma_wait3A_130 = arith.constant 0 : i32
          %dma_wait3A_131 = arith.constant 0 : i32
          %dma_wait3A_132 = tpu.memref_slice %arg3[%add3A_113, %dma_wait3A_130, %dma_wait3A_131] : memref<2560x2x128xi32, #tpu.memory_space<hbm>> -> memref<1x2x128xi32, #tpu.memory_space<hbm>>
          %dma_wait3A_133 = tpu.memref_squeeze %dma_wait3A_132 : memref<1x2x128xi32, #tpu.memory_space<hbm>> -> memref<2x128xi32, #tpu.memory_space<hbm>>
          %dma_wait3A_134 = arith.constant 0 : i32
          %dma_wait3A_135 = arith.constant 0 : i32
          %dma_wait3A_136 = tpu.memref_slice %arg3[%add3A_113, %dma_wait3A_134, %dma_wait3A_135] : memref<2560x2x128xi32, #tpu.memory_space<hbm>> -> memref<1x2x128xi32, #tpu.memory_space<hbm>>
          %dma_wait3A_137 = tpu.memref_squeeze %dma_wait3A_136 : memref<1x2x128xi32, #tpu.memory_space<hbm>> -> memref<2x128xi32, #tpu.memory_space<hbm>>
          tpu.wait_dma2 semaphore(%run_scoped3A_121 : memref<!tpu.dma_semaphore, #tpu.memory_space<semaphore_mem>>) src(%dma_wait3A_137 : memref<2x128xi32, #tpu.memory_space<hbm>>) dst(%arg5 : memref<2x128xi32, #tpu.memory_space<vmem>>)
          tpu.yield
        }) : () -> ()
        %dma_start3A_114 = arith.constant 0 : i32
        %dma_start3A_115 = arith.constant 0 : i32
        %dma_start3A_116 = tpu.memref_slice %arg5[%dma_start3A_114, %dma_start3A_115] : memref<2x128xi32, #tpu.memory_space<vmem>> -> memref<1x128xi32, #tpu.memory_space<vmem>>
        %dma_start3A_117 = tpu.memref_squeeze %dma_start3A_116 : memref<1x128xi32, #tpu.memory_space<vmem>> -> memref<128xi32, #tpu.memory_space<vmem>>
        %dma_start3A_118 = arith.constant 0 : i32
        %dma_start3A_119 = arith.constant 0 : i32
        %dma_start3A_120 = tpu.memref_slice %arg2[%dma_start3A_118, %dma_start3A_119] : memref<10240x128xf32, #tpu.memory_space<hbm>> -> memref<10240x128xf32, #tpu.memory_space<hbm>>
        tpu.enqueue_indirect_dma source(%dma_start3A_120 : memref<10240x128xf32, #tpu.memory_space<hbm>>) target(%arg7 : memref<128x128xf32, #tpu.memory_space<vmem>>) offsets(%dma_start3A_117 : memref<128xi32, #tpu.memory_space<vmem>>) semaphore(%arg10 : memref<!tpu.dma_semaphore, #tpu.memory_space<semaphore_mem>>)
      } else {
      }
      %dma_wait3A_97 = arith.constant 0 : i32
      %dma_wait3A_98 = arith.constant 0 : i32
      %dma_wait3A_99 = tpu.memref_slice %arg6[%dma_wait3A_97, %dma_wait3A_98] : memref<2x128xi32, #tpu.memory_space<vmem>> -> memref<1x128xi32, #tpu.memory_space<vmem>>
      %dma_wait3A_100 = tpu.memref_squeeze %dma_wait3A_99 : memref<1x128xi32, #tpu.memory_space<vmem>> -> memref<128xi32, #tpu.memory_space<vmem>>
      %dma_wait3A_101 = arith.constant 0 : i32
      %dma_wait3A_102 = arith.constant 0 : i32
      %dma_wait3A_103 = tpu.memref_slice %arg2[%dma_wait3A_101, %dma_wait3A_102] : memref<10240x128xf32, #tpu.memory_space<hbm>> -> memref<10240x128xf32, #tpu.memory_space<hbm>>
      tpu.wait_indirect_dma semaphore(%arg11 : memref<!tpu.dma_semaphore, #tpu.memory_space<semaphore_mem>>) src(%dma_wait3A_103 : memref<10240x128xf32, #tpu.memory_space<hbm>>) dst(%arg8 : memref<128x128xf32, #tpu.memory_space<vmem>>)
      %run_scoped3A_104 = arith.constant 1 : i32
      "tpu.region"() ({
        %run_scoped3A_111 = tpu.sem_alloc : memref<!tpu.dma_semaphore, #tpu.memory_space<semaphore_mem>>
        %dma_start3A_112 = arith.constant 0 : i32
        %dma_start3A_113 = tpu.memref_slice %arg6[%run_scoped3A_104, %dma_start3A_112] : memref<2x128xi32, #tpu.memory_space<vmem>> -> memref<1x128xi32, #tpu.memory_space<vmem>>
        %dma_start3A_114 = tpu.memref_squeeze %dma_start3A_113 : memref<1x128xi32, #tpu.memory_space<vmem>> -> memref<128xi32, #tpu.memory_space<vmem>>
        %dma_start3A_115 = arith.constant 0 : i32
        %dma_start3A_116 = arith.constant 0 : i32
        %dma_start3A_117 = tpu.memref_slice %arg9[%dma_start3A_115, %dma_start3A_116] : memref<10240x128xf32, #tpu.memory_space<vmem_shared>> -> memref<10240x128xf32, #tpu.memory_space<vmem_shared>>
        tpu.enqueue_indirect_dma source(%arg8 : memref<128x128xf32, #tpu.memory_space<vmem>>) target(%dma_start3A_117 : memref<10240x128xf32, #tpu.memory_space<vmem_shared>>) offsets(%dma_start3A_114 : memref<128xi32, #tpu.memory_space<vmem>>) semaphore(%run_scoped3A_111 : memref<!tpu.dma_semaphore, #tpu.memory_space<semaphore_mem>>) {add = true}
        %dma_wait3A_118 = arith.constant 0 : i32
        %dma_wait3A_119 = tpu.memref_slice %arg6[%run_scoped3A_104, %dma_wait3A_118] : memref<2x128xi32, #tpu.memory_space<vmem>> -> memref<1x128xi32, #tpu.memory_space<vmem>>
        %dma_wait3A_120 = tpu.memref_squeeze %dma_wait3A_119 : memref<1x128xi32, #tpu.memory_space<vmem>> -> memref<128xi32, #tpu.memory_space<vmem>>
        %dma_wait3A_121 = arith.constant 0 : i32
        %dma_wait3A_122 = arith.constant 0 : i32
        %dma_wait3A_123 = tpu.memref_slice %arg9[%dma_wait3A_121, %dma_wait3A_122] : memref<10240x128xf32, #tpu.memory_space<vmem_shared>> -> memref<10240x128xf32, #tpu.memory_space<vmem_shared>>
        tpu.wait_indirect_dma semaphore(%run_scoped3A_111 : memref<!tpu.dma_semaphore, #tpu.memory_space<semaphore_mem>>) src(%arg8 : memref<128x128xf32, #tpu.memory_space<vmem>>) dst(%dma_wait3A_123 : memref<10240x128xf32, #tpu.memory_space<vmem_shared>>)
        tpu.yield
      }) : () -> ()
      %add3A_105 = arith.constant 3 : i32
      %add3A_106 = arith.addi %mul3A_80, %add3A_105 : i32
      %lt3A_107 = arith.cmpi slt, %add3A_106, %select_n3A : i32
      %convert_element_type3A_108 = arith.extui %lt3A_107 : i1 to i32
      %cond3A_109 = arith.constant 0 : i32
      %cond3A_110 = arith.cmpi ne, %convert_element_type3A_108, %cond3A_109 : i32
      scf.if %cond3A_110 {
        %add3A_111 = arith.addi %select_n3A_8, %mul3A_80 : i32
        %add3A_112 = arith.constant 3 : i32
        %add3A_113 = arith.addi %add3A_111, %add3A_112 : i32
        "tpu.region"() ({
          %run_scoped3A_114 = tpu.sem_alloc : memref<!tpu.dma_semaphore, #tpu.memory_space<semaphore_mem>>
          %dma_start3A_115 = arith.constant 0 : i32
          %dma_start3A_116 = arith.constant 0 : i32
          %dma_start3A_117 = tpu.memref_slice %arg3[%add3A_113, %dma_start3A_115, %dma_start3A_116] : memref<2560x2x128xi32, #tpu.memory_space<hbm>> -> memref<1x2x128xi32, #tpu.memory_space<hbm>>
          %dma_start3A_118 = tpu.memref_squeeze %dma_start3A_117 : memref<1x2x128xi32, #tpu.memory_space<hbm>> -> memref<2x128xi32, #tpu.memory_space<hbm>>
          %dma_start3A_119 = arith.constant 0 : i32
          %dma_start3A_120 = arith.constant 0 : i32
          %dma_start3A_121 = tpu.memref_slice %arg3[%add3A_113, %dma_start3A_119, %dma_start3A_120] : memref<2560x2x128xi32, #tpu.memory_space<hbm>> -> memref<1x2x128xi32, #tpu.memory_space<hbm>>
          %dma_start3A_122 = tpu.memref_squeeze %dma_start3A_121 : memref<1x2x128xi32, #tpu.memory_space<hbm>> -> memref<2x128xi32, #tpu.memory_space<hbm>>
          tpu.enqueue_dma source(%dma_start3A_122 : memref<2x128xi32, #tpu.memory_space<hbm>>) target(%arg6 : memref<2x128xi32, #tpu.memory_space<vmem>>) target_semaphore(%run_scoped3A_114 : memref<!tpu.dma_semaphore, #tpu.memory_space<semaphore_mem>>)
          %dma_wait3A_123 = arith.constant 0 : i32
          %dma_wait3A_124 = arith.constant 0 : i32
          %dma_wait3A_125 = tpu.memref_slice %arg3[%add3A_113, %dma_wait3A_123, %dma_wait3A_124] : memref<2560x2x128xi32, #tpu.memory_space<hbm>> -> memref<1x2x128xi32, #tpu.memory_space<hbm>>
          %dma_wait3A_126 = tpu.memref_squeeze %dma_wait3A_125 : memref<1x2x128xi32, #tpu.memory_space<hbm>> -> memref<2x128xi32, #tpu.memory_space<hbm>>
          %dma_wait3A_127 = arith.constant 0 : i32
          %dma_wait3A_128 = arith.constant 0 : i32
          %dma_wait3A_129 = tpu.memref_slice %arg3[%add3A_113, %dma_wait3A_127, %dma_wait3A_128] : memref<2560x2x128xi32, #tpu.memory_space<hbm>> -> memref<1x2x128xi32, #tpu.memory_space<hbm>>
          %dma_wait3A_130 = tpu.memref_squeeze %dma_wait3A_129 : memref<1x2x128xi32, #tpu.memory_space<hbm>> -> memref<2x128xi32, #tpu.memory_space<hbm>>
          tpu.wait_dma2 semaphore(%run_scoped3A_114 : memref<!tpu.dma_semaphore, #tpu.memory_space<semaphore_mem>>) src(%dma_wait3A_130 : memref<2x128xi32, #tpu.memory_space<hbm>>) dst(%arg6 : memref<2x128xi32, #tpu.memory_space<vmem>>)
          tpu.yield
        }) : () -> ()
      } else {
      }
    }
    %barrier3A_70 = arith.constant 0 : index
    tpu.barrier barrier_id(%barrier3A_70)
    %mul3A_71 = arith.constant 640 : i32
    %mul3A_72 = arith.muli %arg1, %mul3A_71 : i32
    %mul3A_73 = arith.constant 10240 : i32
    %mul3A_74 = arith.muli %arg0, %mul3A_73 : i32
    %mul3A_75 = arith.constant 640 : i32
    %mul3A_76 = arith.muli %arg1, %mul3A_75 : i32
    %add3A_77 = arith.addi %mul3A_74, %mul3A_76 : i32
    "tpu.region"() ({
      %run_scoped3A = tpu.sem_alloc : memref<!tpu.dma_semaphore, #tpu.memory_space<semaphore_mem>>
      %dma_start3A_78 = arith.constant 0 : i32
      %dma_start3A_79 = tpu.memref_slice %arg4[%add3A_77, %dma_start3A_78] : memref<20480x128xf32, #tpu.memory_space<hbm>> -> memref<640x128xf32, #tpu.memory_space<hbm>>
      %dma_start3A_80 = arith.constant 0 : i32
      %dma_start3A_81 = tpu.memref_slice %arg9[%mul3A_72, %dma_start3A_80] : memref<10240x128xf32, #tpu.memory_space<vmem_shared>> -> memref<640x128xf32, #tpu.memory_space<vmem_shared>>
      tpu.enqueue_dma source(%dma_start3A_81 : memref<640x128xf32, #tpu.memory_space<vmem_shared>>) target(%dma_start3A_79 : memref<640x128xf32, #tpu.memory_space<hbm>>) target_semaphore(%run_scoped3A : memref<!tpu.dma_semaphore, #tpu.memory_space<semaphore_mem>>)
      %dma_wait3A = arith.constant 0 : i32
      %dma_wait3A_82 = tpu.memref_slice %arg4[%add3A_77, %dma_wait3A] : memref<20480x128xf32, #tpu.memory_space<hbm>> -> memref<640x128xf32, #tpu.memory_space<hbm>>
      %dma_wait3A_83 = arith.constant 0 : i32
      %dma_wait3A_84 = tpu.memref_slice %arg9[%mul3A_72, %dma_wait3A_83] : memref<10240x128xf32, #tpu.memory_space<vmem_shared>> -> memref<640x128xf32, #tpu.memory_space<vmem_shared>>
      tpu.wait_dma2 semaphore(%run_scoped3A : memref<!tpu.dma_semaphore, #tpu.memory_space<semaphore_mem>>) src(%dma_wait3A_84 : memref<640x128xf32, #tpu.memory_space<vmem_shared>>) dst(%dma_wait3A_82 : memref<640x128xf32, #tpu.memory_space<hbm>>)
      tpu.yield
    }) : () -> ()
    return
  }
}

module attributes {stable_mosaic.version = 14 : i64} {
  func.func @body(%arg0: i32, %arg1: memref<512x128xf32, #tpu.memory_space<vmem>>, %arg2: memref<384x128xf32, #tpu.memory_space<vmem>>, %arg3: memref<1x384xf32, #tpu.memory_space<vmem>>, %arg4: memref<512x384xf32, #tpu.memory_space<vmem>>) attributes {dimension_semantics = [#tpu.dimension_semantics<arbitrary>], iteration_bounds = array<i64: 20>, scalar_prefetch = 0 : i64, scratch_operands = 0 : i64, tpu.core_type = #tpu.core_type<tc>, window_params = [{transform_indices = @transform_0, window_bounds = array<i64: 512, 128>}, {pipeline_mode = #tpu.pipeline_mode<synchronous>, transform_indices = @transform_1, window_bounds = array<i64: 384, 128>}, {pipeline_mode = #tpu.pipeline_mode<synchronous>, transform_indices = @transform_2, window_bounds = array<i64: 1, 384>}, {transform_indices = @transform_3, window_bounds = array<i64: 512, 384>}]} {
    %get3A = arith.constant 0 : index
    %get3A_0 = arith.constant 0 : index
    %get3A_1 = vector.load %arg1[%get3A, %get3A_0] : memref<512x128xf32, #tpu.memory_space<vmem>>, vector<512x128xf32>
    %get3A_2 = arith.constant 0 : index
    %get3A_3 = arith.constant 0 : index
    %get3A_4 = vector.load %arg2[%get3A_2, %get3A_3] : memref<384x128xf32, #tpu.memory_space<vmem>>, vector<384x128xf32>
    %dot_general3A = arith.constant dense<0.000000e+00> : vector<512x384xf32>
    %dot_general3A_5 = tpu.matmul %get3A_1, %get3A_4, %dot_general3A {dimension_numbers = #tpu.dot_dimension_numbers<[1], [1], [0], [0], [0, 0, 1, 0], [], []>, transpose_lhs_hint = false} : vector<512x128xf32>, vector<384x128xf32>, vector<512x384xf32> -> vector<512x384xf32>
    %get3A_6 = arith.constant 0 : index
    %get3A_7 = arith.constant 0 : index
    %get3A_8 = vector.load %arg3[%get3A_6, %get3A_7] : memref<1x384xf32, #tpu.memory_space<vmem>>, vector<1x384xf32>
    %add3A = vector.broadcast %get3A_8 : vector<1x384xf32> to vector<512x384xf32>
    %add3A_9 = arith.addf %dot_general3A_5, %add3A : vector<512x384xf32>
    %swap3A = arith.constant 0 : index
    %swap3A_10 = arith.constant 0 : index
    %swap3A_11 = vector.load %arg4[%swap3A, %swap3A_10] : memref<512x384xf32, #tpu.memory_space<vmem>>, vector<512x384xf32>
    tpu.vector_store %arg4[%swap3A, %swap3A_10], %add3A_9 {strides = array<i32>} : memref<512x384xf32, #tpu.memory_space<vmem>>, vector<512x384xf32>,
    return
  }
  func.func @transform_0(%arg0: i32) -> (i32, i32) {
    %c0_i32 = arith.constant 0 : i32
    %c0_i32_0 = arith.constant 0 : i32
    return %arg0, %c0_i32 : i32, i32
  }
  func.func @transform_1(%arg0: i32) -> (i32, i32) {
    %c0_i32 = arith.constant 0 : i32
    %c0_i32_0 = arith.constant 0 : i32
    %c0_i32_1 = arith.constant 0 : i32
    return %c0_i32, %c0_i32_0 : i32, i32
  }
  func.func @transform_2(%arg0: i32) -> (i32, i32) {
    %c0_i32 = arith.constant 0 : i32
    %c0_i32_0 = arith.constant 0 : i32
    %c0_i32_1 = arith.constant 0 : i32
    return %c0_i32, %c0_i32_0 : i32, i32
  }
  func.func @transform_3(%arg0: i32) -> (i32, i32) {
    %c0_i32 = arith.constant 0 : i32
    %c0_i32_0 = arith.constant 0 : i32
    return %arg0, %c0_i32 : i32, i32
  }
}

module attributes {stable_mosaic.version = 14 : i64} {
  func.func @body(%arg0: i32, %arg1: memref<2x40xi32, #tpu.memory_space<smem>>, %arg2: memref<256x128xf32, #tpu.memory_space<vmem>>, %arg3: memref<10240x128xf32, #tpu.memory_space<vmem>>, %arg4: memref<10240x128xf32, #tpu.memory_space<vmem>>, %arg5: memref<256x1xi32, #tpu.memory_space<vmem>>, %arg6: memref<40x1x256xi32, #tpu.memory_space<vmem>>, %arg7: memref<256x128xf32, #tpu.memory_space<vmem>>, %arg8: memref<256x1xf32, #tpu.memory_space<vmem>>, %arg9: memref<128x128xf32, #tpu.memory_space<vmem>>, %arg10: memref<1x128xf32, #tpu.memory_space<vmem>>, %arg11: memref<256x128xf32, #tpu.memory_space<vmem>>, %arg12: memref<8x128xf32, #tpu.memory_space<vmem>>) attributes {dimension_semantics = [#tpu.dimension_semantics<arbitrary>], iteration_bounds = array<i64: 40>, scalar_prefetch = 0 : i64, scratch_operands = 0 : i64, tpu.core_type = #tpu.core_type<tc>, window_params = [{transform_indices = @transform_0, window_bounds = array<i64: 2, 40>}, {transform_indices = @transform_1, window_bounds = array<i64: 256, 128>}, {pipeline_mode = #tpu.pipeline_mode<synchronous>, transform_indices = @transform_2, window_bounds = array<i64: 10240, 128>}, {pipeline_mode = #tpu.pipeline_mode<synchronous>, transform_indices = @transform_3, window_bounds = array<i64: 10240, 128>}, {transform_indices = @transform_4, window_bounds = array<i64: 256, 1>}, {pipeline_mode = #tpu.pipeline_mode<synchronous>, transform_indices = @transform_5, window_bounds = array<i64: 40, 1, 256>}, {transform_indices = @transform_6, window_bounds = array<i64: 256, 128>}, {transform_indices = @transform_7, window_bounds = array<i64: 256, 1>}, {pipeline_mode = #tpu.pipeline_mode<synchronous>, transform_indices = @transform_8, window_bounds = array<i64: 128, 128>}, {pipeline_mode = #tpu.pipeline_mode<synchronous>, transform_indices = @transform_9, window_bounds = array<i64: 1, 128>}, {transform_indices = @transform_10, window_bounds = array<i64: 256, 128>}, {pipeline_mode = #tpu.pipeline_mode<synchronous>, transform_indices = @transform_11, window_bounds = array<i64: 8, 128>}]} {
    %get3A = arith.constant 0 : index
    %get3A_0 = arith.index_cast %arg0 : i32 to index
    %get3A_1 = memref.load %arg1[%get3A, %get3A_0] : memref<2x40xi32, #tpu.memory_space<smem>>
    %get3A_2 = arith.constant 1 : index
    %get3A_3 = arith.index_cast %arg0 : i32 to index
    %get3A_4 = memref.load %arg1[%get3A_2, %get3A_3] : memref<2x40xi32, #tpu.memory_space<smem>>
    %get3A_5 = arith.constant 0 : index
    %get3A_6 = arith.constant 0 : index
    %get3A_7 = vector.load %arg2[%get3A_5, %get3A_6] : memref<256x128xf32, #tpu.memory_space<vmem>>, vector<256x128xf32>
    %mul3A = arith.constant 0.176776692 : f32
    %mul3A_8 = vector.broadcast %mul3A : f32 to vector<256x128xf32>
    %mul3A_9 = arith.mulf %get3A_7, %mul3A_8 : vector<256x128xf32>
    %get3A_10 = arith.constant 0 : index
    %get3A_11 = arith.constant 0 : index
    %get3A_12 = vector.load %arg5[%get3A_10, %get3A_11] : memref<256x1xi32, #tpu.memory_space<vmem>>, vector<256x1xi32>
    %iota3A = tpu.iota {dimensions = array<i32: 1>} : vector<1x128xi32>
    %jit3A = arith.constant 32 : i32
    %div3A = vector.broadcast %jit3A : i32 to vector<1x128xi32>
    %div3A_13 = arith.divsi %iota3A, %div3A : vector<1x128xi32>
    %sign3A = arith.constant 0 : i32
    %sign3A_14 = vector.broadcast %sign3A : i32 to vector<1x128xi32>
    %sign3A_15 = arith.cmpi sgt, %iota3A, %sign3A_14 : vector<1x128xi32>
    %sign3A_16 = arith.extui %sign3A_15 : vector<1x128xi1> to vector<1x128xi32>
    %sign3A_17 = arith.constant 0 : i32
    %sign3A_18 = vector.broadcast %sign3A_17 : i32 to vector<1x128xi32>
    %sign3A_19 = arith.cmpi slt, %iota3A, %sign3A_18 : vector<1x128xi32>
    %sign3A_20 = arith.extui %sign3A_19 : vector<1x128xi1> to vector<1x128xi32>
    %sign3A_21 = arith.subi %sign3A_16, %sign3A_20 : vector<1x128xi32>
    %sign3A_22 = arith.constant 0 : i32
    %sign3A_23 = arith.cmpi sgt, %jit3A, %sign3A_22 : i32
    %sign3A_24 = arith.extui %sign3A_23 : i1 to i32
    %sign3A_25 = arith.constant 0 : i32
    %sign3A_26 = arith.cmpi slt, %jit3A, %sign3A_25 : i32
    %sign3A_27 = arith.extui %sign3A_26 : i1 to i32
    %sign3A_28 = arith.subi %sign3A_24, %sign3A_27 : i32
    %ne3A = vector.broadcast %sign3A_28 : i32 to vector<1x128xi32>
    %ne3A_29 = arith.cmpi ne, %sign3A_21, %ne3A : vector<1x128xi32>
    %rem3A = vector.broadcast %jit3A : i32 to vector<1x128xi32>
    %rem3A_30 = arith.remsi %iota3A, %rem3A : vector<1x128xi32>
    %ne3A_31 = arith.constant 0 : i32
    %ne3A_32 = vector.broadcast %ne3A_31 : i32 to vector<1x128xi32>
    %ne3A_33 = arith.cmpi ne, %rem3A_30, %ne3A_32 : vector<1x128xi32>
    %and3A = arith.andi %ne3A_29, %ne3A_33 : vector<1x128xi1>
    %sub3A = arith.constant 1 : i32
    %sub3A_34 = vector.broadcast %sub3A : i32 to vector<1x128xi32>
    %sub3A_35 = arith.subi %div3A_13, %sub3A_34 : vector<1x128xi32>
    %select_n3A = arith.select %and3A, %sub3A_35, %div3A_13 : vector<1x128xi1>, vector<1x128xi32>
    %eq3A = arith.constant 0 : i32
    %eq3A_36 = vector.broadcast %eq3A : i32 to vector<1x128xi32>
    %eq3A_37 = arith.cmpi eq, %select_n3A, %eq3A_36 : vector<1x128xi32>
    %convert_element_type3A = arith.extui %eq3A_37 : vector<1x128xi1> to vector<1x128xi32>
    %convert_element_type3A_38 = arith.sitofp %convert_element_type3A : vector<1x128xi32> to vector<1x128xf32>
    %jit3A_39 = arith.constant 32 : i32
    %div3A_40 = vector.broadcast %jit3A_39 : i32 to vector<1x128xi32>
    %div3A_41 = arith.divsi %iota3A, %div3A_40 : vector<1x128xi32>
    %sign3A_42 = arith.constant 0 : i32
    %sign3A_43 = vector.broadcast %sign3A_42 : i32 to vector<1x128xi32>
    %sign3A_44 = arith.cmpi sgt, %iota3A, %sign3A_43 : vector<1x128xi32>
    %sign3A_45 = arith.extui %sign3A_44 : vector<1x128xi1> to vector<1x128xi32>
    %sign3A_46 = arith.constant 0 : i32
    %sign3A_47 = vector.broadcast %sign3A_46 : i32 to vector<1x128xi32>
    %sign3A_48 = arith.cmpi slt, %iota3A, %sign3A_47 : vector<1x128xi32>
    %sign3A_49 = arith.extui %sign3A_48 : vector<1x128xi1> to vector<1x128xi32>
    %sign3A_50 = arith.subi %sign3A_45, %sign3A_49 : vector<1x128xi32>
    %sign3A_51 = arith.constant 0 : i32
    %sign3A_52 = arith.cmpi sgt, %jit3A_39, %sign3A_51 : i32
    %sign3A_53 = arith.extui %sign3A_52 : i1 to i32
    %sign3A_54 = arith.constant 0 : i32
    %sign3A_55 = arith.cmpi slt, %jit3A_39, %sign3A_54 : i32
    %sign3A_56 = arith.extui %sign3A_55 : i1 to i32
    %sign3A_57 = arith.subi %sign3A_53, %sign3A_56 : i32
    %ne3A_58 = vector.broadcast %sign3A_57 : i32 to vector<1x128xi32>
    %ne3A_59 = arith.cmpi ne, %sign3A_50, %ne3A_58 : vector<1x128xi32>
    %rem3A_60 = vector.broadcast %jit3A_39 : i32 to vector<1x128xi32>
    %rem3A_61 = arith.remsi %iota3A, %rem3A_60 : vector<1x128xi32>
    %ne3A_62 = arith.constant 0 : i32
    %ne3A_63 = vector.broadcast %ne3A_62 : i32 to vector<1x128xi32>
    %ne3A_64 = arith.cmpi ne, %rem3A_61, %ne3A_63 : vector<1x128xi32>
    %and3A_65 = arith.andi %ne3A_59, %ne3A_64 : vector<1x128xi1>
    %sub3A_66 = arith.constant 1 : i32
    %sub3A_67 = vector.broadcast %sub3A_66 : i32 to vector<1x128xi32>
    %sub3A_68 = arith.subi %div3A_41, %sub3A_67 : vector<1x128xi32>
    %select_n3A_69 = arith.select %and3A_65, %sub3A_68, %div3A_41 : vector<1x128xi1>, vector<1x128xi32>
    %eq3A_70 = arith.constant 1 : i32
    %eq3A_71 = vector.broadcast %eq3A_70 : i32 to vector<1x128xi32>
    %eq3A_72 = arith.cmpi eq, %select_n3A_69, %eq3A_71 : vector<1x128xi32>
    %convert_element_type3A_73 = arith.extui %eq3A_72 : vector<1x128xi1> to vector<1x128xi32>
    %convert_element_type3A_74 = arith.sitofp %convert_element_type3A_73 : vector<1x128xi32> to vector<1x128xf32>
    %jit3A_75 = arith.constant 32 : i32
    %div3A_76 = vector.broadcast %jit3A_75 : i32 to vector<1x128xi32>
    %div3A_77 = arith.divsi %iota3A, %div3A_76 : vector<1x128xi32>
    %sign3A_78 = arith.constant 0 : i32
    %sign3A_79 = vector.broadcast %sign3A_78 : i32 to vector<1x128xi32>
    %sign3A_80 = arith.cmpi sgt, %iota3A, %sign3A_79 : vector<1x128xi32>
    %sign3A_81 = arith.extui %sign3A_80 : vector<1x128xi1> to vector<1x128xi32>
    %sign3A_82 = arith.constant 0 : i32
    %sign3A_83 = vector.broadcast %sign3A_82 : i32 to vector<1x128xi32>
    %sign3A_84 = arith.cmpi slt, %iota3A, %sign3A_83 : vector<1x128xi32>
    %sign3A_85 = arith.extui %sign3A_84 : vector<1x128xi1> to vector<1x128xi32>
    %sign3A_86 = arith.subi %sign3A_81, %sign3A_85 : vector<1x128xi32>
    %sign3A_87 = arith.constant 0 : i32
    %sign3A_88 = arith.cmpi sgt, %jit3A_75, %sign3A_87 : i32
    %sign3A_89 = arith.extui %sign3A_88 : i1 to i32
    %sign3A_90 = arith.constant 0 : i32
    %sign3A_91 = arith.cmpi slt, %jit3A_75, %sign3A_90 : i32
    %sign3A_92 = arith.extui %sign3A_91 : i1 to i32
    %sign3A_93 = arith.subi %sign3A_89, %sign3A_92 : i32
    %ne3A_94 = vector.broadcast %sign3A_93 : i32 to vector<1x128xi32>
    %ne3A_95 = arith.cmpi ne, %sign3A_86, %ne3A_94 : vector<1x128xi32>
    %rem3A_96 = vector.broadcast %jit3A_75 : i32 to vector<1x128xi32>
    %rem3A_97 = arith.remsi %iota3A, %rem3A_96 : vector<1x128xi32>
    %ne3A_98 = arith.constant 0 : i32
    %ne3A_99 = vector.broadcast %ne3A_98 : i32 to vector<1x128xi32>
    %ne3A_100 = arith.cmpi ne, %rem3A_97, %ne3A_99 : vector<1x128xi32>
    %and3A_101 = arith.andi %ne3A_95, %ne3A_100 : vector<1x128xi1>
    %sub3A_102 = arith.constant 1 : i32
    %sub3A_103 = vector.broadcast %sub3A_102 : i32 to vector<1x128xi32>
    %sub3A_104 = arith.subi %div3A_77, %sub3A_103 : vector<1x128xi32>
    %select_n3A_105 = arith.select %and3A_101, %sub3A_104, %div3A_77 : vector<1x128xi1>, vector<1x128xi32>
    %eq3A_106 = arith.constant 2 : i32
    %eq3A_107 = vector.broadcast %eq3A_106 : i32 to vector<1x128xi32>
    %eq3A_108 = arith.cmpi eq, %select_n3A_105, %eq3A_107 : vector<1x128xi32>
    %convert_element_type3A_109 = arith.extui %eq3A_108 : vector<1x128xi1> to vector<1x128xi32>
    %convert_element_type3A_110 = arith.sitofp %convert_element_type3A_109 : vector<1x128xi32> to vector<1x128xf32>
    %jit3A_111 = arith.constant 32 : i32
    %div3A_112 = vector.broadcast %jit3A_111 : i32 to vector<1x128xi32>
    %div3A_113 = arith.divsi %iota3A, %div3A_112 : vector<1x128xi32>
    %sign3A_114 = arith.constant 0 : i32
    %sign3A_115 = vector.broadcast %sign3A_114 : i32 to vector<1x128xi32>
    %sign3A_116 = arith.cmpi sgt, %iota3A, %sign3A_115 : vector<1x128xi32>
    %sign3A_117 = arith.extui %sign3A_116 : vector<1x128xi1> to vector<1x128xi32>
    %sign3A_118 = arith.constant 0 : i32
    %sign3A_119 = vector.broadcast %sign3A_118 : i32 to vector<1x128xi32>
    %sign3A_120 = arith.cmpi slt, %iota3A, %sign3A_119 : vector<1x128xi32>
    %sign3A_121 = arith.extui %sign3A_120 : vector<1x128xi1> to vector<1x128xi32>
    %sign3A_122 = arith.subi %sign3A_117, %sign3A_121 : vector<1x128xi32>
    %sign3A_123 = arith.constant 0 : i32
    %sign3A_124 = arith.cmpi sgt, %jit3A_111, %sign3A_123 : i32
    %sign3A_125 = arith.extui %sign3A_124 : i1 to i32
    %sign3A_126 = arith.constant 0 : i32
    %sign3A_127 = arith.cmpi slt, %jit3A_111, %sign3A_126 : i32
    %sign3A_128 = arith.extui %sign3A_127 : i1 to i32
    %sign3A_129 = arith.subi %sign3A_125, %sign3A_128 : i32
    %ne3A_130 = vector.broadcast %sign3A_129 : i32 to vector<1x128xi32>
    %ne3A_131 = arith.cmpi ne, %sign3A_122, %ne3A_130 : vector<1x128xi32>
    %rem3A_132 = vector.broadcast %jit3A_111 : i32 to vector<1x128xi32>
    %rem3A_133 = arith.remsi %iota3A, %rem3A_132 : vector<1x128xi32>
    %ne3A_134 = arith.constant 0 : i32
    %ne3A_135 = vector.broadcast %ne3A_134 : i32 to vector<1x128xi32>
    %ne3A_136 = arith.cmpi ne, %rem3A_133, %ne3A_135 : vector<1x128xi32>
    %and3A_137 = arith.andi %ne3A_131, %ne3A_136 : vector<1x128xi1>
    %sub3A_138 = arith.constant 1 : i32
    %sub3A_139 = vector.broadcast %sub3A_138 : i32 to vector<1x128xi32>
    %sub3A_140 = arith.subi %div3A_113, %sub3A_139 : vector<1x128xi32>
    %select_n3A_141 = arith.select %and3A_137, %sub3A_140, %div3A_113 : vector<1x128xi1>, vector<1x128xi32>
    %eq3A_142 = arith.constant 3 : i32
    %eq3A_143 = vector.broadcast %eq3A_142 : i32 to vector<1x128xi32>
    %eq3A_144 = arith.cmpi eq, %select_n3A_141, %eq3A_143 : vector<1x128xi32>
    %convert_element_type3A_145 = arith.extui %eq3A_144 : vector<1x128xi1> to vector<1x128xi32>
    %convert_element_type3A_146 = arith.sitofp %convert_element_type3A_145 : vector<1x128xi32> to vector<1x128xf32>
    %broadcast_in_dim3A = arith.constant -1.000000e+30 : f32
    %broadcast_in_dim3A_147 = vector.broadcast %broadcast_in_dim3A : f32 to vector<256x1xf32>
    %broadcast_in_dim3A_148 = arith.constant -1.000000e+30 : f32
    %broadcast_in_dim3A_149 = vector.broadcast %broadcast_in_dim3A_148 : f32 to vector<256x1xf32>
    %broadcast_in_dim3A_150 = arith.constant -1.000000e+30 : f32
    %broadcast_in_dim3A_151 = vector.broadcast %broadcast_in_dim3A_150 : f32 to vector<256x1xf32>
    %broadcast_in_dim3A_152 = arith.constant -1.000000e+30 : f32
    %broadcast_in_dim3A_153 = vector.broadcast %broadcast_in_dim3A_152 : f32 to vector<256x1xf32>
    %broadcast_in_dim3A_154 = arith.constant 0.000000e+00 : f32
    %broadcast_in_dim3A_155 = vector.broadcast %broadcast_in_dim3A_154 : f32 to vector<256x1xf32>
    %broadcast_in_dim3A_156 = arith.constant 0.000000e+00 : f32
    %broadcast_in_dim3A_157 = vector.broadcast %broadcast_in_dim3A_156 : f32 to vector<256x1xf32>
    %broadcast_in_dim3A_158 = arith.constant 0.000000e+00 : f32
    %broadcast_in_dim3A_159 = vector.broadcast %broadcast_in_dim3A_158 : f32 to vector<256x1xf32>
    %broadcast_in_dim3A_160 = arith.constant 0.000000e+00 : f32
    %broadcast_in_dim3A_161 = vector.broadcast %broadcast_in_dim3A_160 : f32 to vector<256x1xf32>
    %broadcast_in_dim3A_162 = arith.constant 0.000000e+00 : f32
    %broadcast_in_dim3A_163 = vector.broadcast %broadcast_in_dim3A_162 : f32 to vector<256x128xf32>
    %while3A = arith.subi %get3A_4, %get3A_1 : i32
    %while3A_164 = arith.addi %get3A_1, %while3A : i32
    %while3A_165 = arith.constant 1 : i32
    %while3A_166 = arith.divsi %while3A, %while3A_165 : i32
    %while3A_167 = arith.muli %while3A_166, %while3A_165 : i32
    %while3A_168 = arith.addi %get3A_1, %while3A_167 : i32
    %while3A_169 = arith.constant 1 : i32
    %while3A_170:9 = scf.for %while3A_253 = %get3A_1 to %while3A_168 step %while3A_169 iter_args(%while3A_254 = %broadcast_in_dim3A_147, %while3A_255 = %broadcast_in_dim3A_149, %while3A_256 = %broadcast_in_dim3A_151, %while3A_257 = %broadcast_in_dim3A_153, %while3A_258 = %broadcast_in_dim3A_155, %while3A_259 = %broadcast_in_dim3A_157, %while3A_260 = %broadcast_in_dim3A_159, %while3A_261 = %broadcast_in_dim3A_161, %while3A_262 = %broadcast_in_dim3A_163) -> (vector<256x1xf32>, vector<256x1xf32>, vector<256x1xf32>, vector<256x1xf32>, vector<256x1xf32>, vector<256x1xf32>, vector<256x1xf32>, vector<256x1xf32>, vector<256x128xf32>)  : i32 {
      %mul3A_263 = arith.constant 256 : i32
      %mul3A_264 = arith.muli %while3A_253, %mul3A_263 : i32
      %multiple_of3A = tpu.assume_multiple %mul3A_264, 256 : i32
      %get3A_265 = arith.index_cast %multiple_of3A : i32 to index
      %get3A_266 = arith.constant 0 : index
      %get3A_267 = vector.load %arg3[%get3A_265, %get3A_266] : memref<10240x128xf32, #tpu.memory_space<vmem>>, vector<256x128xf32>
      %get3A_268 = arith.index_cast %multiple_of3A : i32 to index
      %get3A_269 = arith.constant 0 : index
      %get3A_270 = vector.load %arg4[%get3A_268, %get3A_269] : memref<10240x128xf32, #tpu.memory_space<vmem>>, vector<256x128xf32>
      %get3A_271 = arith.index_cast %while3A_253 : i32 to index
      %get3A_272 = arith.constant 0 : index
      %get3A_273 = arith.constant 0 : index
      %get3A_274 = vector.load %arg6[%get3A_271, %get3A_272, %get3A_273] : memref<40x1x256xi32, #tpu.memory_space<vmem>>, vector<1x1x256xi32>
      %reshape3A = vector.shape_cast %get3A_274 : vector<1x1x256xi32> to vector<1x256xi32>
      %eq3A_275 = vector.broadcast %get3A_12 : vector<256x1xi32> to vector<256x256xi32>
      %eq3A_276 = vector.broadcast %reshape3A : vector<1x256xi32> to vector<256x256xi32>
      %eq3A_277 = arith.cmpi eq, %eq3A_275, %eq3A_276 : vector<256x256xi32>
      %mul3A_278 = vector.broadcast %convert_element_type3A_38 : vector<1x128xf32> to vector<256x128xf32>
      %mul3A_279 = arith.mulf %get3A_267, %mul3A_278 : vector<256x128xf32>
      %dot_general3A_280 = arith.constant dense<0.000000e+00> : vector<256x256xf32>
      %dot_general3A_281 = tpu.matmul %mul3A_9, %mul3A_279, %dot_general3A_280 {dimension_numbers = #tpu.dot_dimension_numbers<[1], [1], [0], [0], [0, 0, 1, 0], [], []>, transpose_lhs_hint = false} : vector<256x128xf32>, vector<256x128xf32>, vector<256x256xf32> -> vector<256x256xf32>
      %jit3A_282 = arith.constant -1.000000e+30 : f32
      %broadcast_in_dim3A_283 = vector.broadcast %jit3A_282 : f32 to vector<256x256xf32>
      %select_n3A_284 = arith.select %eq3A_277, %dot_general3A_281, %broadcast_in_dim3A_283 : vector<256x256xi1>, vector<256x256xf32>
      %reduce_max3A = arith.constant dense<0xFF800000> : vector<256xf32>
      %reduce_max3A_285 = vector.multi_reduction <maximumf>, %select_n3A_284, %reduce_max3A [1] : vector<256x256xf32> to vector<256xf32>
      %broadcast_in_dim3A_286 = vector.shape_cast %reduce_max3A_285 : vector<256xf32> to vector<256x1xf32>
      %max3A_287 = arith.maximumf %while3A_254, %broadcast_in_dim3A_286 : vector<256x1xf32>
      %sub3A_288 = vector.broadcast %max3A_287 : vector<256x1xf32> to vector<256x256xf32>
      %sub3A_289 = arith.subf %select_n3A_284, %sub3A_288 : vector<256x256xf32>
      %exp3A = math.exp %sub3A_289 : vector<256x256xf32>
      %sub3A_290 = arith.subf %while3A_254, %max3A_287 : vector<256x1xf32>
      %exp3A_291 = math.exp %sub3A_290 : vector<256x1xf32>
      %mul3A_292 = arith.mulf %while3A_258, %exp3A_291 : vector<256x1xf32>
      %reduce_sum3A_293 = arith.constant dense<0.000000e+00> : vector<256xf32>
      %reduce_sum3A_294 = vector.multi_reduction <add>, %exp3A, %reduce_sum3A_293 [1] : vector<256x256xf32> to vector<256xf32>
      %broadcast_in_dim3A_295 = vector.shape_cast %reduce_sum3A_294 : vector<256xf32> to vector<256x1xf32>
      %add3A_296 = arith.addf %mul3A_292, %broadcast_in_dim3A_295 : vector<256x1xf32>
      %mul3A_297 = vector.broadcast %convert_element_type3A_38 : vector<1x128xf32> to vector<256x128xf32>
      %mul3A_298 = arith.mulf %get3A_270, %mul3A_297 : vector<256x128xf32>
      %dot_general3A_299 = arith.constant dense<0.000000e+00> : vector<256x128xf32>
      %dot_general3A_300 = tpu.matmul %exp3A, %mul3A_298, %dot_general3A_299 {dimension_numbers = #tpu.dot_dimension_numbers<[1], [0], [0], [1], [0, 0, 1, 1], [], []>, transpose_lhs_hint = false} : vector<256x256xf32>, vector<256x128xf32>, vector<256x128xf32> -> vector<256x128xf32>
      %mul3A_301 = vector.broadcast %exp3A_291 : vector<256x1xf32> to vector<256x128xf32>
      %mul3A_302 = vector.broadcast %convert_element_type3A_38 : vector<1x128xf32> to vector<256x128xf32>
      %mul3A_303 = arith.mulf %mul3A_301, %mul3A_302 : vector<256x128xf32>
      %mul3A_304 = vector.broadcast %convert_element_type3A_74 : vector<1x128xf32> to vector<256x128xf32>
      %mul3A_305 = arith.mulf %get3A_267, %mul3A_304 : vector<256x128xf32>
      %dot_general3A_306 = arith.constant dense<0.000000e+00> : vector<256x256xf32>
      %dot_general3A_307 = tpu.matmul %mul3A_9, %mul3A_305, %dot_general3A_306 {dimension_numbers = #tpu.dot_dimension_numbers<[1], [1], [0], [0], [0, 0, 1, 0], [], []>, transpose_lhs_hint = false} : vector<256x128xf32>, vector<256x128xf32>, vector<256x256xf32> -> vector<256x256xf32>
      %jit3A_308 = arith.constant -1.000000e+30 : f32
      %broadcast_in_dim3A_309 = vector.broadcast %jit3A_308 : f32 to vector<256x256xf32>
      %select_n3A_310 = arith.select %eq3A_277, %dot_general3A_307, %broadcast_in_dim3A_309 : vector<256x256xi1>, vector<256x256xf32>
      %reduce_max3A_311 = arith.constant dense<0xFF800000> : vector<256xf32>
      %reduce_max3A_312 = vector.multi_reduction <maximumf>, %select_n3A_310, %reduce_max3A_311 [1] : vector<256x256xf32> to vector<256xf32>
      %broadcast_in_dim3A_313 = vector.shape_cast %reduce_max3A_312 : vector<256xf32> to vector<256x1xf32>
      %max3A_314 = arith.maximumf %while3A_255, %broadcast_in_dim3A_313 : vector<256x1xf32>
      %sub3A_315 = vector.broadcast %max3A_314 : vector<256x1xf32> to vector<256x256xf32>
      %sub3A_316 = arith.subf %select_n3A_310, %sub3A_315 : vector<256x256xf32>
      %exp3A_317 = math.exp %sub3A_316 : vector<256x256xf32>
      %sub3A_318 = arith.subf %while3A_255, %max3A_314 : vector<256x1xf32>
      %exp3A_319 = math.exp %sub3A_318 : vector<256x1xf32>
      %mul3A_320 = arith.mulf %while3A_259, %exp3A_319 : vector<256x1xf32>
      %reduce_sum3A_321 = arith.constant dense<0.000000e+00> : vector<256xf32>
      %reduce_sum3A_322 = vector.multi_reduction <add>, %exp3A_317, %reduce_sum3A_321 [1] : vector<256x256xf32> to vector<256xf32>
      %broadcast_in_dim3A_323 = vector.shape_cast %reduce_sum3A_322 : vector<256xf32> to vector<256x1xf32>
      %add3A_324 = arith.addf %mul3A_320, %broadcast_in_dim3A_323 : vector<256x1xf32>
      %mul3A_325 = vector.broadcast %convert_element_type3A_74 : vector<1x128xf32> to vector<256x128xf32>
      %mul3A_326 = arith.mulf %get3A_270, %mul3A_325 : vector<256x128xf32>
      %dot_general3A_327 = arith.constant dense<0.000000e+00> : vector<256x128xf32>
      %dot_general3A_328 = tpu.matmul %exp3A_317, %mul3A_326, %dot_general3A_327 {dimension_numbers = #tpu.dot_dimension_numbers<[1], [0], [0], [1], [0, 0, 1, 1], [], []>, transpose_lhs_hint = false} : vector<256x256xf32>, vector<256x128xf32>, vector<256x128xf32> -> vector<256x128xf32>
      %add3A_329 = arith.addf %dot_general3A_300, %dot_general3A_328 : vector<256x128xf32>
      %mul3A_330 = vector.broadcast %exp3A_319 : vector<256x1xf32> to vector<256x128xf32>
      %mul3A_331 = vector.broadcast %convert_element_type3A_74 : vector<1x128xf32> to vector<256x128xf32>
      %mul3A_332 = arith.mulf %mul3A_330, %mul3A_331 : vector<256x128xf32>
      %add3A_333 = arith.addf %mul3A_303, %mul3A_332 : vector<256x128xf32>
      %mul3A_334 = vector.broadcast %convert_element_type3A_110 : vector<1x128xf32> to vector<256x128xf32>
      %mul3A_335 = arith.mulf %get3A_267, %mul3A_334 : vector<256x128xf32>
      %dot_general3A_336 = arith.constant dense<0.000000e+00> : vector<256x256xf32>
      %dot_general3A_337 = tpu.matmul %mul3A_9, %mul3A_335, %dot_general3A_336 {dimension_numbers = #tpu.dot_dimension_numbers<[1], [1], [0], [0], [0, 0, 1, 0], [], []>, transpose_lhs_hint = false} : vector<256x128xf32>, vector<256x128xf32>, vector<256x256xf32> -> vector<256x256xf32>
      %jit3A_338 = arith.constant -1.000000e+30 : f32
      %broadcast_in_dim3A_339 = vector.broadcast %jit3A_338 : f32 to vector<256x256xf32>
      %select_n3A_340 = arith.select %eq3A_277, %dot_general3A_337, %broadcast_in_dim3A_339 : vector<256x256xi1>, vector<256x256xf32>
      %reduce_max3A_341 = arith.constant dense<0xFF800000> : vector<256xf32>
      %reduce_max3A_342 = vector.multi_reduction <maximumf>, %select_n3A_340, %reduce_max3A_341 [1] : vector<256x256xf32> to vector<256xf32>
      %broadcast_in_dim3A_343 = vector.shape_cast %reduce_max3A_342 : vector<256xf32> to vector<256x1xf32>
      %max3A_344 = arith.maximumf %while3A_256, %broadcast_in_dim3A_343 : vector<256x1xf32>
      %sub3A_345 = vector.broadcast %max3A_344 : vector<256x1xf32> to vector<256x256xf32>
      %sub3A_346 = arith.subf %select_n3A_340, %sub3A_345 : vector<256x256xf32>
      %exp3A_347 = math.exp %sub3A_346 : vector<256x256xf32>
      %sub3A_348 = arith.subf %while3A_256, %max3A_344 : vector<256x1xf32>
      %exp3A_349 = math.exp %sub3A_348 : vector<256x1xf32>
      %mul3A_350 = arith.mulf %while3A_260, %exp3A_349 : vector<256x1xf32>
      %reduce_sum3A_351 = arith.constant dense<0.000000e+00> : vector<256xf32>
      %reduce_sum3A_352 = vector.multi_reduction <add>, %exp3A_347, %reduce_sum3A_351 [1] : vector<256x256xf32> to vector<256xf32>
      %broadcast_in_dim3A_353 = vector.shape_cast %reduce_sum3A_352 : vector<256xf32> to vector<256x1xf32>
      %add3A_354 = arith.addf %mul3A_350, %broadcast_in_dim3A_353 : vector<256x1xf32>
      %mul3A_355 = vector.broadcast %convert_element_type3A_110 : vector<1x128xf32> to vector<256x128xf32>
      %mul3A_356 = arith.mulf %get3A_270, %mul3A_355 : vector<256x128xf32>
      %dot_general3A_357 = arith.constant dense<0.000000e+00> : vector<256x128xf32>
      %dot_general3A_358 = tpu.matmul %exp3A_347, %mul3A_356, %dot_general3A_357 {dimension_numbers = #tpu.dot_dimension_numbers<[1], [0], [0], [1], [0, 0, 1, 1], [], []>, transpose_lhs_hint = false} : vector<256x256xf32>, vector<256x128xf32>, vector<256x128xf32> -> vector<256x128xf32>
      %add3A_359 = arith.addf %add3A_329, %dot_general3A_358 : vector<256x128xf32>
      %mul3A_360 = vector.broadcast %exp3A_349 : vector<256x1xf32> to vector<256x128xf32>
      %mul3A_361 = vector.broadcast %convert_element_type3A_110 : vector<1x128xf32> to vector<256x128xf32>
      %mul3A_362 = arith.mulf %mul3A_360, %mul3A_361 : vector<256x128xf32>
      %add3A_363 = arith.addf %add3A_333, %mul3A_362 : vector<256x128xf32>
      %mul3A_364 = vector.broadcast %convert_element_type3A_146 : vector<1x128xf32> to vector<256x128xf32>
      %mul3A_365 = arith.mulf %get3A_267, %mul3A_364 : vector<256x128xf32>
      %dot_general3A_366 = arith.constant dense<0.000000e+00> : vector<256x256xf32>
      %dot_general3A_367 = tpu.matmul %mul3A_9, %mul3A_365, %dot_general3A_366 {dimension_numbers = #tpu.dot_dimension_numbers<[1], [1], [0], [0], [0, 0, 1, 0], [], []>, transpose_lhs_hint = false} : vector<256x128xf32>, vector<256x128xf32>, vector<256x256xf32> -> vector<256x256xf32>
      %jit3A_368 = arith.constant -1.000000e+30 : f32
      %broadcast_in_dim3A_369 = vector.broadcast %jit3A_368 : f32 to vector<256x256xf32>
      %select_n3A_370 = arith.select %eq3A_277, %dot_general3A_367, %broadcast_in_dim3A_369 : vector<256x256xi1>, vector<256x256xf32>
      %reduce_max3A_371 = arith.constant dense<0xFF800000> : vector<256xf32>
      %reduce_max3A_372 = vector.multi_reduction <maximumf>, %select_n3A_370, %reduce_max3A_371 [1] : vector<256x256xf32> to vector<256xf32>
      %broadcast_in_dim3A_373 = vector.shape_cast %reduce_max3A_372 : vector<256xf32> to vector<256x1xf32>
      %max3A_374 = arith.maximumf %while3A_257, %broadcast_in_dim3A_373 : vector<256x1xf32>
      %sub3A_375 = vector.broadcast %max3A_374 : vector<256x1xf32> to vector<256x256xf32>
      %sub3A_376 = arith.subf %select_n3A_370, %sub3A_375 : vector<256x256xf32>
      %exp3A_377 = math.exp %sub3A_376 : vector<256x256xf32>
      %sub3A_378 = arith.subf %while3A_257, %max3A_374 : vector<256x1xf32>
      %exp3A_379 = math.exp %sub3A_378 : vector<256x1xf32>
      %mul3A_380 = arith.mulf %while3A_261, %exp3A_379 : vector<256x1xf32>
      %reduce_sum3A_381 = arith.constant dense<0.000000e+00> : vector<256xf32>
      %reduce_sum3A_382 = vector.multi_reduction <add>, %exp3A_377, %reduce_sum3A_381 [1] : vector<256x256xf32> to vector<256xf32>
      %broadcast_in_dim3A_383 = vector.shape_cast %reduce_sum3A_382 : vector<256xf32> to vector<256x1xf32>
      %add3A_384 = arith.addf %mul3A_380, %broadcast_in_dim3A_383 : vector<256x1xf32>
      %mul3A_385 = vector.broadcast %convert_element_type3A_146 : vector<1x128xf32> to vector<256x128xf32>
      %mul3A_386 = arith.mulf %get3A_270, %mul3A_385 : vector<256x128xf32>
      %dot_general3A_387 = arith.constant dense<0.000000e+00> : vector<256x128xf32>
      %dot_general3A_388 = tpu.matmul %exp3A_377, %mul3A_386, %dot_general3A_387 {dimension_numbers = #tpu.dot_dimension_numbers<[1], [0], [0], [1], [0, 0, 1, 1], [], []>, transpose_lhs_hint = false} : vector<256x256xf32>, vector<256x128xf32>, vector<256x128xf32> -> vector<256x128xf32>
      %add3A_389 = arith.addf %add3A_359, %dot_general3A_388 : vector<256x128xf32>
      %mul3A_390 = vector.broadcast %exp3A_379 : vector<256x1xf32> to vector<256x128xf32>
      %mul3A_391 = vector.broadcast %convert_element_type3A_146 : vector<1x128xf32> to vector<256x128xf32>
      %mul3A_392 = arith.mulf %mul3A_390, %mul3A_391 : vector<256x128xf32>
      %add3A_393 = arith.addf %add3A_363, %mul3A_392 : vector<256x128xf32>
      %mul3A_394 = arith.mulf %while3A_262, %add3A_393 : vector<256x128xf32>
      %add3A_395 = arith.addf %mul3A_394, %add3A_389 : vector<256x128xf32>
      scf.yield %max3A_287, %max3A_314, %max3A_344, %max3A_374, %add3A_296, %add3A_324, %add3A_354, %add3A_384, %add3A_395 : vector<256x1xf32>, vector<256x1xf32>, vector<256x1xf32>, vector<256x1xf32>, vector<256x1xf32>, vector<256x1xf32>, vector<256x1xf32>, vector<256x1xf32>, vector<256x128xf32>
    }
    %while3A_171 = arith.constant 1 : i32
    %while3A_172:9 = scf.for %while3A_253 = %while3A_168 to %while3A_164 step %while3A_171 iter_args(%while3A_254 = %while3A_170#0, %while3A_255 = %while3A_170#1, %while3A_256 = %while3A_170#2, %while3A_257 = %while3A_170#3, %while3A_258 = %while3A_170#4, %while3A_259 = %while3A_170#5, %while3A_260 = %while3A_170#6, %while3A_261 = %while3A_170#7, %while3A_262 = %while3A_170#8) -> (vector<256x1xf32>, vector<256x1xf32>, vector<256x1xf32>, vector<256x1xf32>, vector<256x1xf32>, vector<256x1xf32>, vector<256x1xf32>, vector<256x1xf32>, vector<256x128xf32>)  : i32 {
      %mul3A_263 = arith.constant 256 : i32
      %mul3A_264 = arith.muli %while3A_253, %mul3A_263 : i32
      %multiple_of3A = tpu.assume_multiple %mul3A_264, 256 : i32
      %get3A_265 = arith.index_cast %multiple_of3A : i32 to index
      %get3A_266 = arith.constant 0 : index
      %get3A_267 = vector.load %arg3[%get3A_265, %get3A_266] : memref<10240x128xf32, #tpu.memory_space<vmem>>, vector<256x128xf32>
      %get3A_268 = arith.index_cast %multiple_of3A : i32 to index
      %get3A_269 = arith.constant 0 : index
      %get3A_270 = vector.load %arg4[%get3A_268, %get3A_269] : memref<10240x128xf32, #tpu.memory_space<vmem>>, vector<256x128xf32>
      %get3A_271 = arith.index_cast %while3A_253 : i32 to index
      %get3A_272 = arith.constant 0 : index
      %get3A_273 = arith.constant 0 : index
      %get3A_274 = vector.load %arg6[%get3A_271, %get3A_272, %get3A_273] : memref<40x1x256xi32, #tpu.memory_space<vmem>>, vector<1x1x256xi32>
      %reshape3A = vector.shape_cast %get3A_274 : vector<1x1x256xi32> to vector<1x256xi32>
      %eq3A_275 = vector.broadcast %get3A_12 : vector<256x1xi32> to vector<256x256xi32>
      %eq3A_276 = vector.broadcast %reshape3A : vector<1x256xi32> to vector<256x256xi32>
      %eq3A_277 = arith.cmpi eq, %eq3A_275, %eq3A_276 : vector<256x256xi32>
      %mul3A_278 = vector.broadcast %convert_element_type3A_38 : vector<1x128xf32> to vector<256x128xf32>
      %mul3A_279 = arith.mulf %get3A_267, %mul3A_278 : vector<256x128xf32>
      %dot_general3A_280 = arith.constant dense<0.000000e+00> : vector<256x256xf32>
      %dot_general3A_281 = tpu.matmul %mul3A_9, %mul3A_279, %dot_general3A_280 {dimension_numbers = #tpu.dot_dimension_numbers<[1], [1], [0], [0], [0, 0, 1, 0], [], []>, transpose_lhs_hint = false} : vector<256x128xf32>, vector<256x128xf32>, vector<256x256xf32> -> vector<256x256xf32>
      %jit3A_282 = arith.constant -1.000000e+30 : f32
      %broadcast_in_dim3A_283 = vector.broadcast %jit3A_282 : f32 to vector<256x256xf32>
      %select_n3A_284 = arith.select %eq3A_277, %dot_general3A_281, %broadcast_in_dim3A_283 : vector<256x256xi1>, vector<256x256xf32>
      %reduce_max3A = arith.constant dense<0xFF800000> : vector<256xf32>
      %reduce_max3A_285 = vector.multi_reduction <maximumf>, %select_n3A_284, %reduce_max3A [1] : vector<256x256xf32> to vector<256xf32>
      %broadcast_in_dim3A_286 = vector.shape_cast %reduce_max3A_285 : vector<256xf32> to vector<256x1xf32>
      %max3A_287 = arith.maximumf %while3A_254, %broadcast_in_dim3A_286 : vector<256x1xf32>
      %sub3A_288 = vector.broadcast %max3A_287 : vector<256x1xf32> to vector<256x256xf32>
      %sub3A_289 = arith.subf %select_n3A_284, %sub3A_288 : vector<256x256xf32>
      %exp3A = math.exp %sub3A_289 : vector<256x256xf32>
      %sub3A_290 = arith.subf %while3A_254, %max3A_287 : vector<256x1xf32>
      %exp3A_291 = math.exp %sub3A_290 : vector<256x1xf32>
      %mul3A_292 = arith.mulf %while3A_258, %exp3A_291 : vector<256x1xf32>
      %reduce_sum3A_293 = arith.constant dense<0.000000e+00> : vector<256xf32>
      %reduce_sum3A_294 = vector.multi_reduction <add>, %exp3A, %reduce_sum3A_293 [1] : vector<256x256xf32> to vector<256xf32>
      %broadcast_in_dim3A_295 = vector.shape_cast %reduce_sum3A_294 : vector<256xf32> to vector<256x1xf32>
      %add3A_296 = arith.addf %mul3A_292, %broadcast_in_dim3A_295 : vector<256x1xf32>
      %mul3A_297 = vector.broadcast %convert_element_type3A_38 : vector<1x128xf32> to vector<256x128xf32>
      %mul3A_298 = arith.mulf %get3A_270, %mul3A_297 : vector<256x128xf32>
      %dot_general3A_299 = arith.constant dense<0.000000e+00> : vector<256x128xf32>
      %dot_general3A_300 = tpu.matmul %exp3A, %mul3A_298, %dot_general3A_299 {dimension_numbers = #tpu.dot_dimension_numbers<[1], [0], [0], [1], [0, 0, 1, 1], [], []>, transpose_lhs_hint = false} : vector<256x256xf32>, vector<256x128xf32>, vector<256x128xf32> -> vector<256x128xf32>
      %mul3A_301 = vector.broadcast %exp3A_291 : vector<256x1xf32> to vector<256x128xf32>
      %mul3A_302 = vector.broadcast %convert_element_type3A_38 : vector<1x128xf32> to vector<256x128xf32>
      %mul3A_303 = arith.mulf %mul3A_301, %mul3A_302 : vector<256x128xf32>
      %mul3A_304 = vector.broadcast %convert_element_type3A_74 : vector<1x128xf32> to vector<256x128xf32>
      %mul3A_305 = arith.mulf %get3A_267, %mul3A_304 : vector<256x128xf32>
      %dot_general3A_306 = arith.constant dense<0.000000e+00> : vector<256x256xf32>
      %dot_general3A_307 = tpu.matmul %mul3A_9, %mul3A_305, %dot_general3A_306 {dimension_numbers = #tpu.dot_dimension_numbers<[1], [1], [0], [0], [0, 0, 1, 0], [], []>, transpose_lhs_hint = false} : vector<256x128xf32>, vector<256x128xf32>, vector<256x256xf32> -> vector<256x256xf32>
      %jit3A_308 = arith.constant -1.000000e+30 : f32
      %broadcast_in_dim3A_309 = vector.broadcast %jit3A_308 : f32 to vector<256x256xf32>
      %select_n3A_310 = arith.select %eq3A_277, %dot_general3A_307, %broadcast_in_dim3A_309 : vector<256x256xi1>, vector<256x256xf32>
      %reduce_max3A_311 = arith.constant dense<0xFF800000> : vector<256xf32>
      %reduce_max3A_312 = vector.multi_reduction <maximumf>, %select_n3A_310, %reduce_max3A_311 [1] : vector<256x256xf32> to vector<256xf32>
      %broadcast_in_dim3A_313 = vector.shape_cast %reduce_max3A_312 : vector<256xf32> to vector<256x1xf32>
      %max3A_314 = arith.maximumf %while3A_255, %broadcast_in_dim3A_313 : vector<256x1xf32>
      %sub3A_315 = vector.broadcast %max3A_314 : vector<256x1xf32> to vector<256x256xf32>
      %sub3A_316 = arith.subf %select_n3A_310, %sub3A_315 : vector<256x256xf32>
      %exp3A_317 = math.exp %sub3A_316 : vector<256x256xf32>
      %sub3A_318 = arith.subf %while3A_255, %max3A_314 : vector<256x1xf32>
      %exp3A_319 = math.exp %sub3A_318 : vector<256x1xf32>
      %mul3A_320 = arith.mulf %while3A_259, %exp3A_319 : vector<256x1xf32>
      %reduce_sum3A_321 = arith.constant dense<0.000000e+00> : vector<256xf32>
      %reduce_sum3A_322 = vector.multi_reduction <add>, %exp3A_317, %reduce_sum3A_321 [1] : vector<256x256xf32> to vector<256xf32>
      %broadcast_in_dim3A_323 = vector.shape_cast %reduce_sum3A_322 : vector<256xf32> to vector<256x1xf32>
      %add3A_324 = arith.addf %mul3A_320, %broadcast_in_dim3A_323 : vector<256x1xf32>
      %mul3A_325 = vector.broadcast %convert_element_type3A_74 : vector<1x128xf32> to vector<256x128xf32>
      %mul3A_326 = arith.mulf %get3A_270, %mul3A_325 : vector<256x128xf32>
      %dot_general3A_327 = arith.constant dense<0.000000e+00> : vector<256x128xf32>
      %dot_general3A_328 = tpu.matmul %exp3A_317, %mul3A_326, %dot_general3A_327 {dimension_numbers = #tpu.dot_dimension_numbers<[1], [0], [0], [1], [0, 0, 1, 1], [], []>, transpose_lhs_hint = false} : vector<256x256xf32>, vector<256x128xf32>, vector<256x128xf32> -> vector<256x128xf32>
      %add3A_329 = arith.addf %dot_general3A_300, %dot_general3A_328 : vector<256x128xf32>
      %mul3A_330 = vector.broadcast %exp3A_319 : vector<256x1xf32> to vector<256x128xf32>
      %mul3A_331 = vector.broadcast %convert_element_type3A_74 : vector<1x128xf32> to vector<256x128xf32>
      %mul3A_332 = arith.mulf %mul3A_330, %mul3A_331 : vector<256x128xf32>
      %add3A_333 = arith.addf %mul3A_303, %mul3A_332 : vector<256x128xf32>
      %mul3A_334 = vector.broadcast %convert_element_type3A_110 : vector<1x128xf32> to vector<256x128xf32>
      %mul3A_335 = arith.mulf %get3A_267, %mul3A_334 : vector<256x128xf32>
      %dot_general3A_336 = arith.constant dense<0.000000e+00> : vector<256x256xf32>
      %dot_general3A_337 = tpu.matmul %mul3A_9, %mul3A_335, %dot_general3A_336 {dimension_numbers = #tpu.dot_dimension_numbers<[1], [1], [0], [0], [0, 0, 1, 0], [], []>, transpose_lhs_hint = false} : vector<256x128xf32>, vector<256x128xf32>, vector<256x256xf32> -> vector<256x256xf32>
      %jit3A_338 = arith.constant -1.000000e+30 : f32
      %broadcast_in_dim3A_339 = vector.broadcast %jit3A_338 : f32 to vector<256x256xf32>
      %select_n3A_340 = arith.select %eq3A_277, %dot_general3A_337, %broadcast_in_dim3A_339 : vector<256x256xi1>, vector<256x256xf32>
      %reduce_max3A_341 = arith.constant dense<0xFF800000> : vector<256xf32>
      %reduce_max3A_342 = vector.multi_reduction <maximumf>, %select_n3A_340, %reduce_max3A_341 [1] : vector<256x256xf32> to vector<256xf32>
      %broadcast_in_dim3A_343 = vector.shape_cast %reduce_max3A_342 : vector<256xf32> to vector<256x1xf32>
      %max3A_344 = arith.maximumf %while3A_256, %broadcast_in_dim3A_343 : vector<256x1xf32>
      %sub3A_345 = vector.broadcast %max3A_344 : vector<256x1xf32> to vector<256x256xf32>
      %sub3A_346 = arith.subf %select_n3A_340, %sub3A_345 : vector<256x256xf32>
      %exp3A_347 = math.exp %sub3A_346 : vector<256x256xf32>
      %sub3A_348 = arith.subf %while3A_256, %max3A_344 : vector<256x1xf32>
      %exp3A_349 = math.exp %sub3A_348 : vector<256x1xf32>
      %mul3A_350 = arith.mulf %while3A_260, %exp3A_349 : vector<256x1xf32>
      %reduce_sum3A_351 = arith.constant dense<0.000000e+00> : vector<256xf32>
      %reduce_sum3A_352 = vector.multi_reduction <add>, %exp3A_347, %reduce_sum3A_351 [1] : vector<256x256xf32> to vector<256xf32>
      %broadcast_in_dim3A_353 = vector.shape_cast %reduce_sum3A_352 : vector<256xf32> to vector<256x1xf32>
      %add3A_354 = arith.addf %mul3A_350, %broadcast_in_dim3A_353 : vector<256x1xf32>
      %mul3A_355 = vector.broadcast %convert_element_type3A_110 : vector<1x128xf32> to vector<256x128xf32>
      %mul3A_356 = arith.mulf %get3A_270, %mul3A_355 : vector<256x128xf32>
      %dot_general3A_357 = arith.constant dense<0.000000e+00> : vector<256x128xf32>
      %dot_general3A_358 = tpu.matmul %exp3A_347, %mul3A_356, %dot_general3A_357 {dimension_numbers = #tpu.dot_dimension_numbers<[1], [0], [0], [1], [0, 0, 1, 1], [], []>, transpose_lhs_hint = false} : vector<256x256xf32>, vector<256x128xf32>, vector<256x128xf32> -> vector<256x128xf32>
      %add3A_359 = arith.addf %add3A_329, %dot_general3A_358 : vector<256x128xf32>
      %mul3A_360 = vector.broadcast %exp3A_349 : vector<256x1xf32> to vector<256x128xf32>
      %mul3A_361 = vector.broadcast %convert_element_type3A_110 : vector<1x128xf32> to vector<256x128xf32>
      %mul3A_362 = arith.mulf %mul3A_360, %mul3A_361 : vector<256x128xf32>
      %add3A_363 = arith.addf %add3A_333, %mul3A_362 : vector<256x128xf32>
      %mul3A_364 = vector.broadcast %convert_element_type3A_146 : vector<1x128xf32> to vector<256x128xf32>
      %mul3A_365 = arith.mulf %get3A_267, %mul3A_364 : vector<256x128xf32>
      %dot_general3A_366 = arith.constant dense<0.000000e+00> : vector<256x256xf32>
      %dot_general3A_367 = tpu.matmul %mul3A_9, %mul3A_365, %dot_general3A_366 {dimension_numbers = #tpu.dot_dimension_numbers<[1], [1], [0], [0], [0, 0, 1, 0], [], []>, transpose_lhs_hint = false} : vector<256x128xf32>, vector<256x128xf32>, vector<256x256xf32> -> vector<256x256xf32>
      %jit3A_368 = arith.constant -1.000000e+30 : f32
      %broadcast_in_dim3A_369 = vector.broadcast %jit3A_368 : f32 to vector<256x256xf32>
      %select_n3A_370 = arith.select %eq3A_277, %dot_general3A_367, %broadcast_in_dim3A_369 : vector<256x256xi1>, vector<256x256xf32>
      %reduce_max3A_371 = arith.constant dense<0xFF800000> : vector<256xf32>
      %reduce_max3A_372 = vector.multi_reduction <maximumf>, %select_n3A_370, %reduce_max3A_371 [1] : vector<256x256xf32> to vector<256xf32>
      %broadcast_in_dim3A_373 = vector.shape_cast %reduce_max3A_372 : vector<256xf32> to vector<256x1xf32>
      %max3A_374 = arith.maximumf %while3A_257, %broadcast_in_dim3A_373 : vector<256x1xf32>
      %sub3A_375 = vector.broadcast %max3A_374 : vector<256x1xf32> to vector<256x256xf32>
      %sub3A_376 = arith.subf %select_n3A_370, %sub3A_375 : vector<256x256xf32>
      %exp3A_377 = math.exp %sub3A_376 : vector<256x256xf32>
      %sub3A_378 = arith.subf %while3A_257, %max3A_374 : vector<256x1xf32>
      %exp3A_379 = math.exp %sub3A_378 : vector<256x1xf32>
      %mul3A_380 = arith.mulf %while3A_261, %exp3A_379 : vector<256x1xf32>
      %reduce_sum3A_381 = arith.constant dense<0.000000e+00> : vector<256xf32>
      %reduce_sum3A_382 = vector.multi_reduction <add>, %exp3A_377, %reduce_sum3A_381 [1] : vector<256x256xf32> to vector<256xf32>
      %broadcast_in_dim3A_383 = vector.shape_cast %reduce_sum3A_382 : vector<256xf32> to vector<256x1xf32>
      %add3A_384 = arith.addf %mul3A_380, %broadcast_in_dim3A_383 : vector<256x1xf32>
      %mul3A_385 = vector.broadcast %convert_element_type3A_146 : vector<1x128xf32> to vector<256x128xf32>
      %mul3A_386 = arith.mulf %get3A_270, %mul3A_385 : vector<256x128xf32>
      %dot_general3A_387 = arith.constant dense<0.000000e+00> : vector<256x128xf32>
      %dot_general3A_388 = tpu.matmul %exp3A_377, %mul3A_386, %dot_general3A_387 {dimension_numbers = #tpu.dot_dimension_numbers<[1], [0], [0], [1], [0, 0, 1, 1], [], []>, transpose_lhs_hint = false} : vector<256x256xf32>, vector<256x128xf32>, vector<256x128xf32> -> vector<256x128xf32>
      %add3A_389 = arith.addf %add3A_359, %dot_general3A_388 : vector<256x128xf32>
      %mul3A_390 = vector.broadcast %exp3A_379 : vector<256x1xf32> to vector<256x128xf32>
      %mul3A_391 = vector.broadcast %convert_element_type3A_146 : vector<1x128xf32> to vector<256x128xf32>
      %mul3A_392 = arith.mulf %mul3A_390, %mul3A_391 : vector<256x128xf32>
      %add3A_393 = arith.addf %add3A_363, %mul3A_392 : vector<256x128xf32>
      %mul3A_394 = arith.mulf %while3A_262, %add3A_393 : vector<256x128xf32>
      %add3A_395 = arith.addf %mul3A_394, %add3A_389 : vector<256x128xf32>
      scf.yield %max3A_287, %max3A_314, %max3A_344, %max3A_374, %add3A_296, %add3A_324, %add3A_354, %add3A_384, %add3A_395 : vector<256x1xf32>, vector<256x1xf32>, vector<256x1xf32>, vector<256x1xf32>, vector<256x1xf32>, vector<256x1xf32>, vector<256x1xf32>, vector<256x1xf32>, vector<256x128xf32>
    }
    %max3A = arith.constant 1.000000e-30 : f32
    %max3A_173 = vector.broadcast %max3A : f32 to vector<256x1xf32>
    %max3A_174 = arith.maximumf %while3A_172#4, %max3A_173 : vector<256x1xf32>
    %div3A_175 = arith.constant 1.000000e+00 : f32
    %div3A_176 = vector.broadcast %div3A_175 : f32 to vector<256x1xf32>
    %div3A_177 = arith.divf %div3A_176, %max3A_174 : vector<256x1xf32>
    %mul3A_178 = vector.broadcast %div3A_177 : vector<256x1xf32> to vector<256x128xf32>
    %mul3A_179 = vector.broadcast %convert_element_type3A_38 : vector<1x128xf32> to vector<256x128xf32>
    %mul3A_180 = arith.mulf %mul3A_178, %mul3A_179 : vector<256x128xf32>
    %add3A = arith.constant 0.000000e+00 : f32
    %add3A_181 = vector.broadcast %add3A : f32 to vector<256x128xf32>
    %add3A_182 = arith.addf %add3A_181, %mul3A_180 : vector<256x128xf32>
    %max3A_183 = arith.constant 1.000000e-30 : f32
    %max3A_184 = vector.broadcast %max3A_183 : f32 to vector<256x1xf32>
    %max3A_185 = arith.maximumf %while3A_172#5, %max3A_184 : vector<256x1xf32>
    %div3A_186 = arith.constant 1.000000e+00 : f32
    %div3A_187 = vector.broadcast %div3A_186 : f32 to vector<256x1xf32>
    %div3A_188 = arith.divf %div3A_187, %max3A_185 : vector<256x1xf32>
    %mul3A_189 = vector.broadcast %div3A_188 : vector<256x1xf32> to vector<256x128xf32>
    %mul3A_190 = vector.broadcast %convert_element_type3A_74 : vector<1x128xf32> to vector<256x128xf32>
    %mul3A_191 = arith.mulf %mul3A_189, %mul3A_190 : vector<256x128xf32>
    %add3A_192 = arith.addf %add3A_182, %mul3A_191 : vector<256x128xf32>
    %max3A_193 = arith.constant 1.000000e-30 : f32
    %max3A_194 = vector.broadcast %max3A_193 : f32 to vector<256x1xf32>
    %max3A_195 = arith.maximumf %while3A_172#6, %max3A_194 : vector<256x1xf32>
    %div3A_196 = arith.constant 1.000000e+00 : f32
    %div3A_197 = vector.broadcast %div3A_196 : f32 to vector<256x1xf32>
    %div3A_198 = arith.divf %div3A_197, %max3A_195 : vector<256x1xf32>
    %mul3A_199 = vector.broadcast %div3A_198 : vector<256x1xf32> to vector<256x128xf32>
    %mul3A_200 = vector.broadcast %convert_element_type3A_110 : vector<1x128xf32> to vector<256x128xf32>
    %mul3A_201 = arith.mulf %mul3A_199, %mul3A_200 : vector<256x128xf32>
    %add3A_202 = arith.addf %add3A_192, %mul3A_201 : vector<256x128xf32>
    %max3A_203 = arith.constant 1.000000e-30 : f32
    %max3A_204 = vector.broadcast %max3A_203 : f32 to vector<256x1xf32>
    %max3A_205 = arith.maximumf %while3A_172#7, %max3A_204 : vector<256x1xf32>
    %div3A_206 = arith.constant 1.000000e+00 : f32
    %div3A_207 = vector.broadcast %div3A_206 : f32 to vector<256x1xf32>
    %div3A_208 = arith.divf %div3A_207, %max3A_205 : vector<256x1xf32>
    %mul3A_209 = vector.broadcast %div3A_208 : vector<256x1xf32> to vector<256x128xf32>
    %mul3A_210 = vector.broadcast %convert_element_type3A_146 : vector<1x128xf32> to vector<256x128xf32>
    %mul3A_211 = arith.mulf %mul3A_209, %mul3A_210 : vector<256x128xf32>
    %add3A_212 = arith.addf %add3A_202, %mul3A_211 : vector<256x128xf32>
    %mul3A_213 = arith.mulf %while3A_172#8, %add3A_212 : vector<256x128xf32>
    %get3A_214 = arith.constant 0 : index
    %get3A_215 = arith.constant 0 : index
    %get3A_216 = vector.load %arg9[%get3A_214, %get3A_215] : memref<128x128xf32, #tpu.memory_space<vmem>>, vector<128x128xf32>
    %dot_general3A = arith.constant dense<0.000000e+00> : vector<256x128xf32>
    %dot_general3A_217 = tpu.matmul %mul3A_213, %get3A_216, %dot_general3A {dimension_numbers = #tpu.dot_dimension_numbers<[1], [1], [0], [0], [0, 0, 1, 0], [], []>, transpose_lhs_hint = false} : vector<256x128xf32>, vector<128x128xf32>, vector<256x128xf32> -> vector<256x128xf32>
    %get3A_218 = arith.constant 0 : index
    %get3A_219 = arith.constant 0 : index
    %get3A_220 = vector.load %arg10[%get3A_218, %get3A_219] : memref<1x128xf32, #tpu.memory_space<vmem>>, vector<1x128xf32>
    %add3A_221 = vector.broadcast %get3A_220 : vector<1x128xf32> to vector<256x128xf32>
    %add3A_222 = arith.addf %dot_general3A_217, %add3A_221 : vector<256x128xf32>
    %get3A_223 = arith.constant 0 : index
    %get3A_224 = arith.constant 0 : index
    %get3A_225 = vector.load %arg7[%get3A_223, %get3A_224] : memref<256x128xf32, #tpu.memory_space<vmem>>, vector<256x128xf32>
    %add3A_226 = arith.addf %add3A_222, %get3A_225 : vector<256x128xf32>
    %swap3A = arith.constant 0 : index
    %swap3A_227 = arith.constant 0 : index
    %swap3A_228 = vector.load %arg11[%swap3A, %swap3A_227] : memref<256x128xf32, #tpu.memory_space<vmem>>, vector<256x128xf32>
    tpu.vector_store %arg11[%swap3A, %swap3A_227], %add3A_226 {strides = array<i32>} : memref<256x128xf32, #tpu.memory_space<vmem>>, vector<256x128xf32>,
    %get3A_229 = arith.constant 0 : index
    %get3A_230 = arith.constant 0 : index
    %get3A_231 = vector.load %arg8[%get3A_229, %get3A_230] : memref<256x1xf32, #tpu.memory_space<vmem>>, vector<256x1xf32>
    %mul3A_232 = vector.broadcast %get3A_231 : vector<256x1xf32> to vector<256x128xf32>
    %mul3A_233 = arith.mulf %add3A_226, %mul3A_232 : vector<256x128xf32>
    %reduce_sum3A = arith.constant dense<0.000000e+00> : vector<128xf32>
    %reduce_sum3A_234 = vector.multi_reduction <add>, %mul3A_233, %reduce_sum3A [0] : vector<256x128xf32> to vector<128xf32>
    %broadcast_in_dim3A_235 = vector.shape_cast %reduce_sum3A_234 : vector<128xf32> to vector<1x128xf32>
    %mul3A_236 = arith.mulf %add3A_226, %mul3A_233 : vector<256x128xf32>
    %reduce_sum3A_237 = arith.constant dense<0.000000e+00> : vector<128xf32>
    %reduce_sum3A_238 = vector.multi_reduction <add>, %mul3A_236, %reduce_sum3A_237 [0] : vector<256x128xf32> to vector<128xf32>
    %broadcast_in_dim3A_239 = vector.shape_cast %reduce_sum3A_238 : vector<128xf32> to vector<1x128xf32>
    %broadcast_in_dim3A_240 = arith.constant 0.000000e+00 : f32
    %broadcast_in_dim3A_241 = vector.broadcast %broadcast_in_dim3A_240 : f32 to vector<6x128xf32>
    %concatenate3A = tpu.concatenate %broadcast_in_dim3A_235, %broadcast_in_dim3A_239, %broadcast_in_dim3A_241 in 0 : vector<1x128xf32>, vector<1x128xf32>, vector<6x128xf32> -> vector<8x128xf32>
    %eq3A_242 = arith.constant 0 : i32
    %eq3A_243 = arith.cmpi eq, %arg0, %eq3A_242 : i32
    %convert_element_type3A_244 = arith.extui %eq3A_243 : i1 to i32
    %cond3A = arith.constant 0 : i32
    %cond3A_245 = arith.cmpi ne, %convert_element_type3A_244, %cond3A : i32
    scf.if %cond3A_245 {
      %broadcast_in_dim3A_253 = arith.constant 0.000000e+00 : f32
      %broadcast_in_dim3A_254 = vector.broadcast %broadcast_in_dim3A_253 : f32 to vector<8x128xf32>
      %swap3A_255 = arith.constant 0 : index
      %swap3A_256 = arith.constant 0 : index
      %swap3A_257 = vector.load %arg12[%swap3A_255, %swap3A_256] : memref<8x128xf32, #tpu.memory_space<vmem>>, vector<8x128xf32>
      tpu.vector_store %arg12[%swap3A_255, %swap3A_256], %broadcast_in_dim3A_254 {strides = array<i32>} : memref<8x128xf32, #tpu.memory_space<vmem>>, vector<8x128xf32>,
    } else {
    }
    %get3A_246 = arith.constant 0 : index
    %get3A_247 = arith.constant 0 : index
    %get3A_248 = vector.load %arg12[%get3A_246, %get3A_247] : memref<8x128xf32, #tpu.memory_space<vmem>>, vector<8x128xf32>
    %add3A_249 = arith.addf %get3A_248, %concatenate3A : vector<8x128xf32>
    %swap3A_250 = arith.constant 0 : index
    %swap3A_251 = arith.constant 0 : index
    %swap3A_252 = vector.load %arg12[%swap3A_250, %swap3A_251] : memref<8x128xf32, #tpu.memory_space<vmem>>, vector<8x128xf32>
    tpu.vector_store %arg12[%swap3A_250, %swap3A_251], %add3A_249 {strides = array<i32>} : memref<8x128xf32, #tpu.memory_space<vmem>>, vector<8x128xf32>,
    return
  }
  func.func @transform_0(%arg0: i32) -> (i32, i32) {
    %c0_i32 = arith.constant 0 : i32
    %c0_i32_0 = arith.constant 0 : i32
    %c0_i32_1 = arith.constant 0 : i32
    return %c0_i32, %c0_i32_0 : i32, i32
  }
  func.func @transform_1(%arg0: i32) -> (i32, i32) {
    %c0_i32 = arith.constant 0 : i32
    %c0_i32_0 = arith.constant 0 : i32
    return %arg0, %c0_i32 : i32, i32
  }
  func.func @transform_2(%arg0: i32) -> (i32, i32) {
    %c0_i32 = arith.constant 0 : i32
    %c0_i32_0 = arith.constant 0 : i32
    %c0_i32_1 = arith.constant 0 : i32
    return %c0_i32, %c0_i32_0 : i32, i32
  }
  func.func @transform_3(%arg0: i32) -> (i32, i32) {
    %c0_i32 = arith.constant 0 : i32
    %c0_i32_0 = arith.constant 0 : i32
    %c0_i32_1 = arith.constant 0 : i32
    return %c0_i32, %c0_i32_0 : i32, i32
  }
  func.func @transform_4(%arg0: i32) -> (i32, i32) {
    %c0_i32 = arith.constant 0 : i32
    %c0_i32_0 = arith.constant 0 : i32
    return %arg0, %c0_i32 : i32, i32
  }
  func.func @transform_5(%arg0: i32) -> (i32, i32, i32) {
    %c0_i32 = arith.constant 0 : i32
    %c0_i32_0 = arith.constant 0 : i32
    %c0_i32_1 = arith.constant 0 : i32
    %c0_i32_2 = arith.constant 0 : i32
    return %c0_i32, %c0_i32_0, %c0_i32_1 : i32, i32, i32
  }
  func.func @transform_6(%arg0: i32) -> (i32, i32) {
    %c0_i32 = arith.constant 0 : i32
    %c0_i32_0 = arith.constant 0 : i32
    return %arg0, %c0_i32 : i32, i32
  }
  func.func @transform_7(%arg0: i32) -> (i32, i32) {
    %c0_i32 = arith.constant 0 : i32
    %c0_i32_0 = arith.constant 0 : i32
    return %arg0, %c0_i32 : i32, i32
  }
  func.func @transform_8(%arg0: i32) -> (i32, i32) {
    %c0_i32 = arith.constant 0 : i32
    %c0_i32_0 = arith.constant 0 : i32
    %c0_i32_1 = arith.constant 0 : i32
    return %c0_i32, %c0_i32_0 : i32, i32
  }
  func.func @transform_9(%arg0: i32) -> (i32, i32) {
    %c0_i32 = arith.constant 0 : i32
    %c0_i32_0 = arith.constant 0 : i32
    %c0_i32_1 = arith.constant 0 : i32
    return %c0_i32, %c0_i32_0 : i32, i32
  }
  func.func @transform_10(%arg0: i32) -> (i32, i32) {
    %c0_i32 = arith.constant 0 : i32
    %c0_i32_0 = arith.constant 0 : i32
    return %arg0, %c0_i32 : i32, i32
  }
  func.func @transform_11(%arg0: i32) -> (i32, i32) {
    %c0_i32 = arith.constant 0 : i32
    %c0_i32_0 = arith.constant 0 : i32
    %c0_i32_1 = arith.constant 0 : i32
    return %c0_i32, %c0_i32_0 : i32, i32
  }
}

module attributes {stable_mosaic.version = 14 : i64} {
  func.func @body(%arg0: i32, %arg1: memref<512x128xf32, #tpu.memory_space<vmem>>, %arg2: memref<2x512x128xf32, #tpu.memory_space<vmem>>, %arg3: memref<512x1xf32, #tpu.memory_space<vmem>>, %arg4: memref<128x128xf32, #tpu.memory_space<vmem>>, %arg5: memref<1x128xf32, #tpu.memory_space<vmem>>, %arg6: memref<128x128xf32, #tpu.memory_space<vmem>>, %arg7: memref<1x128xf32, #tpu.memory_space<vmem>>, %arg8: memref<512x128xf32, #tpu.memory_space<vmem>>, %arg9: memref<8x128xf32, #tpu.memory_space<vmem>>) attributes {dimension_semantics = [#tpu.dimension_semantics<arbitrary>], iteration_bounds = array<i64: 20>, scalar_prefetch = 0 : i64, scratch_operands = 0 : i64, tpu.core_type = #tpu.core_type<tc>, window_params = [{transform_indices = @transform_0, window_bounds = array<i64: 512, 128>}, {transform_indices = @transform_1, window_bounds = array<i64: 2, 512, 128>}, {transform_indices = @transform_2, window_bounds = array<i64: 512, 1>}, {pipeline_mode = #tpu.pipeline_mode<synchronous>, transform_indices = @transform_3, window_bounds = array<i64: 128, 128>}, {pipeline_mode = #tpu.pipeline_mode<synchronous>, transform_indices = @transform_4, window_bounds = array<i64: 1, 128>}, {pipeline_mode = #tpu.pipeline_mode<synchronous>, transform_indices = @transform_5, window_bounds = array<i64: 128, 128>}, {pipeline_mode = #tpu.pipeline_mode<synchronous>, transform_indices = @transform_6, window_bounds = array<i64: 1, 128>}, {transform_indices = @transform_7, window_bounds = array<i64: 512, 128>}, {pipeline_mode = #tpu.pipeline_mode<synchronous>, transform_indices = @transform_8, window_bounds = array<i64: 8, 128>}]} {
    %get3A = arith.constant 0 : index
    %get3A_0 = arith.constant 0 : index
    %get3A_1 = vector.load %arg1[%get3A, %get3A_0] : memref<512x128xf32, #tpu.memory_space<vmem>>, vector<512x128xf32>
    %get3A_2 = arith.constant 0 : index
    %get3A_3 = arith.constant 0 : index
    %get3A_4 = arith.constant 0 : index
    %get3A_5 = vector.load %arg2[%get3A_2, %get3A_3, %get3A_4] : memref<2x512x128xf32, #tpu.memory_space<vmem>>, vector<1x512x128xf32>
    %get3A_6 = vector.shape_cast %get3A_5 : vector<1x512x128xf32> to vector<512x128xf32>
    %get3A_7 = arith.constant 1 : index
    %get3A_8 = arith.constant 0 : index
    %get3A_9 = arith.constant 0 : index
    %get3A_10 = vector.load %arg2[%get3A_7, %get3A_8, %get3A_9] : memref<2x512x128xf32, #tpu.memory_space<vmem>>, vector<1x512x128xf32>
    %get3A_11 = vector.shape_cast %get3A_10 : vector<1x512x128xf32> to vector<512x128xf32>
    %add3A = arith.addf %get3A_6, %get3A_11 : vector<512x128xf32>
    %add3A_12 = arith.addf %add3A, %get3A_1 : vector<512x128xf32>
    %get3A_13 = arith.constant 0 : index
    %get3A_14 = arith.constant 0 : index
    %get3A_15 = vector.load %arg4[%get3A_13, %get3A_14] : memref<128x128xf32, #tpu.memory_space<vmem>>, vector<128x128xf32>
    %dot_general3A = arith.constant dense<0.000000e+00> : vector<512x128xf32>
    %dot_general3A_16 = tpu.matmul %add3A_12, %get3A_15, %dot_general3A {dimension_numbers = #tpu.dot_dimension_numbers<[1], [1], [0], [0], [0, 0, 1, 0], [], []>, transpose_lhs_hint = false} : vector<512x128xf32>, vector<128x128xf32>, vector<512x128xf32> -> vector<512x128xf32>
    %get3A_17 = arith.constant 0 : index
    %get3A_18 = arith.constant 0 : index
    %get3A_19 = vector.load %arg5[%get3A_17, %get3A_18] : memref<1x128xf32, #tpu.memory_space<vmem>>, vector<1x128xf32>
    %add3A_20 = vector.broadcast %get3A_19 : vector<1x128xf32> to vector<512x128xf32>
    %add3A_21 = arith.addf %dot_general3A_16, %add3A_20 : vector<512x128xf32>
    %max3A = arith.constant 0.000000e+00 : f32
    %max3A_22 = vector.broadcast %max3A : f32 to vector<512x128xf32>
    %max3A_23 = arith.maximumf %add3A_21, %max3A_22 : vector<512x128xf32>
    %get3A_24 = arith.constant 0 : index
    %get3A_25 = arith.constant 0 : index
    %get3A_26 = vector.load %arg6[%get3A_24, %get3A_25] : memref<128x128xf32, #tpu.memory_space<vmem>>, vector<128x128xf32>
    %dot_general3A_27 = arith.constant dense<0.000000e+00> : vector<512x128xf32>
    %dot_general3A_28 = tpu.matmul %max3A_23, %get3A_26, %dot_general3A_27 {dimension_numbers = #tpu.dot_dimension_numbers<[1], [1], [0], [0], [0, 0, 1, 0], [], []>, transpose_lhs_hint = false} : vector<512x128xf32>, vector<128x128xf32>, vector<512x128xf32> -> vector<512x128xf32>
    %get3A_29 = arith.constant 0 : index
    %get3A_30 = arith.constant 0 : index
    %get3A_31 = vector.load %arg7[%get3A_29, %get3A_30] : memref<1x128xf32, #tpu.memory_space<vmem>>, vector<1x128xf32>
    %add3A_32 = vector.broadcast %get3A_31 : vector<1x128xf32> to vector<512x128xf32>
    %add3A_33 = arith.addf %dot_general3A_28, %add3A_32 : vector<512x128xf32>
    %add3A_34 = arith.addf %add3A_33, %get3A_1 : vector<512x128xf32>
    %swap3A = arith.constant 0 : index
    %swap3A_35 = arith.constant 0 : index
    %swap3A_36 = vector.load %arg8[%swap3A, %swap3A_35] : memref<512x128xf32, #tpu.memory_space<vmem>>, vector<512x128xf32>
    tpu.vector_store %arg8[%swap3A, %swap3A_35], %add3A_34 {strides = array<i32>} : memref<512x128xf32, #tpu.memory_space<vmem>>, vector<512x128xf32>,
    %get3A_37 = arith.constant 0 : index
    %get3A_38 = arith.constant 0 : index
    %get3A_39 = vector.load %arg3[%get3A_37, %get3A_38] : memref<512x1xf32, #tpu.memory_space<vmem>>, vector<512x1xf32>
    %mul3A = vector.broadcast %get3A_39 : vector<512x1xf32> to vector<512x128xf32>
    %mul3A_40 = arith.mulf %add3A_34, %mul3A : vector<512x128xf32>
    %reduce_sum3A = arith.constant dense<0.000000e+00> : vector<128xf32>
    %reduce_sum3A_41 = vector.multi_reduction <add>, %mul3A_40, %reduce_sum3A [0] : vector<512x128xf32> to vector<128xf32>
    %broadcast_in_dim3A = vector.shape_cast %reduce_sum3A_41 : vector<128xf32> to vector<1x128xf32>
    %mul3A_42 = arith.mulf %add3A_34, %mul3A_40 : vector<512x128xf32>
    %reduce_sum3A_43 = arith.constant dense<0.000000e+00> : vector<128xf32>
    %reduce_sum3A_44 = vector.multi_reduction <add>, %mul3A_42, %reduce_sum3A_43 [0] : vector<512x128xf32> to vector<128xf32>
    %broadcast_in_dim3A_45 = vector.shape_cast %reduce_sum3A_44 : vector<128xf32> to vector<1x128xf32>
    %broadcast_in_dim3A_46 = arith.constant 0.000000e+00 : f32
    %broadcast_in_dim3A_47 = vector.broadcast %broadcast_in_dim3A_46 : f32 to vector<6x128xf32>
    %concatenate3A = tpu.concatenate %broadcast_in_dim3A, %broadcast_in_dim3A_45, %broadcast_in_dim3A_47 in 0 : vector<1x128xf32>, vector<1x128xf32>, vector<6x128xf32> -> vector<8x128xf32>
    %eq3A = arith.constant 0 : i32
    %eq3A_48 = arith.cmpi eq, %arg0, %eq3A : i32
    %convert_element_type3A = arith.extui %eq3A_48 : i1 to i32
    %cond3A = arith.constant 0 : i32
    %cond3A_49 = arith.cmpi ne, %convert_element_type3A, %cond3A : i32
    scf.if %cond3A_49 {
      %broadcast_in_dim3A_57 = arith.constant 0.000000e+00 : f32
      %broadcast_in_dim3A_58 = vector.broadcast %broadcast_in_dim3A_57 : f32 to vector<8x128xf32>
      %swap3A_59 = arith.constant 0 : index
      %swap3A_60 = arith.constant 0 : index
      %swap3A_61 = vector.load %arg9[%swap3A_59, %swap3A_60] : memref<8x128xf32, #tpu.memory_space<vmem>>, vector<8x128xf32>
      tpu.vector_store %arg9[%swap3A_59, %swap3A_60], %broadcast_in_dim3A_58 {strides = array<i32>} : memref<8x128xf32, #tpu.memory_space<vmem>>, vector<8x128xf32>,
    } else {
    }
    %get3A_50 = arith.constant 0 : index
    %get3A_51 = arith.constant 0 : index
    %get3A_52 = vector.load %arg9[%get3A_50, %get3A_51] : memref<8x128xf32, #tpu.memory_space<vmem>>, vector<8x128xf32>
    %add3A_53 = arith.addf %get3A_52, %concatenate3A : vector<8x128xf32>
    %swap3A_54 = arith.constant 0 : index
    %swap3A_55 = arith.constant 0 : index
    %swap3A_56 = vector.load %arg9[%swap3A_54, %swap3A_55] : memref<8x128xf32, #tpu.memory_space<vmem>>, vector<8x128xf32>
    tpu.vector_store %arg9[%swap3A_54, %swap3A_55], %add3A_53 {strides = array<i32>} : memref<8x128xf32, #tpu.memory_space<vmem>>, vector<8x128xf32>,
    return
  }
  func.func @transform_0(%arg0: i32) -> (i32, i32) {
    %c0_i32 = arith.constant 0 : i32
    %c0_i32_0 = arith.constant 0 : i32
    return %arg0, %c0_i32 : i32, i32
  }
  func.func @transform_1(%arg0: i32) -> (i32, i32, i32) {
    %c0_i32 = arith.constant 0 : i32
    %c0_i32_0 = arith.constant 0 : i32
    %c0_i32_1 = arith.constant 0 : i32
    return %c0_i32, %arg0, %c0_i32_0 : i32, i32, i32
  }
  func.func @transform_2(%arg0: i32) -> (i32, i32) {
    %c0_i32 = arith.constant 0 : i32
    %c0_i32_0 = arith.constant 0 : i32
    return %arg0, %c0_i32 : i32, i32
  }
  func.func @transform_3(%arg0: i32) -> (i32, i32) {
    %c0_i32 = arith.constant 0 : i32
    %c0_i32_0 = arith.constant 0 : i32
    %c0_i32_1 = arith.constant 0 : i32
    return %c0_i32, %c0_i32_0 : i32, i32
  }
  func.func @transform_4(%arg0: i32) -> (i32, i32) {
    %c0_i32 = arith.constant 0 : i32
    %c0_i32_0 = arith.constant 0 : i32
    %c0_i32_1 = arith.constant 0 : i32
    return %c0_i32, %c0_i32_0 : i32, i32
  }
  func.func @transform_5(%arg0: i32) -> (i32, i32) {
    %c0_i32 = arith.constant 0 : i32
    %c0_i32_0 = arith.constant 0 : i32
    %c0_i32_1 = arith.constant 0 : i32
    return %c0_i32, %c0_i32_0 : i32, i32
  }
  func.func @transform_6(%arg0: i32) -> (i32, i32) {
    %c0_i32 = arith.constant 0 : i32
    %c0_i32_0 = arith.constant 0 : i32
    %c0_i32_1 = arith.constant 0 : i32
    return %c0_i32, %c0_i32_0 : i32, i32
  }
  func.func @transform_7(%arg0: i32) -> (i32, i32) {
    %c0_i32 = arith.constant 0 : i32
    %c0_i32_0 = arith.constant 0 : i32
    return %arg0, %c0_i32 : i32, i32
  }
  func.func @transform_8(%arg0: i32) -> (i32, i32) {
    %c0_i32 = arith.constant 0 : i32
    %c0_i32_0 = arith.constant 0 : i32
    %c0_i32_1 = arith.constant 0 : i32
    return %c0_i32, %c0_i32_0 : i32, i32
  }
}

module attributes {stable_mosaic.version = 14 : i64} {
  func.func @body(%arg0: i32, %arg1: memref<512x128xf32, #tpu.memory_space<vmem>>, %arg2: memref<512x128xf32, #tpu.memory_space<vmem>>, %arg3: memref<512x1xf32, #tpu.memory_space<vmem>>, %arg4: memref<1x128xf32, #tpu.memory_space<vmem>>, %arg5: memref<1x128xf32, #tpu.memory_space<vmem>>, %arg6: memref<1x128xf32, #tpu.memory_space<vmem>>, %arg7: memref<1x128xf32, #tpu.memory_space<vmem>>, %arg8: memref<256x128xf32, #tpu.memory_space<vmem>>, %arg9: memref<1x256xf32, #tpu.memory_space<vmem>>, %arg10: memref<128x256xf32, #tpu.memory_space<vmem>>, %arg11: memref<1x128xf32, #tpu.memory_space<vmem>>, %arg12: memref<512x128xf32, #tpu.memory_space<vmem>>, %arg13: memref<8x128xf32, #tpu.memory_space<vmem>>) attributes {dimension_semantics = [#tpu.dimension_semantics<arbitrary>], iteration_bounds = array<i64: 20>, scalar_prefetch = 0 : i64, scratch_operands = 0 : i64, tpu.core_type = #tpu.core_type<tc>, window_params = [{transform_indices = @transform_0, window_bounds = array<i64: 512, 128>}, {transform_indices = @transform_1, window_bounds = array<i64: 512, 128>}, {transform_indices = @transform_2, window_bounds = array<i64: 512, 1>}, {pipeline_mode = #tpu.pipeline_mode<synchronous>, transform_indices = @transform_3, window_bounds = array<i64: 1, 128>}, {pipeline_mode = #tpu.pipeline_mode<synchronous>, transform_indices = @transform_4, window_bounds = array<i64: 1, 128>}, {pipeline_mode = #tpu.pipeline_mode<synchronous>, transform_indices = @transform_5, window_bounds = array<i64: 1, 128>}, {pipeline_mode = #tpu.pipeline_mode<synchronous>, transform_indices = @transform_6, window_bounds = array<i64: 1, 128>}, {pipeline_mode = #tpu.pipeline_mode<synchronous>, transform_indices = @transform_7, window_bounds = array<i64: 256, 128>}, {pipeline_mode = #tpu.pipeline_mode<synchronous>, transform_indices = @transform_8, window_bounds = array<i64: 1, 256>}, {pipeline_mode = #tpu.pipeline_mode<synchronous>, transform_indices = @transform_9, window_bounds = array<i64: 128, 256>}, {pipeline_mode = #tpu.pipeline_mode<synchronous>, transform_indices = @transform_10, window_bounds = array<i64: 1, 128>}, {transform_indices = @transform_11, window_bounds = array<i64: 512, 128>}, {pipeline_mode = #tpu.pipeline_mode<synchronous>, transform_indices = @transform_12, window_bounds = array<i64: 8, 128>}]} {
    %get3A = arith.constant 0 : index
    %get3A_0 = arith.constant 0 : index
    %get3A_1 = vector.load %arg1[%get3A, %get3A_0] : memref<512x128xf32, #tpu.memory_space<vmem>>, vector<512x128xf32>
    %get3A_2 = arith.constant 0 : index
    %get3A_3 = arith.constant 0 : index
    %get3A_4 = vector.load %arg4[%get3A_2, %get3A_3] : memref<1x128xf32, #tpu.memory_space<vmem>>, vector<1x128xf32>
    %mul3A = vector.broadcast %get3A_4 : vector<1x128xf32> to vector<512x128xf32>
    %mul3A_5 = arith.mulf %get3A_1, %mul3A : vector<512x128xf32>
    %get3A_6 = arith.constant 0 : index
    %get3A_7 = arith.constant 0 : index
    %get3A_8 = vector.load %arg5[%get3A_6, %get3A_7] : memref<1x128xf32, #tpu.memory_space<vmem>>, vector<1x128xf32>
    %add3A = vector.broadcast %get3A_8 : vector<1x128xf32> to vector<512x128xf32>
    %add3A_9 = arith.addf %mul3A_5, %add3A : vector<512x128xf32>
    %get3A_10 = arith.constant 0 : index
    %get3A_11 = arith.constant 0 : index
    %get3A_12 = vector.load %arg2[%get3A_10, %get3A_11] : memref<512x128xf32, #tpu.memory_space<vmem>>, vector<512x128xf32>
    %get3A_13 = arith.constant 0 : index
    %get3A_14 = arith.constant 0 : index
    %get3A_15 = vector.load %arg6[%get3A_13, %get3A_14] : memref<1x128xf32, #tpu.memory_space<vmem>>, vector<1x128xf32>
    %mul3A_16 = vector.broadcast %get3A_15 : vector<1x128xf32> to vector<512x128xf32>
    %mul3A_17 = arith.mulf %get3A_12, %mul3A_16 : vector<512x128xf32>
    %get3A_18 = arith.constant 0 : index
    %get3A_19 = arith.constant 0 : index
    %get3A_20 = vector.load %arg7[%get3A_18, %get3A_19] : memref<1x128xf32, #tpu.memory_space<vmem>>, vector<1x128xf32>
    %add3A_21 = vector.broadcast %get3A_20 : vector<1x128xf32> to vector<512x128xf32>
    %add3A_22 = arith.addf %mul3A_17, %add3A_21 : vector<512x128xf32>
    %add3A_23 = arith.addf %add3A_9, %add3A_22 : vector<512x128xf32>
    %get3A_24 = arith.constant 0 : index
    %get3A_25 = arith.constant 0 : index
    %get3A_26 = vector.load %arg8[%get3A_24, %get3A_25] : memref<256x128xf32, #tpu.memory_space<vmem>>, vector<256x128xf32>
    %dot_general3A = arith.constant dense<0.000000e+00> : vector<512x256xf32>
    %dot_general3A_27 = tpu.matmul %add3A_23, %get3A_26, %dot_general3A {dimension_numbers = #tpu.dot_dimension_numbers<[1], [1], [0], [0], [0, 0, 1, 0], [], []>, transpose_lhs_hint = false} : vector<512x128xf32>, vector<256x128xf32>, vector<512x256xf32> -> vector<512x256xf32>
    %get3A_28 = arith.constant 0 : index
    %get3A_29 = arith.constant 0 : index
    %get3A_30 = vector.load %arg9[%get3A_28, %get3A_29] : memref<1x256xf32, #tpu.memory_space<vmem>>, vector<1x256xf32>
    %add3A_31 = vector.broadcast %get3A_30 : vector<1x256xf32> to vector<512x256xf32>
    %add3A_32 = arith.addf %dot_general3A_27, %add3A_31 : vector<512x256xf32>
    %max3A = arith.constant 0.000000e+00 : f32
    %max3A_33 = vector.broadcast %max3A : f32 to vector<512x256xf32>
    %max3A_34 = arith.maximumf %add3A_32, %max3A_33 : vector<512x256xf32>
    %get3A_35 = arith.constant 0 : index
    %get3A_36 = arith.constant 0 : index
    %get3A_37 = vector.load %arg10[%get3A_35, %get3A_36] : memref<128x256xf32, #tpu.memory_space<vmem>>, vector<128x256xf32>
    %dot_general3A_38 = arith.constant dense<0.000000e+00> : vector<512x128xf32>
    %dot_general3A_39 = tpu.matmul %max3A_34, %get3A_37, %dot_general3A_38 {dimension_numbers = #tpu.dot_dimension_numbers<[1], [1], [0], [0], [0, 0, 1, 0], [], []>, transpose_lhs_hint = false} : vector<512x256xf32>, vector<128x256xf32>, vector<512x128xf32> -> vector<512x128xf32>
    %get3A_40 = arith.constant 0 : index
    %get3A_41 = arith.constant 0 : index
    %get3A_42 = vector.load %arg11[%get3A_40, %get3A_41] : memref<1x128xf32, #tpu.memory_space<vmem>>, vector<1x128xf32>
    %add3A_43 = vector.broadcast %get3A_42 : vector<1x128xf32> to vector<512x128xf32>
    %add3A_44 = arith.addf %dot_general3A_39, %add3A_43 : vector<512x128xf32>
    %add3A_45 = arith.addf %add3A_44, %add3A_23 : vector<512x128xf32>
    %swap3A = arith.constant 0 : index
    %swap3A_46 = arith.constant 0 : index
    %swap3A_47 = vector.load %arg12[%swap3A, %swap3A_46] : memref<512x128xf32, #tpu.memory_space<vmem>>, vector<512x128xf32>
    tpu.vector_store %arg12[%swap3A, %swap3A_46], %add3A_45 {strides = array<i32>} : memref<512x128xf32, #tpu.memory_space<vmem>>, vector<512x128xf32>,
    %get3A_48 = arith.constant 0 : index
    %get3A_49 = arith.constant 0 : index
    %get3A_50 = vector.load %arg3[%get3A_48, %get3A_49] : memref<512x1xf32, #tpu.memory_space<vmem>>, vector<512x1xf32>
    %mul3A_51 = vector.broadcast %get3A_50 : vector<512x1xf32> to vector<512x128xf32>
    %mul3A_52 = arith.mulf %add3A_45, %mul3A_51 : vector<512x128xf32>
    %reduce_sum3A = arith.constant dense<0.000000e+00> : vector<128xf32>
    %reduce_sum3A_53 = vector.multi_reduction <add>, %mul3A_52, %reduce_sum3A [0] : vector<512x128xf32> to vector<128xf32>
    %broadcast_in_dim3A = vector.shape_cast %reduce_sum3A_53 : vector<128xf32> to vector<1x128xf32>
    %mul3A_54 = arith.mulf %add3A_45, %mul3A_52 : vector<512x128xf32>
    %reduce_sum3A_55 = arith.constant dense<0.000000e+00> : vector<128xf32>
    %reduce_sum3A_56 = vector.multi_reduction <add>, %mul3A_54, %reduce_sum3A_55 [0] : vector<512x128xf32> to vector<128xf32>
    %broadcast_in_dim3A_57 = vector.shape_cast %reduce_sum3A_56 : vector<128xf32> to vector<1x128xf32>
    %broadcast_in_dim3A_58 = arith.constant 0.000000e+00 : f32
    %broadcast_in_dim3A_59 = vector.broadcast %broadcast_in_dim3A_58 : f32 to vector<6x128xf32>
    %concatenate3A = tpu.concatenate %broadcast_in_dim3A, %broadcast_in_dim3A_57, %broadcast_in_dim3A_59 in 0 : vector<1x128xf32>, vector<1x128xf32>, vector<6x128xf32> -> vector<8x128xf32>
    %eq3A = arith.constant 0 : i32
    %eq3A_60 = arith.cmpi eq, %arg0, %eq3A : i32
    %convert_element_type3A = arith.extui %eq3A_60 : i1 to i32
    %cond3A = arith.constant 0 : i32
    %cond3A_61 = arith.cmpi ne, %convert_element_type3A, %cond3A : i32
    scf.if %cond3A_61 {
      %broadcast_in_dim3A_69 = arith.constant 0.000000e+00 : f32
      %broadcast_in_dim3A_70 = vector.broadcast %broadcast_in_dim3A_69 : f32 to vector<8x128xf32>
      %swap3A_71 = arith.constant 0 : index
      %swap3A_72 = arith.constant 0 : index
      %swap3A_73 = vector.load %arg13[%swap3A_71, %swap3A_72] : memref<8x128xf32, #tpu.memory_space<vmem>>, vector<8x128xf32>
      tpu.vector_store %arg13[%swap3A_71, %swap3A_72], %broadcast_in_dim3A_70 {strides = array<i32>} : memref<8x128xf32, #tpu.memory_space<vmem>>, vector<8x128xf32>,
    } else {
    }
    %get3A_62 = arith.constant 0 : index
    %get3A_63 = arith.constant 0 : index
    %get3A_64 = vector.load %arg13[%get3A_62, %get3A_63] : memref<8x128xf32, #tpu.memory_space<vmem>>, vector<8x128xf32>
    %add3A_65 = arith.addf %get3A_64, %concatenate3A : vector<8x128xf32>
    %swap3A_66 = arith.constant 0 : index
    %swap3A_67 = arith.constant 0 : index
    %swap3A_68 = vector.load %arg13[%swap3A_66, %swap3A_67] : memref<8x128xf32, #tpu.memory_space<vmem>>, vector<8x128xf32>
    tpu.vector_store %arg13[%swap3A_66, %swap3A_67], %add3A_65 {strides = array<i32>} : memref<8x128xf32, #tpu.memory_space<vmem>>, vector<8x128xf32>,
    return
  }
  func.func @transform_0(%arg0: i32) -> (i32, i32) {
    %c0_i32 = arith.constant 0 : i32
    %c0_i32_0 = arith.constant 0 : i32
    return %arg0, %c0_i32 : i32, i32
  }
  func.func @transform_1(%arg0: i32) -> (i32, i32) {
    %c0_i32 = arith.constant 0 : i32
    %c0_i32_0 = arith.constant 0 : i32
    return %arg0, %c0_i32 : i32, i32
  }
  func.func @transform_2(%arg0: i32) -> (i32, i32) {
    %c0_i32 = arith.constant 0 : i32
    %c0_i32_0 = arith.constant 0 : i32
    return %arg0, %c0_i32 : i32, i32
  }
  func.func @transform_3(%arg0: i32) -> (i32, i32) {
    %c0_i32 = arith.constant 0 : i32
    %c0_i32_0 = arith.constant 0 : i32
    %c0_i32_1 = arith.constant 0 : i32
    return %c0_i32, %c0_i32_0 : i32, i32
  }
  func.func @transform_4(%arg0: i32) -> (i32, i32) {
    %c0_i32 = arith.constant 0 : i32
    %c0_i32_0 = arith.constant 0 : i32
    %c0_i32_1 = arith.constant 0 : i32
    return %c0_i32, %c0_i32_0 : i32, i32
  }
  func.func @transform_5(%arg0: i32) -> (i32, i32) {
    %c0_i32 = arith.constant 0 : i32
    %c0_i32_0 = arith.constant 0 : i32
    %c0_i32_1 = arith.constant 0 : i32
    return %c0_i32, %c0_i32_0 : i32, i32
  }
  func.func @transform_6(%arg0: i32) -> (i32, i32) {
    %c0_i32 = arith.constant 0 : i32
    %c0_i32_0 = arith.constant 0 : i32
    %c0_i32_1 = arith.constant 0 : i32
    return %c0_i32, %c0_i32_0 : i32, i32
  }
  func.func @transform_7(%arg0: i32) -> (i32, i32) {
    %c0_i32 = arith.constant 0 : i32
    %c0_i32_0 = arith.constant 0 : i32
    %c0_i32_1 = arith.constant 0 : i32
    return %c0_i32, %c0_i32_0 : i32, i32
  }
  func.func @transform_8(%arg0: i32) -> (i32, i32) {
    %c0_i32 = arith.constant 0 : i32
    %c0_i32_0 = arith.constant 0 : i32
    %c0_i32_1 = arith.constant 0 : i32
    return %c0_i32, %c0_i32_0 : i32, i32
  }
  func.func @transform_9(%arg0: i32) -> (i32, i32) {
    %c0_i32 = arith.constant 0 : i32
    %c0_i32_0 = arith.constant 0 : i32
    %c0_i32_1 = arith.constant 0 : i32
    return %c0_i32, %c0_i32_0 : i32, i32
  }
  func.func @transform_10(%arg0: i32) -> (i32, i32) {
    %c0_i32 = arith.constant 0 : i32
    %c0_i32_0 = arith.constant 0 : i32
    %c0_i32_1 = arith.constant 0 : i32
    return %c0_i32, %c0_i32_0 : i32, i32
  }
  func.func @transform_11(%arg0: i32) -> (i32, i32) {
    %c0_i32 = arith.constant 0 : i32
    %c0_i32_0 = arith.constant 0 : i32
    return %arg0, %c0_i32 : i32, i32
  }
  func.func @transform_12(%arg0: i32) -> (i32, i32) {
    %c0_i32 = arith.constant 0 : i32
    %c0_i32_0 = arith.constant 0 : i32
    %c0_i32_1 = arith.constant 0 : i32
    return %c0_i32, %c0_i32_0 : i32, i32
  }
}

module attributes {stable_mosaic.version = 14 : i64} {
  func.func @body(%arg0: i32, %arg1: memref<512x128xf32, #tpu.memory_space<vmem>>, %arg2: memref<1x128xf32, #tpu.memory_space<vmem>>, %arg3: memref<1x128xf32, #tpu.memory_space<vmem>>, %arg4: memref<512x128xf32, #tpu.memory_space<vmem>>) attributes {dimension_semantics = [#tpu.dimension_semantics<arbitrary>], iteration_bounds = array<i64: 20>, scalar_prefetch = 0 : i64, scratch_operands = 0 : i64, tpu.core_type = #tpu.core_type<tc>, window_params = [{transform_indices = @transform_0, window_bounds = array<i64: 512, 128>}, {pipeline_mode = #tpu.pipeline_mode<synchronous>, transform_indices = @transform_1, window_bounds = array<i64: 1, 128>}, {pipeline_mode = #tpu.pipeline_mode<synchronous>, transform_indices = @transform_2, window_bounds = array<i64: 1, 128>}, {transform_indices = @transform_3, window_bounds = array<i64: 512, 128>}]} {
    %get3A = arith.constant 0 : index
    %get3A_0 = arith.constant 0 : index
    %get3A_1 = vector.load %arg1[%get3A, %get3A_0] : memref<512x128xf32, #tpu.memory_space<vmem>>, vector<512x128xf32>
    %get3A_2 = arith.constant 0 : index
    %get3A_3 = arith.constant 0 : index
    %get3A_4 = vector.load %arg2[%get3A_2, %get3A_3] : memref<1x128xf32, #tpu.memory_space<vmem>>, vector<1x128xf32>
    %mul3A = vector.broadcast %get3A_4 : vector<1x128xf32> to vector<512x128xf32>
    %mul3A_5 = arith.mulf %get3A_1, %mul3A : vector<512x128xf32>
    %get3A_6 = arith.constant 0 : index
    %get3A_7 = arith.constant 0 : index
    %get3A_8 = vector.load %arg3[%get3A_6, %get3A_7] : memref<1x128xf32, #tpu.memory_space<vmem>>, vector<1x128xf32>
    %add3A = vector.broadcast %get3A_8 : vector<1x128xf32> to vector<512x128xf32>
    %add3A_9 = arith.addf %mul3A_5, %add3A : vector<512x128xf32>
    %swap3A = arith.constant 0 : index
    %swap3A_10 = arith.constant 0 : index
    %swap3A_11 = vector.load %arg4[%swap3A, %swap3A_10] : memref<512x128xf32, #tpu.memory_space<vmem>>, vector<512x128xf32>
    tpu.vector_store %arg4[%swap3A, %swap3A_10], %add3A_9 {strides = array<i32>} : memref<512x128xf32, #tpu.memory_space<vmem>>, vector<512x128xf32>,
    return
  }
  func.func @transform_0(%arg0: i32) -> (i32, i32) {
    %c0_i32 = arith.constant 0 : i32
    %c0_i32_0 = arith.constant 0 : i32
    return %arg0, %c0_i32 : i32, i32
  }
  func.func @transform_1(%arg0: i32) -> (i32, i32) {
    %c0_i32 = arith.constant 0 : i32
    %c0_i32_0 = arith.constant 0 : i32
    %c0_i32_1 = arith.constant 0 : i32
    return %c0_i32, %c0_i32_0 : i32, i32
  }
  func.func @transform_2(%arg0: i32) -> (i32, i32) {
    %c0_i32 = arith.constant 0 : i32
    %c0_i32_0 = arith.constant 0 : i32
    %c0_i32_1 = arith.constant 0 : i32
    return %c0_i32, %c0_i32_0 : i32, i32
  }
  func.func @transform_3(%arg0: i32) -> (i32, i32) {
    %c0_i32 = arith.constant 0 : i32
    %c0_i32_0 = arith.constant 0 : i32
    return %arg0, %c0_i32 : i32, i32
  }
}

</mosaic_0001>

<sc_bundles>
// kernel: kernel.14.cloned.1.call-start
scs
__scs_entry_jumppad:
0x0: {  	(pc) =	sbr.rel $0x88, $3  }
0x1: {  	(tag) =	ssettag $0x0;
	lr =	simm.s32 $0x1  }
0x2: {  	[smem:$0x3F8C] =	sst lr;
	_ =	strace $0xD0000000  }
0x3: {  	_ = 	snop  }
0x4: {  	_ = 	snop  }
0x5: {  	_ = 	snop  }
0x6: {  	_ = 	snop  }
0x7: {  	_ = 	snop  }
__scs_overlays_trampoline_lowered:
0x8: {  	[smem:$0x3F9B] =	sst s0  }
0x9: {  	[smem:$0x3F9C] =	sst s1  }
0xa: {  	[smem:$0x3F9D] =	sst s2  }
0xb: {  	[smem:$0x3F9E] =	sst s3  }
0xc: {  	[smem:$0x3F9F] =	sst s4  }
0xd: {  	[smem:$0x3FA0] =	sst s5  }
0xe: {  	[smem:$0x3FA1] =	sst s6  }
0xf: {  	[smem:$0x3FA2] =	sst s7  }
0x10: {  	[smem:$0x3FA3] =	sst s8  }
0x11: {  	[smem:$0x3FA4] =	sst s9;
	s0 =	simm.s32 @!p0 $0x0  }
0x12: {  	s1 =	sld [smem:$0x3F8A];
	s0 =	simm.s32 @p0 $0x1  }
0x13: {  	[smem:$0x3FA5] =	sst s0;
	s0 =	simm.s32 @!p1 $0x0  }
0x14: {  	s2 =	sld [smem:$0x3F89];
	s0 =	simm.s32 @p1 $0x1  }
0x15: {  	[smem:$0x3FA6] =	sst s0;
	s0 =	simm.s32 @!p2 $0x0  }
0x16: {  	s3 =	sld [smem:$0x3FDB];
	s0 =	simm.s32 @p2 $0x1  }
0x17: {  	s4 =	simm.s32 $0x1BF5;
	[smem:$0x3FA8] =	sst s0  }
0x18: {  	s0 =	sld [smem:$0x3F8B];
	_ =	swait.ge [sflag:s4], $0x0  }
0x19: {  	s7 =	sld [smem:$0x3F8C]  }
0x1a: {  	s8 =	sadd.s32 $0xFFFFE003, lr  }
0x1b: {  	s9 =	sadd.s32 $0xFFFFFEF7, lr;
	s5 =	simm.s32 $0xFFFFFFFF;
	p2 =	slt.u32 s8, $0xFFFFF086  }
0x1c: {  	p1 =	slt.u32 s9, $0xF7A;
	s5 =	simm.s32 @!p2 $0x0  }
0x1d: {  	s5 =	simm.s32 @p1 $0x1;
	p0 =	seq.s32 s7, s2  }
0x1e: {  	s7 =	smul.u32 @!p0 $0xF7A, s2;
	p2 =	seq.s32 @!p0 s5, $0x0  }
0x1f: {  	s9 =	smul.u32 $0xF7A, s1;
	s8 =	simm.s32 @!p0 $0x1BF5;
	p2 =	por !p2, p0  }
0x20: {  	[sflag:s8] =	ssyncset.s32 @!p0 $0xFFFFF086;
	s6 =	sadd.s32 @!p0 s3, s7;
	s7 =	simm.s32 @!p0 $0x108  }
0x21: {  	s3 =	sadd.s32 s3, s9;
	s6 =	sadd.s32 @!p0 $0x88, s6;
	s7 =	simm.s32 @p2 $0x1082  }
0x22: {  	[simem:s7], [sflag:s8] =	dma.local @!p0 [hbm:s6], $0xF7A  }
0x23: {  	s9 =	sor.u32 $0xD0000000, s2;
	s6 =	simm.s32 $0x108;
	_ =	swait.ge @!p0 [sflag:s8], $0x0  }
0x24: {  	s3 =	sadd.s32 $0x88, s3;
	s6 =	simm.s32 @!p1 $0x1082;
	[sflag:s4] =	ssyncset.s32 $0xFFFFF086  }
0x25: {  	[simem:s6], [sflag:s4] =	dma.local [hbm:s3], $0xF7A  }
0x26: {  	[smem:$0x3F8C] =	sst s1;
	(tag) =	ssettag s2;
	_ =	strace s9  }
0x27: {  	s1 =	sld [smem:$0x3F9C]  }
0x28: {  	s2 =	sld [smem:$0x3F9D]  }
0x29: {  	s4 =	sld [smem:$0x3F9F]  }
0x2a: {  	p0 =	seq.s32 s5, $0x0;
	s5 =	sld [smem:$0x3FA0]  }
0x2b: {  	s6 =	sld [smem:$0x3FA1]  }
0x2c: {  	s7 =	sld [smem:$0x3FA2]  }
0x2d: {  	s3 =	simm.s32 $0x108;
	s8 =	sld [smem:$0x3FA3]  }
0x2e: {  	s3 =	simm.s32 @!p0 $0x1082;
	s9 =	sld [smem:$0x3FA4]  }
0x2f: {  	lr =	sadd.s32 s0, s3;
	s0 =	sld [smem:$0x3F9B]  }
0x30: {  	s3 =	sld [smem:$0x3F9E]  }
0x31: {  	[smem:$0x3FA7] =	sst s10  }
0x32: {  	s10 =	sld [smem:$0x3FA5];
	_ =	sdelay $0x3  }
0x33: {  	p0 =	seq.s32 s10, $0x1;
	s10 =	sld [smem:$0x3FA7];
	_ =	sdelay $0x3  }
0x34: {  	[smem:$0x3FA7] =	sst s10  }
0x35: {  	s10 =	sld [smem:$0x3FA6];
	_ =	sdelay $0x3  }
0x36: {  	p1 =	seq.s32 s10, $0x1;
	s10 =	sld [smem:$0x3FA7];
	_ =	sdelay $0x3  }
0x37: {  	[smem:$0x3FA7] =	sst s10  }
0x38: {  	s10 =	sld [smem:$0x3FA8]  }
0x39: {  	_ = 	snop;
	(pc) =	sbr.ind lr, $3  }
0x3a: {  	_ = 	snop  }
0x3b: {  	_ = 	snop  }
0x3c: {  	p2 =	seq.s32 s10, $0x1;
	s10 =	sld [smem:$0x3FA7]  }
0x3d: {  	_ =	shalt  }
0x3e: {  	_ =	shalt  }
0x3f: {  	_ =	shalt  }
0x40: {  	_ =	shalt  }
0x41: {  	_ =	shalt  }
0x42: {  	_ =	shalt  }
0x43: {  	_ =	shalt  }
0x44: {  	_ =	shalt  }
0x45: {  	_ =	shalt  }
0x46: {  	_ =	shalt  }
0x47: {  	_ =	shalt  }
0x48: {  	_ =	shalt  }
0x49: {  	_ =	shalt  }
0x4a: {  	_ =	shalt  }
0x4b: {  	_ =	shalt  }
0x4c: {  	_ =	shalt  }
0x4d: {  	_ =	shalt  }
0x4e: {  	_ =	shalt  }
0x4f: {  	_ =	shalt  }
0x50: {  	_ =	shalt  }
0x51: {  	_ =	shalt  }
0x52: {  	_ =	shalt  }
0x53: {  	_ =	shalt  }
0x54: {  	_ =	shalt  }
0x55: {  	_ =	shalt  }
0x56: {  	_ =	shalt  }
0x57: {  	_ =	shalt  }
0x58: {  	_ =	shalt  }
0x59: {  	_ =	shalt  }
0x5a: {  	_ =	shalt  }
0x5b: {  	_ =	shalt  }
0x5c: {  	_ =	shalt  }
0x5d: {  	_ =	shalt  }
0x5e: {  	_ =	shalt  }
0x5f: {  	_ =	shalt  }
0x60: {  	_ =	shalt  }
0x61: {  	_ =	shalt  }
0x62: {  	_ =	shalt  }
0x63: {  	_ =	shalt  }
0x64: {  	_ =	shalt  }
0x65: {  	_ =	shalt  }
0x66: {  	_ =	shalt  }
0x67: {  	_ =	shalt  }
0x68: {  	_ =	shalt  }
0x69: {  	_ =	shalt  }
0x6a: {  	_ =	shalt  }
0x6b: {  	_ =	shalt  }
0x6c: {  	_ =	shalt  }
0x6d: {  	_ =	shalt  }
0x6e: {  	_ =	shalt  }
0x6f: {  	_ =	shalt  }
0x70: {  	_ =	shalt  }
0x71: {  	_ =	shalt  }
0x72: {  	_ =	shalt  }
0x73: {  	_ =	shalt  }
0x74: {  	_ =	shalt  }
0x75: {  	_ =	shalt  }
0x76: {  	_ =	shalt  }
0x77: {  	_ =	shalt  }
0x78: {  	_ =	shalt  }
0x79: {  	_ =	shalt  }
0x7a: {  	_ =	shalt  }
0x7b: {  	_ =	shalt  }
0x7c: {  	_ =	shalt  }
0x7d: {  	_ =	shalt  }
0x7e: {  	_ =	shalt  }
0x7f: {  	_ =	shalt  }
0x80: {  	_ =	shalt  }
0x81: {  	_ =	shalt  }
0x82: {  	_ =	shalt  }
0x83: {  	_ =	shalt  }
0x84: {  	_ =	shalt  }
0x85: {  	_ =	shalt  }
0x86: {  	_ =	shalt  }
0x87: {  	_ =	shalt  }
.Lfunc_end0:
.L_simem_size_0:
called_computation_lowered:
.L_overlay_start_0:
0x88: {  	s2 =	sld [smem:$0x3FD9]  }
0x89: {  	s3 =	sld [smem:$0x3FFE];
	_ =	sdelay $0x1  }
0x8a: {  	s1 =	srdreg.scid  }
0x8b: {  	s0 =	sand.u32 $0x1, s1  }
0x8c: {  	s17 =	sshll.u32 s0, $0xA;
	s2 =	sadd.s32 s3, s2  }
0x8d: {  	s2 =	sadd.s32 s2, s17  }
0x8e: {  	[smem:$0x3FB3] =	sst s2  }
0x8f: {  	_ = 	snop  }
0x90: {  	s2 =	sld [smem:$0x3FD0];
	(tm) =	ssettm $0x1  }
0x91: {  	s18 =	sld [smem:$0x3FFB];
	_ =	sdelay $0x3  }
0x92: {  	_ =	strace s18  }
0x93: {  	s3 =	sld [smem:$0x3FFC];
	_ =	sdelay $0x3  }
0x94: {  	_ =	strace s3  }
0x95: {  	s3 =	sld [smem:$0x3FFD];
	_ =	sdelay $0x3  }
0x96: {  	_ =	strace s3  }
0x97: {  	_ =	strace $0x8FFFFFFF  }
0x98: {  	s19 =	sld [smem:$0x3FDB];
	_ =	sdelay $0x1  }
0x99: {  	s4 =	simm.s32 $_scs_section_size  }
0x9a: {  	s5 =	simm.s32 $_size__tile_overlayer_lowered;
	s6 =	simm.s32 $_tile_overlayer_lowered  }
0x9b: {  	s22 =	simm.s32 $0x1BFF;
	s21 =	sshll.u32 s6, $0x1;
	s3 =	sadd.s32 s4, s19  }
0x9c: {  	s7 =	simm.s32 $0x0;
	s20 =	sshll.u32 s5, $0x1;
	s5 =	sadd.s32 s21, s3  }
0x9d: {  	[timem:s7], [sflag:s22] =	dma.local [hbm:s5], s20  }
0x9e: {  	_ =	swait.ge [sflag:s22], s20  }
0x9f: {  	s4 =	ssub.s32 $0x0, s20;
	[sflag:s22] =	ssyncset.done $0x0  }
0xa0: {  	[sflag:s22] =	ssyncadd.s32 s4;
	_ =	sdelay $0x1  }
0xa1: {  	s23 =	simm.s32 $0x1B8B  }
0xa2: {  	_ =	swait.ge [sflag:s23], $0x1  }
0xa3: {  	[sflag:s23] =	ssyncset.done $0x0  }
0xa4: {  	s25 =	simm.s32 $0x1B8E;
	s24 =	sld [smem:$0x3FFE];
	[sflag:s23] =	ssyncadd.s32 $0xFFFFFFFF  }
0xa5: {  	s26 =	simm.s32 $execute0_lowered;
	[smem:$0x3FD2] =	sst s25  }
0xa6: {  	s5 =	sshll.u32 s26, $0x1;
	_ =	strace $0x80000046;
	[dreg:$0x1] =	wrdreg $0xFFFFFFFF  }
0xa7: {  	s28 =	simm.s32 $_size_execute0_lowered;
	s3 =	sadd.s32 s3, s5;
	[dreg:$0x0] =	wrdreg $0x0  }
0xa8: {  	s5 =	sshll.u32 s28, $0x1;
	[dreg:$0x2] =	wrdreg s3  }
0xa9: {  	[dreg:$0x3] =	wrdreg s5  }
0xaa: {  	[dreg:$0x4] =	wrdreg $0xC0  }
0xab: {  	_ =	task [dreg:s7], $0x5FFFF  }
0xac: {  	[dreg:$0x1] =	wrdreg $0xFFFFFFFF  }
0xad: {  	[dreg:$0x0] =	wrdreg $0x60  }
0xae: {  	[dreg:$0x2] =	wrdreg s24  }
0xaf: {  	[dreg:$0x3] =	wrdreg s2  }
0xb0: {  	[dreg:$0x4] =	wrdreg $0x82000  }
0xb1: {  	[dreg:$0x5] =	wrdreg $0x9  }
0xb2: {  	_ =	task.clear_ibuf [dreg:s7], $0x6FFFF;
	_ =	strace $0x90000046  }
0xb3: {  	s29 =	simm.s32 $0x9;
	_ =	strace $0x80000048  }
0xb4: {  	_ =	swait.ge [sflag:s29], $0x1  }
0xb5: {  	[sflag:s29] =	ssyncadd.s32 $0xFFFFFFFF  }
0xb6: {  	_ =	strace $0x90000048  }
0xb7: {  	_ =	sfence  }
0xb8: {  	s30 =	sld [smem:$0x0];
	_ =	sdelay $0x2  }
0xb9: {  	s31 =	sshll.u32 s1, $0xD;
	s1 =	sshrl.u32 s1, $0x2  }
0xba: {  	s3 =	sand.u32 $0x4000, s31;
	s1 =	sadd.s32 s1, s30  }
0xbb: {  	s0 =	sor.u32 s3, s0;
	s1 =	sshll.u32 s1, $0x11  }
0xbc: {  	s0 =	sor.u32 s1, s0  }
0xbd: {  	s0 =	sadd.s32 $0x8F2B, s0  }
0xbe: {  	[sflag:s0] =	ssyncadd.remote.s32 $0x1  }
0xbf: {  	_ =	sfence.sel $0xFFFF  }
0xc0: {  	[dreg:$0x0] =	wrdreg $0xFFFFFFFF;
	(pc) =	sbr.abs _section_cstart, $3  }
0xc1: {  	[dreg:$0x1] =	wrdreg $0xFFFFFFFF  }
0xc2: {  	_ =	task.clear_ibuf [dreg:s7], $0x2FFFF;
	_ =	strace $0x9FFFFFFF  }
0xc3: {  	(tm) =	ssettm $0x7FFFFFFF  }
tec
execute0_lowered:
.L_overlay_start_1:
0x0: {  	(tag) =	ssettag $0x1  }
0x1: {  	s5 =	rddreg [dreg:$0x0]  }
0x2: {  	s9 =	rddreg [dreg:$0x1]  }
0x3: {  	s2 =	rddreg [dreg:$0x2]  }
0x4: {  	s4 =	srdreg.scid;
	s0 =	stileid.u32;
	s3 =	simm.s32 $0x0  }
0x5: {  	s15 =	simm.s32 $0x98;
	s18 =	simm.s32 $0x200;
	s19 =	simm.s32 $0x3  }
0x6: {  	s20 =	simm.s32 $0x80;
	s21 =	simm.s32 $0x100;
	s22 =	simm.s32 $0x4200  }
0x7: {  	s23 =	simm.s32 $0x1;
	s24 =	simm.s32 $0x4;
	s7 =	smul.u32 $0x2800, s0  }
0x8: {  	s6 =	sand.u32 $0x1, s4;
	[smem:$0x7FF] =	sst s3;
	s28 =	smul.u32 $0x50000, s0  }
0x9: {  	s4 =	sadd.s32 $0x9A00, s5;
	s29 =	sshll.u32 s0, $0x3;
	s8 =	smul.u32 $0x28000, s6  }
0xa: {  	_ =	strace $0x80000047;
	s25 =	ssub.s32 $0x2, s6;
	p0 =	seq.s32 s6, $0x0  }
0xb: {  	s26 =	sshrl.u32 s25, $0x1;
	s30 =	sshrl.u32 s28, $0x2;
	s15 =	simm.s32 @!p0 $0x8  }
0xc: {  	s7 =	sadd.s32 s7, s8;
	s13 =	ssub.s32 s25, s26;
	s8 =	sor.u32 $0x980, s29  }
0xd: {  	s16 =	sshrl.u32 s15, $0x1;
	s14 =	sadd.s32 $0xFFFFFFFE, s15;
	s15 =	sadd.s32 $0xFFFFFFFD, s15  }
0xe: {  	s25 =	simm.s32 $0x2;
	s12 =	sadd.s32 s7, s5;
	s5 =	smul.u32 $0x98, s0  }
0xf: {  	s26 =	simm.s32 $0x180;
	s13 =	smax.u32 s13, $0x1;
	s16 =	sadd.s32 $0xFFFFFFFF, s16  }
0x10: {  	s12 =	sadd.s32 $0x31A00, s12;
	s8 =	smov.u32 @p0 s5;
	s5 =	sadd.s32 s30, s2  }
0x11: {  	s31 =	sadd.s32 $0x4000, s5;
	s10 =	sshll.u32 s8, $0x5;
	s7 =	sadd.s32 $0x8000, s5  }
0x12: {  	s8 =	sadd.s32 $0xC000, s5;
	[dreg:$0x4] =	wrdreg s31;
	s9 =	sadd.s32 s9, s10  }
0x13: {  	v0 =	vimm.f32 $0.0e+00;
	s10 =	sadd.s32 $0x10000, s5;
	s11 =	sadd.s32 $0x20, s9;
	s17 =	sadd.s32 $0x60, s9  }
.LBB2_1:
0x14: {  	s28 =	simm.s32 $0x0;
	s29 =	simm.s32 $0x200  }
.LBB2_2:
0x15: {  	p0 =	sne.s32 s29, $0xFE00;
	[tilespmem:s28+$0x270] =	vst v0  }
0x16: {  	[tilespmem:s28+$0x200] =	vst v0  }
0x17: {  	[tilespmem:s28+$0x210] =	vst v0  }
.Ltmp0:
0x18: {  	[tilespmem:s28+$0x220] =	vst v0;
	(pc) =	sbr.rel @p0 .LBB2_2-.Ltmp0, $4  }
0x19: {  	[tilespmem:s28+$0x230] =	vst v0  }
0x1a: {  	[tilespmem:s28+$0x240] =	vst v0  }
0x1b: {  	[tilespmem:s28+$0x250] =	vst v0  }
0x1c: {  	[tilespmem:s28+$0x260] =	vst v0;
	s28 =	sshra.s32 s29, $0x2;
	s29 =	sadd.s32 $0x200, s29  }
0x1d: {  	[tilespmem:s28+$0x270] =	vst v0  }
0x1e: {  	[tilespmem:s28+$0x200] =	vst v0  }
0x1f: {  	[tilespmem:s28+$0x210] =	vst v0  }
0x20: {  	[tilespmem:s28+$0x220] =	vst v0  }
0x21: {  	[tilespmem:s28+$0x230] =	vst v0  }
0x22: {  	[tilespmem:s28+$0x240] =	vst v0  }
0x23: {  	[tilespmem:s28+$0x250] =	vst v0  }
0x24: {  	[tilespmem:s28+$0x260] =	vst v0  }
0x25: {  	[spmem:s5] =	stream.linear.scatter [tilespmem:s18], [sflag:$0x3], $0x4000, $0x38;
	[tilespmem:$0x1C200] =	vst v63  }
0x26: {  	_ =	swait.ge [sflag:s19], $0x4000  }
0x27: {  	[sflag:s19] =	ssyncset.done $0x0  }
0x28: {  	s0 =	rddreg [dreg:$0x4];
	[sflag:s19] =	ssyncadd.s32 $0xFFFFC000  }
0x29: {  	[spmem:s0] =	stream.linear.scatter [tilespmem:s18], [sflag:$0x3], $0x4000, $0x38;
	[tilespmem:$0x1C200] =	vst v63  }
0x2a: {  	_ =	swait.ge [sflag:s19], $0x4000  }
0x2b: {  	[sflag:s19] =	ssyncset.done $0x0  }
0x2c: {  	[sflag:s19] =	ssyncadd.s32 $0xFFFFC000  }
0x2d: {  	[spmem:s7] =	stream.linear.scatter [tilespmem:s18], [sflag:$0x3], $0x4000, $0x38;
	[tilespmem:$0x1C200] =	vst v63  }
0x2e: {  	_ =	swait.ge [sflag:s19], $0x4000  }
0x2f: {  	[sflag:s19] =	ssyncset.done $0x0  }
0x30: {  	[sflag:s19] =	ssyncadd.s32 $0xFFFFC000  }
0x31: {  	[spmem:s8] =	stream.linear.scatter [tilespmem:s18], [sflag:$0x3], $0x4000, $0x38;
	[tilespmem:$0x1C200] =	vst v63  }
0x32: {  	_ =	swait.ge [sflag:s19], $0x4000  }
0x33: {  	[sflag:s19] =	ssyncset.done $0x0  }
0x34: {  	[sflag:s19] =	ssyncadd.s32 $0xFFFFC000  }
0x35: {  	[spmem:s10] =	stream.linear.scatter [tilespmem:s18], [sflag:$0x3], $0x4000, $0x38;
	[tilespmem:$0x1C200] =	vst v63  }
0x36: {  	_ =	swait.ge [sflag:s19], $0x4000  }
0x37: {  	[sflag:s19] =	ssyncset.done $0x0  }
0x38: {  	[sflag:s19] =	ssyncadd.s32 $0xFFFFC000  }
0x39: {  	s28 =	simm.s32 $0x0;
	[bflag:$0x0] =	sbarrier.arrive $0xFFFF  }
0x3a: {  	[tilespmem:s28], [sflag:$0x3] =	stream.linear.gather [hbm4b:s9+s28], $0x100, $0x38;
	[tilespmem:$0x1C200] =	vst v63  }
0x3b: {  	_ =	swait.ge [sflag:s19], $0x100  }
0x3c: {  	[sflag:s19] =	ssyncset.done $0x0  }
0x3d: {  	[sflag:s19] =	ssyncadd.s32 $0xFFFFFF00  }
0x3e: {  	[tilespmem:s18], [sflag:$0x1] =	stream.indirect.gather [hbm4b:s4+s20], $0x80, s28, s20, $0xb8;
	[tilespmem:$0x1C200] =	vst v63  }
0x3f: {  	_ = 	snop  }
0x40: {  	[tilespmem:s21], [sflag:$0x3] =	stream.linear.gather [hbm4b:s11+s28], $0x100, $0x38;
	[tilespmem:$0x1C200] =	vst v63  }
0x41: {  	_ =	swait.ge [sflag:s19], $0x100  }
0x42: {  	[sflag:s19] =	ssyncset.done $0x0  }
0x43: {  	[sflag:s19] =	ssyncadd.s32 $0xFFFFFF00  }
0x44: {  	[tilespmem:s22], [sflag:$0x2] =	stream.indirect.gather [hbm4b:s4+s20], $0x80, s21, s20, $0xb8;
	[tilespmem:$0x1C200] =	vst v63  }
0x45: {  	_ =	swait.ge [sflag:s23], $0x4000  }
0x46: {  	[sflag:s23] =	ssyncset.done $0x0  }
0x47: {  	[sflag:s23] =	ssyncadd.s32 $0xFFFFC000  }
0x48: {  	[spmem:s2] =	stream.indirect.scatter.add.f32 [tilespmem:s18], [sflag:$0x4], $0x80, s20, s20, $0xb8;
	[tilespmem:$0x1C200] =	vst v63  }
0x49: {  	p0 =	sle.u32 s14, $0x0;
	_ =	swait.ge [sflag:s24], $0x4000  }
0x4a: {  	s29 =	sadd.s32 @!p0 $0xFFFFFFE0, s17;
	[sflag:s24] =	ssyncset.done $0x0  }
0x4b: {  	s30 =	simm.s32 @!p0 $0x0;
	s31 =	simm.s32 @!p0 $0x4;
	[sflag:s24] =	ssyncadd.s32 $0xFFFFC000  }
0x4c: {  	[tilespmem:s30], [sflag:$0x4] =	stream.linear.gather @!p0 [hbm4b:s29+s30], $0x100, $0x38;
	[tilespmem:$0x1C200] =	vst v63  }
0x4d: {  	_ =	swait.ge @!p0 [sflag:s31], $0x100  }
0x4e: {  	[sflag:s31] =	ssyncset.done @!p0 $0x0  }
0x4f: {  	s29 =	simm.s32 @!p0 $0x80;
	[sflag:s31] =	ssyncadd.s32 @!p0 $0xFFFFFF00;
	s31 =	simm.s32 @!p0 $0x200  }
0x50: {  	[tilespmem:s31], [sflag:$0x1] =	stream.indirect.gather @!p0 [hbm4b:s4+s29], $0x80, s30, s29, $0xb8;
	[tilespmem:$0x1C200] =	vst v63  }
0x51: {  	_ =	swait.ge [sflag:s25], $0x4000  }
0x52: {  	[sflag:s25] =	ssyncset.done $0x0  }
0x53: {  	s30 =	sadd.s32 $0xFFFFFFFF, s16;
	[sflag:s25] =	ssyncadd.s32 $0xFFFFC000  }
0x54: {  	[spmem:s2] =	stream.indirect.scatter.add.f32 [tilespmem:s22], [sflag:$0x4], $0x80, s26, s20, $0xb8;
	[tilespmem:$0x1C200] =	vst v63  }
0x55: {  	p0 =	sne.s32 s30, $0x0;
	_ =	swait.ge [sflag:s24], $0x4000  }
.Ltmp1:
0x56: {  	p1 =	sle.u32 s15, $0x0;
	[sflag:s24] =	ssyncset.done $0x0;
	(pc) =	sbr.rel @!p0 .LBB2_5-.Ltmp1, $4  }
0x57: {  	s29 =	simm.s32 @!p1 $0x0;
	s31 =	simm.s32 @!p1 $0x100;
	[sflag:s24] =	ssyncadd.s32 $0xFFFFC000  }
0x58: {  	[tilespmem:s31], [sflag:$0x3] =	stream.linear.gather @!p1 [hbm4b:s17+s29], $0x100, $0x38;
	[tilespmem:$0x1C200] =	vst v63  }
0x59: {  	s31 =	simm.s32 @!p1 $0x3  }
0x5a: {  	s29 =	sadd.s32 $0x40, s17;
	_ =	swait.ge @!p1 [sflag:s31], $0x100  }
.LBB2_4:
0x5b: {  	s30 =	sadd.s32 $0xFFFFFFFF, s30;
	[sflag:s31] =	ssyncset.done @!p1 $0x0;
	s28 =	sadd.s32 $0x2, s28  }
0x5c: {  	p0 =	sne.s32 s30, $0x0;
	[sflag:s31] =	ssyncadd.s32 @!p1 $0xFFFFFF00  }
0x5d: {  	[tilespmem:s22], [sflag:$0x2] =	stream.indirect.gather [hbm4b:s4+s20], $0x80, s21, s20, $0xb8;
	[tilespmem:$0x1C200] =	vst v63  }
0x5e: {  	_ =	swait.ge [sflag:s23], $0x4000  }
0x5f: {  	[sflag:s23] =	ssyncset.done $0x0  }
0x60: {  	[sflag:s23] =	ssyncadd.s32 $0xFFFFC000  }
0x61: {  	[spmem:s2] =	stream.indirect.scatter.add.f32 [tilespmem:s18], [sflag:$0x4], $0x80, s20, s20, $0xb8;
	[tilespmem:$0x1C200] =	vst v63  }
0x62: {  	p1 =	sge.u32 s28, s14;
	_ =	swait.ge [sflag:s24], $0x4000  }
0x63: {  	s31 =	sadd.s32 @!p1 $0xFFFFFFE0, s29;
	s0 =	simm.s32 @!p1 $0x0;
	[sflag:s24] =	ssyncset.done $0x0  }
0x64: {  	s1 =	simm.s32 @!p1 $0x4;
	[sflag:s24] =	ssyncadd.s32 $0xFFFFC000  }
0x65: {  	[tilespmem:s0], [sflag:$0x4] =	stream.linear.gather @!p1 [hbm4b:s31+s0], $0x100, $0x38;
	[tilespmem:$0x1C200] =	vst v63  }
0x66: {  	_ =	swait.ge @!p1 [sflag:s1], $0x100  }
0x67: {  	s6 =	simm.s32 @!p1 $0x200;
	s31 =	simm.s32 @!p1 $0x80;
	[sflag:s1] =	ssyncset.done @!p1 $0x0  }
0x68: {  	[sflag:s1] =	ssyncadd.s32 @!p1 $0xFFFFFF00  }
0x69: {  	[tilespmem:s6], [sflag:$0x1] =	stream.indirect.gather @!p1 [hbm4b:s4+s31], $0x80, s0, s31, $0xb8;
	[tilespmem:$0x1C200] =	vst v63  }
0x6a: {  	_ =	swait.ge [sflag:s25], $0x4000  }
0x6b: {  	[sflag:s25] =	ssyncset.done $0x0  }
0x6c: {  	[sflag:s25] =	ssyncadd.s32 $0xFFFFC000  }
0x6d: {  	[spmem:s2] =	stream.indirect.scatter.add.f32 [tilespmem:s22], [sflag:$0x4], $0x80, s26, s20, $0xb8;
	[tilespmem:$0x1C200] =	vst v63  }
.Ltmp2:
0x6e: {  	p1 =	sge.u32 s28, s15;
	_ =	swait.ge [sflag:s24], $0x4000;
	(pc) =	sbr.rel @p0 .LBB2_4-.Ltmp2, $4  }
0x6f: {  	s0 =	simm.s32 @!p1 $0x0;
	s1 =	simm.s32 @!p1 $0x100;
	[sflag:s24] =	ssyncset.done $0x0  }
0x70: {  	s31 =	simm.s32 @!p1 $0x3;
	[sflag:s24] =	ssyncadd.s32 $0xFFFFC000  }
0x71: {  	[tilespmem:s1], [sflag:$0x3] =	stream.linear.gather @!p1 [hbm4b:s29+s0], $0x100, $0x38;
	[tilespmem:$0x1C200] =	vst v63  }
0x72: {  	s29 =	sadd.s32 $0x40, s29;
	_ =	swait.ge @!p1 [sflag:s31], $0x100  }
.LBB2_5:
0x73: {  	[sflag:s31] =	ssyncset.done @!p1 $0x0  }
0x74: {  	[sflag:s31] =	ssyncadd.s32 @!p1 $0xFFFFFF00  }
0x75: {  	[tilespmem:s22], [sflag:$0x2] =	stream.indirect.gather [hbm4b:s4+s20], $0x80, s21, s20, $0xb8;
	[tilespmem:$0x1C200] =	vst v63  }
0x76: {  	_ =	swait.ge [sflag:s23], $0x4000  }
0x77: {  	[sflag:s23] =	ssyncset.done $0x0  }
0x78: {  	[sflag:s23] =	ssyncadd.s32 $0xFFFFC000  }
0x79: {  	[spmem:s2] =	stream.indirect.scatter.add.f32 [tilespmem:s18], [sflag:$0x4], $0x80, s20, s20, $0xb8;
	[tilespmem:$0x1C200] =	vst v63  }
0x7a: {  	s0 =	sadd.s32 $0x2, s28;
	_ =	swait.ge [sflag:s24], $0x4000  }
0x7b: {  	p0 =	sge.u32 s0, s14;
	[sflag:s24] =	ssyncset.done $0x0  }
0x7c: {  	s1 =	sadd.s32 @!p0 $0xFFFFFFE0, s29;
	s6 =	simm.s32 @!p0 $0x0;
	[sflag:s24] =	ssyncadd.s32 $0xFFFFC000  }
0x7d: {  	[tilespmem:s6], [sflag:$0x4] =	stream.linear.gather @!p0 [hbm4b:s1+s6], $0x100, $0x38;
	[tilespmem:$0x1C200] =	vst v63  }
0x7e: {  	s1 =	simm.s32 @!p0 $0x4  }
0x7f: {  	_ =	swait.ge @!p0 [sflag:s1], $0x100  }
0x80: {  	[sflag:s1] =	ssyncset.done @!p0 $0x0  }
0x81: {  	s28 =	simm.s32 @!p0 $0x200;
	[sflag:s1] =	ssyncadd.s32 @!p0 $0xFFFFFF00;
	s1 =	simm.s32 @!p0 $0x80  }
0x82: {  	[tilespmem:s28], [sflag:$0x1] =	stream.indirect.gather @!p0 [hbm4b:s4+s1], $0x80, s6, s1, $0xb8;
	[tilespmem:$0x1C200] =	vst v63  }
0x83: {  	_ =	swait.ge [sflag:s25], $0x4000  }
0x84: {  	[sflag:s25] =	ssyncset.done $0x0  }
0x85: {  	[sflag:s25] =	ssyncadd.s32 $0xFFFFC000  }
0x86: {  	[spmem:s2] =	stream.indirect.scatter.add.f32 [tilespmem:s22], [sflag:$0x4], $0x80, s26, s20, $0xb8;
	[tilespmem:$0x1C200] =	vst v63  }
0x87: {  	_ =	swait.ge [sflag:s24], $0x4000  }
0x88: {  	p0 =	sge.u32 s0, s15;
	[sflag:s24] =	ssyncset.done $0x0  }
0x89: {  	s0 =	simm.s32 @!p0 $0x0;
	s1 =	simm.s32 @!p0 $0x100;
	[sflag:s24] =	ssyncadd.s32 $0xFFFFC000  }
0x8a: {  	[tilespmem:s1], [sflag:$0x3] =	stream.linear.gather @!p0 [hbm4b:s29+s0], $0x100, $0x38;
	[tilespmem:$0x1C200] =	vst v63  }
0x8b: {  	s0 =	simm.s32 @!p0 $0x3  }
0x8c: {  	s30 =	stileid.u32;
	_ =	swait.ge @!p0 [sflag:s0], $0x100  }
0x8d: {  	s3 =	sadd.s32 $0x1, s3;
	s31 =	sshrl.u32 s5, $0x3;
	[sflag:s0] =	ssyncset.done @!p0 $0x0  }
0x8e: {  	[sflag:s0] =	ssyncadd.s32 @!p0 $0xFFFFFF00;
	s0 =	sshll.u32 s30, $0x6;
	p0 =	sne.s32 s3, s13  }
.Ltmp3:
0x8f: {  	[bflag:$0x0] =	sbarrier.arrive $0xFFFF;
	s0 =	sor.u32 $0x1C03, s0;
	(pc) =	sbr.rel @p0 .LBB2_1-.Ltmp3, $4  }
0x90: {  	[hbm:s12], [sflag:s0] =	dma.local [spmem:s31], $0x2800  }
0x91: {  	_ =	swait.ge [sflag:s19], $0x2800  }
0x92: {  	[sflag:s19] =	ssyncset.done $0x0  }
0x93: {  	[sflag:s19] =	ssyncadd.s32 $0xFFFFD800  }
0x94: {  	_ =	sfence.sel $0x180000  }
0x95: {  	[bflag:$0x0] =	sbarrier.arrive $0xFFFF  }
0x96: {  	_ =	strace $0x90000047  }
0x97: {  	s0 =	stileid.u32;
	[bflag:$0x2] =	sbarrier.arrive $0xFFFF  }
0x98: {  	p0 =	sne.s32 s0, $0x0;
	s0 =	rddreg [dreg:$0x3]  }
0x99: {  	s0 =	sadd.s32 @!p0 $0x100000, s0  }
0x9a: {  	[sflag:s0] =	ssyncadd.tile.s32 @!p0 $0x1;
	_ =	shalt  }
.Lfunc_end2:
_tile_overlayer_lowered:
.L_overlay_start_2:
0x9b: {  	(tag) =	ssettag $0x2  }
0x9c: {  	s0 =	rddreg [dreg:$0x0];
	s2 =	stileid.u32  }
0x9d: {  	s1 =	rddreg [dreg:$0x1];
	p0 =	sne.s32 s2, $0x0  }
0x9e: {  	s3 =	rddreg [dreg:$0x2];
	[bflag:$0x3] =	sbarrier.arrive $0xFFFF;
	s2 =	simm.s32 @!p0 $0x1C03  }
0x9f: {  	[timem:s3], [sflag:s2] =	dma.local @!p0 [hbm:s0], s1  }
0xa0: {  	s0 =	simm.s32 @!p0 $0x3  }
0xa1: {  	_ =	swait.ge @!p0 [sflag:s0], s1  }
0xa2: {  	s1 =	ssub.s32 @!p0 $0x0, s1;
	[sflag:s0] =	ssyncset.done @!p0 $0x0  }
0xa3: {  	[sflag:s0] =	ssyncadd.s32 @!p0 s1  }
0xa4: {  	[bflag:$0x3] =	sbarrier.arrive $0xFFFF  }
0xa5: {  	_ =	shalt  }

// kernel: kernel.17.cloned.1.call-start
scs
__scs_entry_jumppad:
0x0: {  	(pc) =	sbr.rel $0x88, $3  }
0x1: {  	(tag) =	ssettag $0x0;
	lr =	simm.s32 $0x1  }
0x2: {  	[smem:$0x3F8C] =	sst lr;
	_ =	strace $0xD0000000  }
0x3: {  	_ = 	snop  }
0x4: {  	_ = 	snop  }
0x5: {  	_ = 	snop  }
0x6: {  	_ = 	snop  }
0x7: {  	_ = 	snop  }
__scs_overlays_trampoline_lowered:
0x8: {  	[smem:$0x3F9B] =	sst s0  }
0x9: {  	[smem:$0x3F9C] =	sst s1  }
0xa: {  	[smem:$0x3F9D] =	sst s2  }
0xb: {  	[smem:$0x3F9E] =	sst s3  }
0xc: {  	[smem:$0x3F9F] =	sst s4  }
0xd: {  	[smem:$0x3FA0] =	sst s5  }
0xe: {  	[smem:$0x3FA1] =	sst s6  }
0xf: {  	[smem:$0x3FA2] =	sst s7  }
0x10: {  	[smem:$0x3FA3] =	sst s8  }
0x11: {  	[smem:$0x3FA4] =	sst s9;
	s0 =	simm.s32 @!p0 $0x0  }
0x12: {  	s1 =	sld [smem:$0x3F8A];
	s0 =	simm.s32 @p0 $0x1  }
0x13: {  	[smem:$0x3FA5] =	sst s0;
	s0 =	simm.s32 @!p1 $0x0  }
0x14: {  	s2 =	sld [smem:$0x3F89];
	s0 =	simm.s32 @p1 $0x1  }
0x15: {  	[smem:$0x3FA6] =	sst s0;
	s0 =	simm.s32 @!p2 $0x0  }
0x16: {  	s3 =	sld [smem:$0x3FDB];
	s0 =	simm.s32 @p2 $0x1  }
0x17: {  	s4 =	simm.s32 $0x1BF5;
	[smem:$0x3FA8] =	sst s0  }
0x18: {  	s0 =	sld [smem:$0x3F8B];
	_ =	swait.ge [sflag:s4], $0x0  }
0x19: {  	s7 =	sld [smem:$0x3F8C]  }
0x1a: {  	s8 =	sadd.s32 $0xFFFFE003, lr  }
0x1b: {  	s9 =	sadd.s32 $0xFFFFFEF7, lr;
	s5 =	simm.s32 $0xFFFFFFFF;
	p2 =	slt.u32 s8, $0xFFFFF086  }
0x1c: {  	p1 =	slt.u32 s9, $0xF7A;
	s5 =	simm.s32 @!p2 $0x0  }
0x1d: {  	s5 =	simm.s32 @p1 $0x1;
	p0 =	seq.s32 s7, s2  }
0x1e: {  	s7 =	smul.u32 @!p0 $0xF7A, s2;
	p2 =	seq.s32 @!p0 s5, $0x0  }
0x1f: {  	s9 =	smul.u32 $0xF7A, s1;
	s8 =	simm.s32 @!p0 $0x1BF5;
	p2 =	por !p2, p0  }
0x20: {  	[sflag:s8] =	ssyncset.s32 @!p0 $0xFFFFF086;
	s6 =	sadd.s32 @!p0 s3, s7;
	s7 =	simm.s32 @!p0 $0x108  }
0x21: {  	s3 =	sadd.s32 s3, s9;
	s6 =	sadd.s32 @!p0 $0x88, s6;
	s7 =	simm.s32 @p2 $0x1082  }
0x22: {  	[simem:s7], [sflag:s8] =	dma.local @!p0 [hbm:s6], $0xF7A  }
0x23: {  	s9 =	sor.u32 $0xD0000000, s2;
	s6 =	simm.s32 $0x108;
	_ =	swait.ge @!p0 [sflag:s8], $0x0  }
0x24: {  	s3 =	sadd.s32 $0x88, s3;
	s6 =	simm.s32 @!p1 $0x1082;
	[sflag:s4] =	ssyncset.s32 $0xFFFFF086  }
0x25: {  	[simem:s6], [sflag:s4] =	dma.local [hbm:s3], $0xF7A  }
0x26: {  	[smem:$0x3F8C] =	sst s1;
	(tag) =	ssettag s2;
	_ =	strace s9  }
0x27: {  	s1 =	sld [smem:$0x3F9C]  }
0x28: {  	s2 =	sld [smem:$0x3F9D]  }
0x29: {  	s4 =	sld [smem:$0x3F9F]  }
0x2a: {  	p0 =	seq.s32 s5, $0x0;
	s5 =	sld [smem:$0x3FA0]  }
0x2b: {  	s6 =	sld [smem:$0x3FA1]  }
0x2c: {  	s7 =	sld [smem:$0x3FA2]  }
0x2d: {  	s3 =	simm.s32 $0x108;
	s8 =	sld [smem:$0x3FA3]  }
0x2e: {  	s3 =	simm.s32 @!p0 $0x1082;
	s9 =	sld [smem:$0x3FA4]  }
0x2f: {  	lr =	sadd.s32 s0, s3;
	s0 =	sld [smem:$0x3F9B]  }
0x30: {  	s3 =	sld [smem:$0x3F9E]  }
0x31: {  	[smem:$0x3FA7] =	sst s10  }
0x32: {  	s10 =	sld [smem:$0x3FA5];
	_ =	sdelay $0x3  }
0x33: {  	p0 =	seq.s32 s10, $0x1;
	s10 =	sld [smem:$0x3FA7];
	_ =	sdelay $0x3  }
0x34: {  	[smem:$0x3FA7] =	sst s10  }
0x35: {  	s10 =	sld [smem:$0x3FA6];
	_ =	sdelay $0x3  }
0x36: {  	p1 =	seq.s32 s10, $0x1;
	s10 =	sld [smem:$0x3FA7];
	_ =	sdelay $0x3  }
0x37: {  	[smem:$0x3FA7] =	sst s10  }
0x38: {  	s10 =	sld [smem:$0x3FA8]  }
0x39: {  	_ = 	snop;
	(pc) =	sbr.ind lr, $3  }
0x3a: {  	_ = 	snop  }
0x3b: {  	_ = 	snop  }
0x3c: {  	p2 =	seq.s32 s10, $0x1;
	s10 =	sld [smem:$0x3FA7]  }
0x3d: {  	_ =	shalt  }
0x3e: {  	_ =	shalt  }
0x3f: {  	_ =	shalt  }
0x40: {  	_ =	shalt  }
0x41: {  	_ =	shalt  }
0x42: {  	_ =	shalt  }
0x43: {  	_ =	shalt  }
0x44: {  	_ =	shalt  }
0x45: {  	_ =	shalt  }
0x46: {  	_ =	shalt  }
0x47: {  	_ =	shalt  }
0x48: {  	_ =	shalt  }
0x49: {  	_ =	shalt  }
0x4a: {  	_ =	shalt  }
0x4b: {  	_ =	shalt  }
0x4c: {  	_ =	shalt  }
0x4d: {  	_ =	shalt  }
0x4e: {  	_ =	shalt  }
0x4f: {  	_ =	shalt  }
0x50: {  	_ =	shalt  }
0x51: {  	_ =	shalt  }
0x52: {  	_ =	shalt  }
0x53: {  	_ =	shalt  }
0x54: {  	_ =	shalt  }
0x55: {  	_ =	shalt  }
0x56: {  	_ =	shalt  }
0x57: {  	_ =	shalt  }
0x58: {  	_ =	shalt  }
0x59: {  	_ =	shalt  }
0x5a: {  	_ =	shalt  }
0x5b: {  	_ =	shalt  }
0x5c: {  	_ =	shalt  }
0x5d: {  	_ =	shalt  }
0x5e: {  	_ =	shalt  }
0x5f: {  	_ =	shalt  }
0x60: {  	_ =	shalt  }
0x61: {  	_ =	shalt  }
0x62: {  	_ =	shalt  }
0x63: {  	_ =	shalt  }
0x64: {  	_ =	shalt  }
0x65: {  	_ =	shalt  }
0x66: {  	_ =	shalt  }
0x67: {  	_ =	shalt  }
0x68: {  	_ =	shalt  }
0x69: {  	_ =	shalt  }
0x6a: {  	_ =	shalt  }
0x6b: {  	_ =	shalt  }
0x6c: {  	_ =	shalt  }
0x6d: {  	_ =	shalt  }
0x6e: {  	_ =	shalt  }
0x6f: {  	_ =	shalt  }
0x70: {  	_ =	shalt  }
0x71: {  	_ =	shalt  }
0x72: {  	_ =	shalt  }
0x73: {  	_ =	shalt  }
0x74: {  	_ =	shalt  }
0x75: {  	_ =	shalt  }
0x76: {  	_ =	shalt  }
0x77: {  	_ =	shalt  }
0x78: {  	_ =	shalt  }
0x79: {  	_ =	shalt  }
0x7a: {  	_ =	shalt  }
0x7b: {  	_ =	shalt  }
0x7c: {  	_ =	shalt  }
0x7d: {  	_ =	shalt  }
0x7e: {  	_ =	shalt  }
0x7f: {  	_ =	shalt  }
0x80: {  	_ =	shalt  }
0x81: {  	_ =	shalt  }
0x82: {  	_ =	shalt  }
0x83: {  	_ =	shalt  }
0x84: {  	_ =	shalt  }
0x85: {  	_ =	shalt  }
0x86: {  	_ =	shalt  }
0x87: {  	_ =	shalt  }
.Lfunc_end0:
.L_simem_size_0:
called_computation.1_lowered:
.L_overlay_start_0:
0x88: {  	s2 =	sld [smem:$0x3FD9]  }
0x89: {  	s3 =	sld [smem:$0x3FFE];
	_ =	sdelay $0x1  }
0x8a: {  	s1 =	srdreg.scid  }
0x8b: {  	s0 =	sand.u32 $0x1, s1  }
0x8c: {  	s17 =	sshll.u32 s0, $0xA;
	s2 =	sadd.s32 s3, s2  }
0x8d: {  	s2 =	sadd.s32 s2, s17  }
0x8e: {  	[smem:$0x3FB3] =	sst s2  }
0x8f: {  	_ = 	snop  }
0x90: {  	s2 =	sld [smem:$0x3FD0];
	(tm) =	ssettm $0x1  }
0x91: {  	s18 =	sld [smem:$0x3FFB];
	_ =	sdelay $0x3  }
0x92: {  	_ =	strace s18  }
0x93: {  	s3 =	sld [smem:$0x3FFC];
	_ =	sdelay $0x3  }
0x94: {  	_ =	strace s3  }
0x95: {  	s3 =	sld [smem:$0x3FFD];
	_ =	sdelay $0x3  }
0x96: {  	_ =	strace s3  }
0x97: {  	_ =	strace $0x8FFFFFFF  }
0x98: {  	s19 =	sld [smem:$0x3FDB];
	_ =	sdelay $0x1  }
0x99: {  	s4 =	simm.s32 $_scs_section_size  }
0x9a: {  	s5 =	simm.s32 $_size__tile_overlayer_lowered;
	s6 =	simm.s32 $_tile_overlayer_lowered  }
0x9b: {  	s22 =	simm.s32 $0x1BFF;
	s21 =	sshll.u32 s6, $0x1;
	s3 =	sadd.s32 s4, s19  }
0x9c: {  	s7 =	simm.s32 $0x0;
	s20 =	sshll.u32 s5, $0x1;
	s5 =	sadd.s32 s21, s3  }
0x9d: {  	[timem:s7], [sflag:s22] =	dma.local [hbm:s5], s20  }
0x9e: {  	_ =	swait.ge [sflag:s22], s20  }
0x9f: {  	s4 =	ssub.s32 $0x0, s20;
	[sflag:s22] =	ssyncset.done $0x0  }
0xa0: {  	[sflag:s22] =	ssyncadd.s32 s4;
	_ =	sdelay $0x1  }
0xa1: {  	s23 =	simm.s32 $0x1B8B  }
0xa2: {  	_ =	swait.ge [sflag:s23], $0x1  }
0xa3: {  	[sflag:s23] =	ssyncset.done $0x0  }
0xa4: {  	s25 =	simm.s32 $0x1B8E;
	s24 =	sld [smem:$0x3FFE];
	[sflag:s23] =	ssyncadd.s32 $0xFFFFFFFF  }
0xa5: {  	s26 =	simm.s32 $execute0_lowered;
	[smem:$0x3FD2] =	sst s25  }
0xa6: {  	s5 =	sshll.u32 s26, $0x1;
	_ =	strace $0x80000049;
	[dreg:$0x1] =	wrdreg $0xFFFFFFFF  }
0xa7: {  	s28 =	simm.s32 $_size_execute0_lowered;
	s3 =	sadd.s32 s3, s5;
	[dreg:$0x0] =	wrdreg $0x0  }
0xa8: {  	s5 =	sshll.u32 s28, $0x1;
	[dreg:$0x2] =	wrdreg s3  }
0xa9: {  	[dreg:$0x3] =	wrdreg s5  }
0xaa: {  	[dreg:$0x4] =	wrdreg $0xC0  }
0xab: {  	_ =	task [dreg:s7], $0x5FFFF  }
0xac: {  	[dreg:$0x1] =	wrdreg $0xFFFFFFFF  }
0xad: {  	[dreg:$0x0] =	wrdreg $0x60  }
0xae: {  	[dreg:$0x2] =	wrdreg s24  }
0xaf: {  	[dreg:$0x3] =	wrdreg s2  }
0xb0: {  	[dreg:$0x4] =	wrdreg $0x82000  }
0xb1: {  	[dreg:$0x5] =	wrdreg $0x9  }
0xb2: {  	_ =	task.clear_ibuf [dreg:s7], $0x6FFFF;
	_ =	strace $0x90000049  }
0xb3: {  	s29 =	simm.s32 $0x9;
	_ =	strace $0x8000004B  }
0xb4: {  	_ =	swait.ge [sflag:s29], $0x1  }
0xb5: {  	[sflag:s29] =	ssyncadd.s32 $0xFFFFFFFF  }
0xb6: {  	_ =	strace $0x9000004B  }
0xb7: {  	_ =	sfence  }
0xb8: {  	s30 =	sld [smem:$0x0];
	_ =	sdelay $0x2  }
0xb9: {  	s31 =	sshll.u32 s1, $0xD;
	s1 =	sshrl.u32 s1, $0x2  }
0xba: {  	s3 =	sand.u32 $0x4000, s31;
	s1 =	sadd.s32 s1, s30  }
0xbb: {  	s0 =	sor.u32 s3, s0;
	s1 =	sshll.u32 s1, $0x11  }
0xbc: {  	s0 =	sor.u32 s1, s0  }
0xbd: {  	s0 =	sadd.s32 $0x8F2B, s0  }
0xbe: {  	[sflag:s0] =	ssyncadd.remote.s32 $0x1  }
0xbf: {  	_ =	sfence.sel $0xFFFF  }
0xc0: {  	[dreg:$0x0] =	wrdreg $0xFFFFFFFF;
	(pc) =	sbr.abs _section_cstart, $3  }
0xc1: {  	[dreg:$0x1] =	wrdreg $0xFFFFFFFF  }
0xc2: {  	_ =	task.clear_ibuf [dreg:s7], $0x2FFFF;
	_ =	strace $0x9FFFFFFF  }
0xc3: {  	(tm) =	ssettm $0x7FFFFFFF  }
tec
execute0_lowered:
.L_overlay_start_1:
0x0: {  	(tag) =	ssettag $0x1  }
0x1: {  	s5 =	rddreg [dreg:$0x0]  }
0x2: {  	s9 =	rddreg [dreg:$0x1]  }
0x3: {  	s2 =	rddreg [dreg:$0x2]  }
0x4: {  	s4 =	srdreg.scid;
	s0 =	stileid.u32;
	s3 =	simm.s32 $0x0  }
0x5: {  	s15 =	simm.s32 $0x98;
	s18 =	simm.s32 $0x200;
	s19 =	simm.s32 $0x3  }
0x6: {  	s20 =	simm.s32 $0x80;
	s21 =	simm.s32 $0x100;
	s22 =	simm.s32 $0x4200  }
0x7: {  	s23 =	simm.s32 $0x1;
	s24 =	simm.s32 $0x4;
	s7 =	smul.u32 $0x2800, s0  }
0x8: {  	s6 =	sand.u32 $0x1, s4;
	[smem:$0x7FF] =	sst s3;
	s28 =	smul.u32 $0x50000, s0  }
0x9: {  	s4 =	sadd.s32 $0xA9E00, s5;
	s29 =	sshll.u32 s0, $0x3;
	s8 =	smul.u32 $0x28000, s6  }
0xa: {  	_ =	strace $0x8000004A;
	s25 =	ssub.s32 $0x2, s6;
	p0 =	seq.s32 s6, $0x0  }
0xb: {  	s26 =	sshrl.u32 s25, $0x1;
	s30 =	sshrl.u32 s28, $0x2;
	s15 =	simm.s32 @!p0 $0x8  }
0xc: {  	s7 =	sadd.s32 s7, s8;
	s13 =	ssub.s32 s25, s26;
	s8 =	sor.u32 $0x980, s29  }
0xd: {  	s16 =	sshrl.u32 s15, $0x1;
	s14 =	sadd.s32 $0xFFFFFFFE, s15;
	s15 =	sadd.s32 $0xFFFFFFFD, s15  }
0xe: {  	s25 =	simm.s32 $0x2;
	s12 =	sadd.s32 s7, s5;
	s5 =	smul.u32 $0x98, s0  }
0xf: {  	s26 =	simm.s32 $0x180;
	s13 =	smax.u32 s13, $0x1;
	s16 =	sadd.s32 $0xFFFFFFFF, s16  }
0x10: {  	s12 =	sadd.s32 $0xD1E00, s12;
	s8 =	smov.u32 @p0 s5;
	s5 =	sadd.s32 s30, s2  }
0x11: {  	s31 =	sadd.s32 $0x4000, s5;
	s10 =	sshll.u32 s8, $0x5;
	s7 =	sadd.s32 $0x8000, s5  }
0x12: {  	s8 =	sadd.s32 $0xC000, s5;
	[dreg:$0x4] =	wrdreg s31;
	s9 =	sadd.s32 s9, s10  }
0x13: {  	v0 =	vimm.f32 $0.0e+00;
	s10 =	sadd.s32 $0x10000, s5;
	s11 =	sadd.s32 $0x20, s9;
	s17 =	sadd.s32 $0x60, s9  }
.LBB2_1:
0x14: {  	s28 =	simm.s32 $0x0;
	s29 =	simm.s32 $0x200  }
.LBB2_2:
0x15: {  	p0 =	sne.s32 s29, $0xFE00;
	[tilespmem:s28+$0x270] =	vst v0  }
0x16: {  	[tilespmem:s28+$0x200] =	vst v0  }
0x17: {  	[tilespmem:s28+$0x210] =	vst v0  }
.Ltmp0:
0x18: {  	[tilespmem:s28+$0x220] =	vst v0;
	(pc) =	sbr.rel @p0 .LBB2_2-.Ltmp0, $4  }
0x19: {  	[tilespmem:s28+$0x230] =	vst v0  }
0x1a: {  	[tilespmem:s28+$0x240] =	vst v0  }
0x1b: {  	[tilespmem:s28+$0x250] =	vst v0  }
0x1c: {  	[tilespmem:s28+$0x260] =	vst v0;
	s28 =	sshra.s32 s29, $0x2;
	s29 =	sadd.s32 $0x200, s29  }
0x1d: {  	[tilespmem:s28+$0x270] =	vst v0  }
0x1e: {  	[tilespmem:s28+$0x200] =	vst v0  }
0x1f: {  	[tilespmem:s28+$0x210] =	vst v0  }
0x20: {  	[tilespmem:s28+$0x220] =	vst v0  }
0x21: {  	[tilespmem:s28+$0x230] =	vst v0  }
0x22: {  	[tilespmem:s28+$0x240] =	vst v0  }
0x23: {  	[tilespmem:s28+$0x250] =	vst v0  }
0x24: {  	[tilespmem:s28+$0x260] =	vst v0  }
0x25: {  	[spmem:s5] =	stream.linear.scatter [tilespmem:s18], [sflag:$0x3], $0x4000, $0x38;
	[tilespmem:$0x1C200] =	vst v63  }
0x26: {  	_ =	swait.ge [sflag:s19], $0x4000  }
0x27: {  	[sflag:s19] =	ssyncset.done $0x0  }
0x28: {  	s0 =	rddreg [dreg:$0x4];
	[sflag:s19] =	ssyncadd.s32 $0xFFFFC000  }
0x29: {  	[spmem:s0] =	stream.linear.scatter [tilespmem:s18], [sflag:$0x3], $0x4000, $0x38;
	[tilespmem:$0x1C200] =	vst v63  }
0x2a: {  	_ =	swait.ge [sflag:s19], $0x4000  }
0x2b: {  	[sflag:s19] =	ssyncset.done $0x0  }
0x2c: {  	[sflag:s19] =	ssyncadd.s32 $0xFFFFC000  }
0x2d: {  	[spmem:s7] =	stream.linear.scatter [tilespmem:s18], [sflag:$0x3], $0x4000, $0x38;
	[tilespmem:$0x1C200] =	vst v63  }
0x2e: {  	_ =	swait.ge [sflag:s19], $0x4000  }
0x2f: {  	[sflag:s19] =	ssyncset.done $0x0  }
0x30: {  	[sflag:s19] =	ssyncadd.s32 $0xFFFFC000  }
0x31: {  	[spmem:s8] =	stream.linear.scatter [tilespmem:s18], [sflag:$0x3], $0x4000, $0x38;
	[tilespmem:$0x1C200] =	vst v63  }
0x32: {  	_ =	swait.ge [sflag:s19], $0x4000  }
0x33: {  	[sflag:s19] =	ssyncset.done $0x0  }
0x34: {  	[sflag:s19] =	ssyncadd.s32 $0xFFFFC000  }
0x35: {  	[spmem:s10] =	stream.linear.scatter [tilespmem:s18], [sflag:$0x3], $0x4000, $0x38;
	[tilespmem:$0x1C200] =	vst v63  }
0x36: {  	_ =	swait.ge [sflag:s19], $0x4000  }
0x37: {  	[sflag:s19] =	ssyncset.done $0x0  }
0x38: {  	[sflag:s19] =	ssyncadd.s32 $0xFFFFC000  }
0x39: {  	s28 =	simm.s32 $0x0;
	[bflag:$0x0] =	sbarrier.arrive $0xFFFF  }
0x3a: {  	[tilespmem:s28], [sflag:$0x3] =	stream.linear.gather [hbm4b:s9+s28], $0x100, $0x38;
	[tilespmem:$0x1C200] =	vst v63  }
0x3b: {  	_ =	swait.ge [sflag:s19], $0x100  }
0x3c: {  	[sflag:s19] =	ssyncset.done $0x0  }
0x3d: {  	[sflag:s19] =	ssyncadd.s32 $0xFFFFFF00  }
0x3e: {  	[tilespmem:s18], [sflag:$0x1] =	stream.indirect.gather [hbm4b:s4+s20], $0x80, s28, s20, $0xb8;
	[tilespmem:$0x1C200] =	vst v63  }
0x3f: {  	_ = 	snop  }
0x40: {  	[tilespmem:s21], [sflag:$0x3] =	stream.linear.gather [hbm4b:s11+s28], $0x100, $0x38;
	[tilespmem:$0x1C200] =	vst v63  }
0x41: {  	_ =	swait.ge [sflag:s19], $0x100  }
0x42: {  	[sflag:s19] =	ssyncset.done $0x0  }
0x43: {  	[sflag:s19] =	ssyncadd.s32 $0xFFFFFF00  }
0x44: {  	[tilespmem:s22], [sflag:$0x2] =	stream.indirect.gather [hbm4b:s4+s20], $0x80, s21, s20, $0xb8;
	[tilespmem:$0x1C200] =	vst v63  }
0x45: {  	_ =	swait.ge [sflag:s23], $0x4000  }
0x46: {  	[sflag:s23] =	ssyncset.done $0x0  }
0x47: {  	[sflag:s23] =	ssyncadd.s32 $0xFFFFC000  }
0x48: {  	[spmem:s2] =	stream.indirect.scatter.add.f32 [tilespmem:s18], [sflag:$0x4], $0x80, s20, s20, $0xb8;
	[tilespmem:$0x1C200] =	vst v63  }
0x49: {  	p0 =	sle.u32 s14, $0x0;
	_ =	swait.ge [sflag:s24], $0x4000  }
0x4a: {  	s29 =	sadd.s32 @!p0 $0xFFFFFFE0, s17;
	[sflag:s24] =	ssyncset.done $0x0  }
0x4b: {  	s30 =	simm.s32 @!p0 $0x0;
	s31 =	simm.s32 @!p0 $0x4;
	[sflag:s24] =	ssyncadd.s32 $0xFFFFC000  }
0x4c: {  	[tilespmem:s30], [sflag:$0x4] =	stream.linear.gather @!p0 [hbm4b:s29+s30], $0x100, $0x38;
	[tilespmem:$0x1C200] =	vst v63  }
0x4d: {  	_ =	swait.ge @!p0 [sflag:s31], $0x100  }
0x4e: {  	[sflag:s31] =	ssyncset.done @!p0 $0x0  }
0x4f: {  	s29 =	simm.s32 @!p0 $0x80;
	[sflag:s31] =	ssyncadd.s32 @!p0 $0xFFFFFF00;
	s31 =	simm.s32 @!p0 $0x200  }
0x50: {  	[tilespmem:s31], [sflag:$0x1] =	stream.indirect.gather @!p0 [hbm4b:s4+s29], $0x80, s30, s29, $0xb8;
	[tilespmem:$0x1C200] =	vst v63  }
0x51: {  	_ =	swait.ge [sflag:s25], $0x4000  }
0x52: {  	[sflag:s25] =	ssyncset.done $0x0  }
0x53: {  	s30 =	sadd.s32 $0xFFFFFFFF, s16;
	[sflag:s25] =	ssyncadd.s32 $0xFFFFC000  }
0x54: {  	[spmem:s2] =	stream.indirect.scatter.add.f32 [tilespmem:s22], [sflag:$0x4], $0x80, s26, s20, $0xb8;
	[tilespmem:$0x1C200] =	vst v63  }
0x55: {  	p0 =	sne.s32 s30, $0x0;
	_ =	swait.ge [sflag:s24], $0x4000  }
.Ltmp1:
0x56: {  	p1 =	sle.u32 s15, $0x0;
	[sflag:s24] =	ssyncset.done $0x0;
	(pc) =	sbr.rel @!p0 .LBB2_5-.Ltmp1, $4  }
0x57: {  	s29 =	simm.s32 @!p1 $0x0;
	s31 =	simm.s32 @!p1 $0x100;
	[sflag:s24] =	ssyncadd.s32 $0xFFFFC000  }
0x58: {  	[tilespmem:s31], [sflag:$0x3] =	stream.linear.gather @!p1 [hbm4b:s17+s29], $0x100, $0x38;
	[tilespmem:$0x1C200] =	vst v63  }
0x59: {  	s31 =	simm.s32 @!p1 $0x3  }
0x5a: {  	s29 =	sadd.s32 $0x40, s17;
	_ =	swait.ge @!p1 [sflag:s31], $0x100  }
.LBB2_4:
0x5b: {  	s30 =	sadd.s32 $0xFFFFFFFF, s30;
	[sflag:s31] =	ssyncset.done @!p1 $0x0;
	s28 =	sadd.s32 $0x2, s28  }
0x5c: {  	p0 =	sne.s32 s30, $0x0;
	[sflag:s31] =	ssyncadd.s32 @!p1 $0xFFFFFF00  }
0x5d: {  	[tilespmem:s22], [sflag:$0x2] =	stream.indirect.gather [hbm4b:s4+s20], $0x80, s21, s20, $0xb8;
	[tilespmem:$0x1C200] =	vst v63  }
0x5e: {  	_ =	swait.ge [sflag:s23], $0x4000  }
0x5f: {  	[sflag:s23] =	ssyncset.done $0x0  }
0x60: {  	[sflag:s23] =	ssyncadd.s32 $0xFFFFC000  }
0x61: {  	[spmem:s2] =	stream.indirect.scatter.add.f32 [tilespmem:s18], [sflag:$0x4], $0x80, s20, s20, $0xb8;
	[tilespmem:$0x1C200] =	vst v63  }
0x62: {  	p1 =	sge.u32 s28, s14;
	_ =	swait.ge [sflag:s24], $0x4000  }
0x63: {  	s31 =	sadd.s32 @!p1 $0xFFFFFFE0, s29;
	s0 =	simm.s32 @!p1 $0x0;
	[sflag:s24] =	ssyncset.done $0x0  }
0x64: {  	s1 =	simm.s32 @!p1 $0x4;
	[sflag:s24] =	ssyncadd.s32 $0xFFFFC000  }
0x65: {  	[tilespmem:s0], [sflag:$0x4] =	stream.linear.gather @!p1 [hbm4b:s31+s0], $0x100, $0x38;
	[tilespmem:$0x1C200] =	vst v63  }
0x66: {  	_ =	swait.ge @!p1 [sflag:s1], $0x100  }
0x67: {  	s6 =	simm.s32 @!p1 $0x200;
	s31 =	simm.s32 @!p1 $0x80;
	[sflag:s1] =	ssyncset.done @!p1 $0x0  }
0x68: {  	[sflag:s1] =	ssyncadd.s32 @!p1 $0xFFFFFF00  }
0x69: {  	[tilespmem:s6], [sflag:$0x1] =	stream.indirect.gather @!p1 [hbm4b:s4+s31], $0x80, s0, s31, $0xb8;
	[tilespmem:$0x1C200] =	vst v63  }
0x6a: {  	_ =	swait.ge [sflag:s25], $0x4000  }
0x6b: {  	[sflag:s25] =	ssyncset.done $0x0  }
0x6c: {  	[sflag:s25] =	ssyncadd.s32 $0xFFFFC000  }
0x6d: {  	[spmem:s2] =	stream.indirect.scatter.add.f32 [tilespmem:s22], [sflag:$0x4], $0x80, s26, s20, $0xb8;
	[tilespmem:$0x1C200] =	vst v63  }
.Ltmp2:
0x6e: {  	p1 =	sge.u32 s28, s15;
	_ =	swait.ge [sflag:s24], $0x4000;
	(pc) =	sbr.rel @p0 .LBB2_4-.Ltmp2, $4  }
0x6f: {  	s0 =	simm.s32 @!p1 $0x0;
	s1 =	simm.s32 @!p1 $0x100;
	[sflag:s24] =	ssyncset.done $0x0  }
0x70: {  	s31 =	simm.s32 @!p1 $0x3;
	[sflag:s24] =	ssyncadd.s32 $0xFFFFC000  }
0x71: {  	[tilespmem:s1], [sflag:$0x3] =	stream.linear.gather @!p1 [hbm4b:s29+s0], $0x100, $0x38;
	[tilespmem:$0x1C200] =	vst v63  }
0x72: {  	s29 =	sadd.s32 $0x40, s29;
	_ =	swait.ge @!p1 [sflag:s31], $0x100  }
.LBB2_5:
0x73: {  	[sflag:s31] =	ssyncset.done @!p1 $0x0  }
0x74: {  	[sflag:s31] =	ssyncadd.s32 @!p1 $0xFFFFFF00  }
0x75: {  	[tilespmem:s22], [sflag:$0x2] =	stream.indirect.gather [hbm4b:s4+s20], $0x80, s21, s20, $0xb8;
	[tilespmem:$0x1C200] =	vst v63  }
0x76: {  	_ =	swait.ge [sflag:s23], $0x4000  }
0x77: {  	[sflag:s23] =	ssyncset.done $0x0  }
0x78: {  	[sflag:s23] =	ssyncadd.s32 $0xFFFFC000  }
0x79: {  	[spmem:s2] =	stream.indirect.scatter.add.f32 [tilespmem:s18], [sflag:$0x4], $0x80, s20, s20, $0xb8;
	[tilespmem:$0x1C200] =	vst v63  }
0x7a: {  	s0 =	sadd.s32 $0x2, s28;
	_ =	swait.ge [sflag:s24], $0x4000  }
0x7b: {  	p0 =	sge.u32 s0, s14;
	[sflag:s24] =	ssyncset.done $0x0  }
0x7c: {  	s1 =	sadd.s32 @!p0 $0xFFFFFFE0, s29;
	s6 =	simm.s32 @!p0 $0x0;
	[sflag:s24] =	ssyncadd.s32 $0xFFFFC000  }
0x7d: {  	[tilespmem:s6], [sflag:$0x4] =	stream.linear.gather @!p0 [hbm4b:s1+s6], $0x100, $0x38;
	[tilespmem:$0x1C200] =	vst v63  }
0x7e: {  	s1 =	simm.s32 @!p0 $0x4  }
0x7f: {  	_ =	swait.ge @!p0 [sflag:s1], $0x100  }
0x80: {  	[sflag:s1] =	ssyncset.done @!p0 $0x0  }
0x81: {  	s28 =	simm.s32 @!p0 $0x200;
	[sflag:s1] =	ssyncadd.s32 @!p0 $0xFFFFFF00;
	s1 =	simm.s32 @!p0 $0x80  }
0x82: {  	[tilespmem:s28], [sflag:$0x1] =	stream.indirect.gather @!p0 [hbm4b:s4+s1], $0x80, s6, s1, $0xb8;
	[tilespmem:$0x1C200] =	vst v63  }
0x83: {  	_ =	swait.ge [sflag:s25], $0x4000  }
0x84: {  	[sflag:s25] =	ssyncset.done $0x0  }
0x85: {  	[sflag:s25] =	ssyncadd.s32 $0xFFFFC000  }
0x86: {  	[spmem:s2] =	stream.indirect.scatter.add.f32 [tilespmem:s22], [sflag:$0x4], $0x80, s26, s20, $0xb8;
	[tilespmem:$0x1C200] =	vst v63  }
0x87: {  	_ =	swait.ge [sflag:s24], $0x4000  }
0x88: {  	p0 =	sge.u32 s0, s15;
	[sflag:s24] =	ssyncset.done $0x0  }
0x89: {  	s0 =	simm.s32 @!p0 $0x0;
	s1 =	simm.s32 @!p0 $0x100;
	[sflag:s24] =	ssyncadd.s32 $0xFFFFC000  }
0x8a: {  	[tilespmem:s1], [sflag:$0x3] =	stream.linear.gather @!p0 [hbm4b:s29+s0], $0x100, $0x38;
	[tilespmem:$0x1C200] =	vst v63  }
0x8b: {  	s0 =	simm.s32 @!p0 $0x3  }
0x8c: {  	s30 =	stileid.u32;
	_ =	swait.ge @!p0 [sflag:s0], $0x100  }
0x8d: {  	s3 =	sadd.s32 $0x1, s3;
	s31 =	sshrl.u32 s5, $0x3;
	[sflag:s0] =	ssyncset.done @!p0 $0x0  }
0x8e: {  	[sflag:s0] =	ssyncadd.s32 @!p0 $0xFFFFFF00;
	s0 =	sshll.u32 s30, $0x6;
	p0 =	sne.s32 s3, s13  }
.Ltmp3:
0x8f: {  	[bflag:$0x0] =	sbarrier.arrive $0xFFFF;
	s0 =	sor.u32 $0x1C03, s0;
	(pc) =	sbr.rel @p0 .LBB2_1-.Ltmp3, $4  }
0x90: {  	[hbm:s12], [sflag:s0] =	dma.local [spmem:s31], $0x2800  }
0x91: {  	_ =	swait.ge [sflag:s19], $0x2800  }
0x92: {  	[sflag:s19] =	ssyncset.done $0x0  }
0x93: {  	[sflag:s19] =	ssyncadd.s32 $0xFFFFD800  }
0x94: {  	_ =	sfence.sel $0x180000  }
0x95: {  	[bflag:$0x0] =	sbarrier.arrive $0xFFFF  }
0x96: {  	_ =	strace $0x9000004A  }
0x97: {  	s0 =	stileid.u32;
	[bflag:$0x2] =	sbarrier.arrive $0xFFFF  }
0x98: {  	p0 =	sne.s32 s0, $0x0;
	s0 =	rddreg [dreg:$0x3]  }
0x99: {  	s0 =	sadd.s32 @!p0 $0x100000, s0  }
0x9a: {  	[sflag:s0] =	ssyncadd.tile.s32 @!p0 $0x1;
	_ =	shalt  }
.Lfunc_end2:
_tile_overlayer_lowered:
.L_overlay_start_2:
0x9b: {  	(tag) =	ssettag $0x2  }
0x9c: {  	s0 =	rddreg [dreg:$0x0];
	s2 =	stileid.u32  }
0x9d: {  	s1 =	rddreg [dreg:$0x1];
	p0 =	sne.s32 s2, $0x0  }
0x9e: {  	s3 =	rddreg [dreg:$0x2];
	[bflag:$0x3] =	sbarrier.arrive $0xFFFF;
	s2 =	simm.s32 @!p0 $0x1C03  }
0x9f: {  	[timem:s3], [sflag:s2] =	dma.local @!p0 [hbm:s0], s1  }
0xa0: {  	s0 =	simm.s32 @!p0 $0x3  }
0xa1: {  	_ =	swait.ge @!p0 [sflag:s0], s1  }
0xa2: {  	s1 =	ssub.s32 @!p0 $0x0, s1;
	[sflag:s0] =	ssyncset.done @!p0 $0x0  }
0xa3: {  	[sflag:s0] =	ssyncadd.s32 @!p0 s1  }
0xa4: {  	[bflag:$0x3] =	sbarrier.arrive $0xFFFF  }
0xa5: {  	_ =	shalt  }

</sc_bundles>
